<compile_context>
chip_gen: v7x
topology: tpu7x:2x2x1
jax: 0.10.2.dev20260603
libtpu: 0.0.44.dev20260713+nightly
codegen_flags: <defaults>
</compile_context>

<pallas_src>
import jax
import jax.numpy as jnp
from jax import lax
from jax.experimental import pallas as pl
from jax.experimental.pallas import tpu as pltpu
from jax.experimental.pallas import tpu_sc as plsc

NC = 2
NS = 16
NW = NC * NS
CS = 80


def _make_segsum(n, d, nch, with_cnt=False):
    epw = nch * CS
    rw = (n // NS) // 8 * 8
    rem = n - NS * rw
    np1 = n + 1
    zr = 4 * CS
    mesh = plsc.VectorSubcoreMesh(core_axis_name="c", subcore_axis_name="s",
                                  num_cores=NC, num_subcores=NS)
    scratch = [
        pltpu.VMEM_SHARED((np1, d), jnp.float32),
        pltpu.VMEM((8, CS), jnp.int32),
        pltpu.VMEM((8, CS), jnp.int32),
        pltpu.VMEM((4 * CS, d), jnp.float32),
        pltpu.SemaphoreType.DMA,
        pltpu.SemaphoreType.DMA,
    ]

    def body(vals_hbm, src_hbm, dst_hbm, *rest):
        if with_cnt:
            out_hbm, outc_hbm, acc_sh, srcc, dstc, rows_v, gsem, isem = rest
        else:
            out_hbm, acc_sh, srcc, dstc, rows_v, gsem, isem = rest
        cid = lax.axis_index("c")
        sid = lax.axis_index("s")
        wid = sid * NC + cid

        z16 = jnp.zeros((16,), jnp.float32)
        dl = d // 16

        def zb(i, _):
            rows_v[i // dl, pl.ds((i % dl) * 16, 16)] = z16
            return 0
        lax.fori_loop(0, zr * dl, zb, 0)
        for t in range(rw // zr):
            pltpu.sync_copy(rows_v, acc_sh.at[pl.ds(sid * rw + t * zr, zr)])
        rz = rw - (rw // zr) * zr
        if rz:
            pltpu.sync_copy(rows_v.at[pl.ds(0, rz)],
                            acc_sh.at[pl.ds(sid * rw + rw - rz, rz)])

        @pl.when(sid == NS - 1)
        def _():
            pltpu.sync_copy(rows_v.at[pl.ds(0, rem + 1)],
                            acc_sh.at[pl.ds(NS * rw, rem + 1)])

        plsc.subcore_barrier()

        base = wid * epw

        def idx_copies(j):
            return (pltpu.make_async_copy(
                        src_hbm.at[pl.ds(base + j * CS, CS)], srcc.at[j % 8],
                        isem),
                    pltpu.make_async_copy(
                        dst_hbm.at[pl.ds(base + j * CS, CS)], dstc.at[j % 8],
                        isem))

        def gather(j):
            return pltpu.make_async_copy(
                vals_hbm.at[srcc.at[j % 8]],
                rows_v.at[pl.ds((j % 4) * CS, CS)], gsem)

        def scatter(j):
            pltpu.sync_copy(rows_v.at[pl.ds((j % 4) * CS, CS)],
                            acc_sh.at[dstc.at[j % 8]], add=True)

        for p in range(4):
            if p < nch:
                for cp in idx_copies(p):
                    cp.start()

        def step(j, _):
            for cp in idx_copies(j):
                cp.wait()
            gather(j).start()

            @pl.when(j > 2)
            def _():
                gather(j - 3).wait()
                scatter(j - 3)

            @pl.when(j + 4 < nch)
            def _():
                for cp in idx_copies(j + 4):
                    cp.start()
            return 0
        lax.fori_loop(0, nch, step, 0)

        if nch > 2:
            gather(nch - 3).wait()
            scatter(nch - 3)
        if nch > 1:
            gather(nch - 2).wait()
            scatter(nch - 2)
        gather(nch - 1).wait()
        scatter(nch - 1)

        plsc.subcore_barrier()

        pltpu.sync_copy(acc_sh.at[pl.ds(sid * rw, rw)],
                        out_hbm.at[cid, pl.ds(sid * rw, rw)])

        @pl.when(sid == NS - 1)
        def _():
            pltpu.sync_copy(acc_sh.at[pl.ds(NS * rw, rem)],
                            out_hbm.at[cid, pl.ds(NS * rw, rem)])

        if not with_cnt:
            return

        plsc.subcore_barrier()

        def zb2(i, _):
            rows_v[i // dl, pl.ds((i % dl) * 16, 16)] = z16
            return 0
        lax.fori_loop(0, zr * dl, zb2, 0)
        for t in range(rw // zr):
            pltpu.sync_copy(rows_v, acc_sh.at[pl.ds(sid * rw + t * zr, zr)])
        if rz:
            pltpu.sync_copy(rows_v.at[pl.ds(0, rz)],
                            acc_sh.at[pl.ds(sid * rw + rw - rz, rz)])

        @pl.when(sid == NS - 1)
        def _():
            pltpu.sync_copy(rows_v.at[pl.ds(0, rem + 1)],
                            acc_sh.at[pl.ds(NS * rw, rem + 1)])

        plsc.subcore_barrier()

        o16 = jnp.ones((16,), jnp.float32)

        def ob(i, _):
            rows_v[i // dl, pl.ds((i % dl) * 16, 16)] = o16
            return 0
        lax.fori_loop(0, CS * dl, ob, 0)

        def didx_copy(j):
            return pltpu.make_async_copy(
                dst_hbm.at[pl.ds(base + j * CS, CS)], dstc.at[j % 8], isem)

        def cscat(j):
            return pltpu.make_async_copy(
                rows_v.at[pl.ds(0, CS)], acc_sh.at[dstc.at[j % 8]], gsem)

        for p in range(4):
            if p < nch:
                didx_copy(p).start()

        def stepb(j, _):
            didx_copy(j).wait()
            pltpu.async_copy(rows_v.at[pl.ds(0, CS)],
                             acc_sh.at[dstc.at[j % 8]], gsem, add=True)

            @pl.when(j > 1)
            def _():
                cscat(j - 2).wait()

            @pl.when(j + 4 < nch)
            def _():
                didx_copy(j + 4).start()
            return 0
        lax.fori_loop(0, nch, stepb, 0)

        if nch > 1:
            cscat(nch - 2).wait()
        cscat(nch - 1).wait()

        plsc.subcore_barrier()

        pltpu.sync_copy(acc_sh.at[pl.ds(sid * rw, rw)],
                        outc_hbm.at[cid, pl.ds(sid * rw, rw)])

        @pl.when(sid == NS - 1)
        def _():
            pltpu.sync_copy(acc_sh.at[pl.ds(NS * rw, rem)],
                            outc_hbm.at[cid, pl.ds(NS * rw, rem)])

    out_type = [jax.ShapeDtypeStruct((NC, n, d), jnp.float32)]
    if with_cnt:
        out_type.append(jax.ShapeDtypeStruct((NC, n, d), jnp.float32))
        return pl.kernel(body, out_type=out_type, mesh=mesh,
                         scratch_types=scratch)
    return pl.kernel(body, out_type=out_type[0], mesh=mesh,
                     scratch_types=scratch)


def _dot_t(a, w):
    return lax.dot_general(a, w, (((1,), (1,)), ((), ())),
                           preferred_element_type=jnp.float32)


def _tc1_body(s1p, cntp, x, w1l, b1, w1r, w2l, h_out, g_out):
    s1 = s1p[0] + s1p[1]
    c = cntp[0, :, 0:1] + cntp[1, :, 0:1]
    inv = 1.0 / jnp.maximum(c, 1.0)
    t = _dot_t(s1 * inv, w1l[...]) + _dot_t(x[...], w1r[...]) + b1[...]
    h = jnp.maximum(t, 0.0)
    h_out[...] = h
    g_out[...] = _dot_t(h, w2l[...])


def _tc2_body(s2p, cntp, h, w2r, b2, out):
    s2 = s2p[0] + s2p[1]
    c = cntp[0, :, 0:1] + cntp[1, :, 0:1]
    inv = 1.0 / jnp.maximum(c, 1.0)
    out[...] = s2 * inv + _dot_t(h[...], w2r[...]) + b2[...]


def kernel(x, ei, W1_l, b1_l, W1_r, W2_l, b2_l, W2_r):
    n, d_in = x.shape
    e = ei.shape[1]
    hid = W1_l.shape[0]
    d_out = W2_l.shape[0]

    epc_s = NW * CS
    nch_s = -(-e // epc_s)
    pad_s = nch_s * epc_s - e
    if pad_s:
        src = jnp.concatenate([ei[0], jnp.zeros((pad_s,), jnp.int32)])
        dst = jnp.concatenate([ei[1], jnp.full((pad_s,), n, jnp.int32)])
    else:
        src, dst = ei[0], ei[1]

    s1p, cntp = _make_segsum(n, d_in, nch_s, with_cnt=True)(x, src, dst)

    blk = 2000
    grid = (n // blk,)
    full = lambda shape: pl.BlockSpec(shape, lambda i: tuple(0 for _ in shape))
    rows3 = lambda w: pl.BlockSpec((NC, blk, w), lambda i: (0, i, 0))
    rows2 = lambda w: pl.BlockSpec((blk, w), lambda i: (i, 0))

    h, g = pl.pallas_call(
        _tc1_body,
        grid=grid,
        in_specs=[rows3(d_in), rows3(d_in), rows2(d_in),
                  full((hid, d_in)), full((1, hid)), full((hid, d_in)),
                  full((d_out, hid))],
        out_specs=[rows2(hid), rows2(d_out)],
        out_shape=[jax.ShapeDtypeStruct((n, hid), jnp.float32),
                   jax.ShapeDtypeStruct((n, d_out), jnp.float32)],
    )(s1p, cntp, x, W1_l, b1_l.reshape(1, -1), W1_r, W2_l)

    s2p = _make_segsum(n, d_out, nch_s)(g, src, dst)

    out = pl.pallas_call(
        _tc2_body,
        grid=grid,
        in_specs=[rows3(d_out), rows3(d_in), rows2(hid),
                  full((d_out, hid)), full((1, d_out))],
        out_specs=rows2(d_out),
        out_shape=jax.ShapeDtypeStruct((n, d_out), jnp.float32),
    )(s2p, cntp, h, W2_r, b2_l.reshape(1, -1))
    return out

# --- scband reference (transcript-rebuilt; emitter-appended) ---
"""Pipeline reference for scband-graph-sage-42863773614381 (READ-ONLY COPY).

The authoritative reference and input builder live on the scoring server;
editing this copy changes nothing except your own understanding.
"""

import jax, jax.numpy as jnp
import numpy as np

N = 10000
E = 320000
IN_CH = 128
HIDDEN = 256
OUT_CH = 128


def _glorot(key, shape):
    fan_in = shape[1]
    return jax.random.normal(key, shape, dtype=jnp.float32) * (1.0 / np.sqrt(fan_in))


def setup_inputs(seed: int = 0) -> dict:
    key = jax.random.key(seed)
    ks = jax.random.split(key, 8)
    x = jax.random.normal(ks[0], (N, IN_CH), dtype=jnp.float32)
    ei = jax.random.randint(ks[1], (2, E), 0, N, dtype=jnp.int32)
    # SAGEConv layer 1: lin_l (neighbors, with bias), lin_r (root, no bias)
    W1_l = _glorot(ks[2], (HIDDEN, IN_CH))
    b1_l = jnp.zeros((HIDDEN,), dtype=jnp.float32)
    W1_r = _glorot(ks[3], (HIDDEN, IN_CH))
    # SAGEConv layer 2
    W2_l = _glorot(ks[4], (OUT_CH, HIDDEN))
    b2_l = jnp.zeros((OUT_CH,), dtype=jnp.float32)
    W2_r = _glorot(ks[5], (OUT_CH, HIDDEN))
    return {"x": x, "ei": ei, "W1_l": W1_l, "b1_l": b1_l, "W1_r": W1_r,
            "W2_l": W2_l, "b2_l": b2_l, "W2_r": W2_r}


def _sage_conv(x, ei, W_l, b_l, W_r):
    # PyG SAGEConv (aggr='mean'): out = lin_l(mean_{j in N(i)} x_j) + lin_r(x_i)
    src = ei[0]
    dst = ei[1]
    msgs = jnp.take(x, src, axis=0)                      # gather: [E, d]
    agg = jax.ops.segment_sum(msgs, dst, num_segments=N)  # scatter-add: [N, d]
    cnt = jax.ops.segment_sum(jnp.ones((msgs.shape[0], 1), dtype=x.dtype), dst, num_segments=N)
    agg = agg / jnp.maximum(cnt, 1.0)                     # mean (0 for isolated nodes)
    return agg @ W_l.T + b_l + x @ W_r.T


def reference(x, ei, W1_l, b1_l, W1_r, W2_l, b2_l, W2_r):
    h = jax.nn.relu(_sage_conv(x, ei, W1_l, b1_l, W1_r))
    # dropout p=0.3 is identity in eval mode (self.training == False)
    out = _sage_conv(h, ei, W2_l, b2_l, W2_r)
    return out

if __name__ == "__main__":
    import jax
    _d = setup_inputs()
    print(jax.jit(kernel)(*tuple(_d.values())))

</pallas_src>

<mosaic_0001>
#map = affine_map<(d0, d1) -> (0, 0)>
#map1 = affine_map<(d0, d1) -> (0)>
#map2 = affine_map<(d0, d1) -> (0, 0, 0)>
module attributes {stable_mosaic.version = 14 : i64} {
  func.func @body(%arg0: i32, %arg1: i32, %arg2: memref<10000x128xf32, #tpu.memory_space<hbm>>, %arg3: memref<320000xi32, #tpu.memory_space<hbm>>, %arg4: memref<320000xi32, #tpu.memory_space<hbm>>, %arg5: memref<2x10000x128xf32, #tpu.memory_space<hbm>>, %arg6: memref<2x10000x128xf32, #tpu.memory_space<hbm>>, %arg7: memref<10001x128xf32, #tpu.memory_space<vmem_shared>>, %arg8: memref<8x80xi32, #tpu.memory_space<vmem>>, %arg9: memref<8x80xi32, #tpu.memory_space<vmem>>, %arg10: memref<320x128xf32, #tpu.memory_space<vmem>>, %arg11: memref<!tpu.dma_semaphore, #tpu.memory_space<semaphore_mem>>, %arg12: memref<!tpu.dma_semaphore, #tpu.memory_space<semaphore_mem>>) attributes {dimension_semantics = [#tpu.dimension_semantics<core_parallel>, #tpu.dimension_semantics<subcore_parallel>], iteration_bounds = array<i64: 2, 16>, scalar_prefetch = 0 : i64, scratch_operands = 6 : i64, tpu.core_type = #tpu.core_type<sc_vector_subcore>, window_params = [{transform_indices = #map}, {transform_indices = #map1}, {transform_indices = #map1}, {transform_indices = #map2}, {transform_indices = #map2}]} {
    %mul3A = arith.constant 2 : i32
    %mul3A_0 = arith.muli %arg1, %mul3A : i32
    %add3A = arith.addi %mul3A_0, %arg0 : i32
    %broadcast_in_dim3A = arith.constant 0.000000e+00 : f32
    %broadcast_in_dim3A_1 = vector.broadcast %broadcast_in_dim3A : f32 to vector<16xf32>
    %scan3A = arith.constant 0 : i32
    %scan3A_2 = arith.constant 0 : i32
    %scan3A_3 = arith.constant 2560 : i32
    %scan3A_4 = arith.addi %scan3A_2, %scan3A_3 : i32
    %scan3A_5 = arith.constant 1 : i32
    %scan3A_6 = scf.for %scan3A_270 = %scan3A_2 to %scan3A_4 step %scan3A_5 iter_args(%scan3A_271 = %scan3A) -> (i32)  : i32 {
      %jit3A = arith.constant 8 : i32
      %div3A = arith.divsi %scan3A_270, %jit3A : i32
      %sign3A = arith.constant 0 : i32
      %sign3A_272 = arith.cmpi sgt, %scan3A_270, %sign3A : i32
      %sign3A_273 = arith.extui %sign3A_272 : i1 to i32
      %sign3A_274 = arith.constant 0 : i32
      %sign3A_275 = arith.cmpi slt, %scan3A_270, %sign3A_274 : i32
      %sign3A_276 = arith.extui %sign3A_275 : i1 to i32
      %sign3A_277 = arith.subi %sign3A_273, %sign3A_276 : i32
      %sign3A_278 = arith.constant 0 : i32
      %sign3A_279 = arith.cmpi sgt, %jit3A, %sign3A_278 : i32
      %sign3A_280 = arith.extui %sign3A_279 : i1 to i32
      %sign3A_281 = arith.constant 0 : i32
      %sign3A_282 = arith.cmpi slt, %jit3A, %sign3A_281 : i32
      %sign3A_283 = arith.extui %sign3A_282 : i1 to i32
      %sign3A_284 = arith.subi %sign3A_280, %sign3A_283 : i32
      %ne3A = arith.cmpi ne, %sign3A_277, %sign3A_284 : i32
      %rem3A = arith.remsi %scan3A_270, %jit3A : i32
      %ne3A_285 = arith.constant 0 : i32
      %ne3A_286 = arith.cmpi ne, %rem3A, %ne3A_285 : i32
      %and3A = arith.andi %ne3A, %ne3A_286 : i1
      %sub3A_287 = arith.constant 1 : i32
      %sub3A_288 = arith.subi %div3A, %sub3A_287 : i32
      %select_n3A = arith.select %and3A, %sub3A_288, %div3A : i32
      %jit3A_289 = arith.constant 8 : i32
      %eq3A_290 = arith.constant 0 : i32
      %eq3A_291 = arith.cmpi eq, %jit3A_289, %eq3A_290 : i32
      %jit3A_292 = arith.constant 1 : i32
      %select_n3A_293 = arith.select %eq3A_291, %jit3A_292, %jit3A_289 : i32
      %rem3A_294 = arith.remsi %scan3A_270, %select_n3A_293 : i32
      %ne3A_295 = arith.constant 0 : i32
      %ne3A_296 = arith.cmpi ne, %rem3A_294, %ne3A_295 : i32
      %lt3A = arith.constant 0 : i32
      %lt3A_297 = arith.cmpi slt, %rem3A_294, %lt3A : i32
      %lt3A_298 = arith.constant 0 : i32
      %lt3A_299 = arith.cmpi slt, %select_n3A_293, %lt3A_298 : i32
      %ne3A_300 = arith.xori %lt3A_297, %lt3A_299 : i1
      %and3A_301 = arith.andi %ne3A_300, %ne3A_296 : i1
      %add3A_302 = arith.addi %rem3A_294, %select_n3A_293 : i32
      %select_n3A_303 = arith.select %and3A_301, %add3A_302, %rem3A_294 : i32
      %mul3A_304 = arith.constant 16 : i32
      %mul3A_305 = arith.muli %select_n3A_303, %mul3A_304 : i32
      %swap3A = arith.index_cast %select_n3A : i32 to index
      %swap3A_306 = arith.index_cast %mul3A_305 : i32 to index
      %swap3A_307 = tpu.vector_load %arg10[%swap3A, %swap3A_306] {strides = array<i32>} : memref<320x128xf32, #tpu.memory_space<vmem>>, vector<1x16xf32>,
      %swap3A_308 = vector.shape_cast %swap3A_307 : vector<1x16xf32> to vector<16xf32>
      %swap3A_309 = vector.shape_cast %broadcast_in_dim3A_1 : vector<16xf32> to vector<1x16xf32>
      tpu.vector_store %arg10[%swap3A, %swap3A_306], %swap3A_309 {strides = array<i32>} : memref<320x128xf32, #tpu.memory_space<vmem>>, vector<1x16xf32>,
      %scan3A_310 = arith.constant 0 : i32
      scf.yield %scan3A_310 : i32
    }
    %scan3A_7 = arith.constant 2560 : i32
    %mul3A_8 = arith.constant 624 : i32
    %mul3A_9 = arith.muli %arg1, %mul3A_8 : i32
    %add3A_10 = arith.constant 0 : i32
    %add3A_11 = arith.addi %mul3A_9, %add3A_10 : i32
    "tpu.region"() ({
      %run_scoped3A_270 = tpu.sem_alloc : memref<!tpu.dma_semaphore, #tpu.memory_space<semaphore_mem>>
      %dma_start3A_271 = arith.constant 0 : i32
      %dma_start3A_272 = tpu.memref_slice %arg7[%add3A_11, %dma_start3A_271] : memref<10001x128xf32, #tpu.memory_space<vmem_shared>> -> memref<320x128xf32, #tpu.memory_space<vmem_shared>>
      %dma_start3A_273 = arith.constant 0 : i32
      %dma_start3A_274 = tpu.memref_slice %arg7[%add3A_11, %dma_start3A_273] : memref<10001x128xf32, #tpu.memory_space<vmem_shared>> -> memref<320x128xf32, #tpu.memory_space<vmem_shared>>
      tpu.enqueue_dma source(%arg10 : memref<320x128xf32, #tpu.memory_space<vmem>>) target(%dma_start3A_274 : memref<320x128xf32, #tpu.memory_space<vmem_shared>>) target_semaphore(%run_scoped3A_270 : memref<!tpu.dma_semaphore, #tpu.memory_space<semaphore_mem>>)
      %dma_wait3A_275 = arith.constant 0 : i32
      %dma_wait3A_276 = tpu.memref_slice %arg7[%add3A_11, %dma_wait3A_275] : memref<10001x128xf32, #tpu.memory_space<vmem_shared>> -> memref<320x128xf32, #tpu.memory_space<vmem_shared>>
      %dma_wait3A_277 = arith.constant 0 : i32
      %dma_wait3A_278 = tpu.memref_slice %arg7[%add3A_11, %dma_wait3A_277] : memref<10001x128xf32, #tpu.memory_space<vmem_shared>> -> memref<320x128xf32, #tpu.memory_space<vmem_shared>>
      tpu.wait_dma2 semaphore(%run_scoped3A_270 : memref<!tpu.dma_semaphore, #tpu.memory_space<semaphore_mem>>) src(%arg10 : memref<320x128xf32, #tpu.memory_space<vmem>>) dst(%dma_wait3A_278 : memref<320x128xf32, #tpu.memory_space<vmem_shared>>)
      tpu.yield
    }) : () -> ()
    %mul3A_12 = arith.constant 624 : i32
    %mul3A_13 = arith.muli %arg1, %mul3A_12 : i32
    %add3A_14 = arith.constant 624 : i32
    %add3A_15 = arith.addi %mul3A_13, %add3A_14 : i32
    %sub3A = arith.constant 304 : i32
    %sub3A_16 = arith.subi %add3A_15, %sub3A : i32
    "tpu.region"() ({
      %run_scoped3A_270 = tpu.sem_alloc : memref<!tpu.dma_semaphore, #tpu.memory_space<semaphore_mem>>
      %dma_start3A_271 = arith.constant 0 : i32
      %dma_start3A_272 = arith.constant 0 : i32
      %dma_start3A_273 = tpu.memref_slice %arg10[%dma_start3A_271, %dma_start3A_272] : memref<320x128xf32, #tpu.memory_space<vmem>> -> memref<304x128xf32, #tpu.memory_space<vmem>>
      %dma_start3A_274 = arith.constant 0 : i32
      %dma_start3A_275 = tpu.memref_slice %arg7[%sub3A_16, %dma_start3A_274] : memref<10001x128xf32, #tpu.memory_space<vmem_shared>> -> memref<304x128xf32, #tpu.memory_space<vmem_shared>>
      %dma_start3A_276 = arith.constant 0 : i32
      %dma_start3A_277 = tpu.memref_slice %arg7[%sub3A_16, %dma_start3A_276] : memref<10001x128xf32, #tpu.memory_space<vmem_shared>> -> memref<304x128xf32, #tpu.memory_space<vmem_shared>>
      %dma_start3A_278 = arith.constant 0 : i32
      %dma_start3A_279 = arith.constant 0 : i32
      %dma_start3A_280 = tpu.memref_slice %arg10[%dma_start3A_278, %dma_start3A_279] : memref<320x128xf32, #tpu.memory_space<vmem>> -> memref<304x128xf32, #tpu.memory_space<vmem>>
      tpu.enqueue_dma source(%dma_start3A_280 : memref<304x128xf32, #tpu.memory_space<vmem>>) target(%dma_start3A_277 : memref<304x128xf32, #tpu.memory_space<vmem_shared>>) target_semaphore(%run_scoped3A_270 : memref<!tpu.dma_semaphore, #tpu.memory_space<semaphore_mem>>)
      %dma_wait3A_281 = arith.constant 0 : i32
      %dma_wait3A_282 = arith.constant 0 : i32
      %dma_wait3A_283 = tpu.memref_slice %arg10[%dma_wait3A_281, %dma_wait3A_282] : memref<320x128xf32, #tpu.memory_space<vmem>> -> memref<304x128xf32, #tpu.memory_space<vmem>>
      %dma_wait3A_284 = arith.constant 0 : i32
      %dma_wait3A_285 = tpu.memref_slice %arg7[%sub3A_16, %dma_wait3A_284] : memref<10001x128xf32, #tpu.memory_space<vmem_shared>> -> memref<304x128xf32, #tpu.memory_space<vmem_shared>>
      %dma_wait3A_286 = arith.constant 0 : i32
      %dma_wait3A_287 = tpu.memref_slice %arg7[%sub3A_16, %dma_wait3A_286] : memref<10001x128xf32, #tpu.memory_space<vmem_shared>> -> memref<304x128xf32, #tpu.memory_space<vmem_shared>>
      %dma_wait3A_288 = arith.constant 0 : i32
      %dma_wait3A_289 = arith.constant 0 : i32
      %dma_wait3A_290 = tpu.memref_slice %arg10[%dma_wait3A_288, %dma_wait3A_289] : memref<320x128xf32, #tpu.memory_space<vmem>> -> memref<304x128xf32, #tpu.memory_space<vmem>>
      tpu.wait_dma2 semaphore(%run_scoped3A_270 : memref<!tpu.dma_semaphore, #tpu.memory_space<semaphore_mem>>) src(%dma_wait3A_290 : memref<304x128xf32, #tpu.memory_space<vmem>>) dst(%dma_wait3A_287 : memref<304x128xf32, #tpu.memory_space<vmem_shared>>)
      tpu.yield
    }) : () -> ()
    %eq3A = arith.constant 15 : i32
    %eq3A_17 = arith.cmpi eq, %arg1, %eq3A : i32
    %convert_element_type3A = arith.extui %eq3A_17 : i1 to i32
    %cond3A = arith.constant 0 : i32
    %cond3A_18 = arith.cmpi ne, %convert_element_type3A, %cond3A : i32
    scf.if %cond3A_18 {
      "tpu.region"() ({
        %run_scoped3A_270 = tpu.sem_alloc : memref<!tpu.dma_semaphore, #tpu.memory_space<semaphore_mem>>
        %dma_start3A_271 = arith.constant 0 : i32
        %dma_start3A_272 = arith.constant 0 : i32
        %dma_start3A_273 = tpu.memref_slice %arg10[%dma_start3A_271, %dma_start3A_272] : memref<320x128xf32, #tpu.memory_space<vmem>> -> memref<17x128xf32, #tpu.memory_space<vmem>>
        %dma_start3A_274 = arith.constant 9984 : i32
        %dma_start3A_275 = arith.constant 0 : i32
        %dma_start3A_276 = tpu.memref_slice %arg7[%dma_start3A_274, %dma_start3A_275] : memref<10001x128xf32, #tpu.memory_space<vmem_shared>> -> memref<17x128xf32, #tpu.memory_space<vmem_shared>>
        %dma_start3A_277 = arith.constant 9984 : i32
        %dma_start3A_278 = arith.constant 0 : i32
        %dma_start3A_279 = tpu.memref_slice %arg7[%dma_start3A_277, %dma_start3A_278] : memref<10001x128xf32, #tpu.memory_space<vmem_shared>> -> memref<17x128xf32, #tpu.memory_space<vmem_shared>>
        %dma_start3A_280 = arith.constant 0 : i32
        %dma_start3A_281 = arith.constant 0 : i32
        %dma_start3A_282 = tpu.memref_slice %arg10[%dma_start3A_280, %dma_start3A_281] : memref<320x128xf32, #tpu.memory_space<vmem>> -> memref<17x128xf32, #tpu.memory_space<vmem>>
        tpu.enqueue_dma source(%dma_start3A_282 : memref<17x128xf32, #tpu.memory_space<vmem>>) target(%dma_start3A_279 : memref<17x128xf32, #tpu.memory_space<vmem_shared>>) target_semaphore(%run_scoped3A_270 : memref<!tpu.dma_semaphore, #tpu.memory_space<semaphore_mem>>)
        %dma_wait3A_283 = arith.constant 0 : i32
        %dma_wait3A_284 = arith.constant 0 : i32
        %dma_wait3A_285 = tpu.memref_slice %arg10[%dma_wait3A_283, %dma_wait3A_284] : memref<320x128xf32, #tpu.memory_space<vmem>> -> memref<17x128xf32, #tpu.memory_space<vmem>>
        %dma_wait3A_286 = arith.constant 9984 : i32
        %dma_wait3A_287 = arith.constant 0 : i32
        %dma_wait3A_288 = tpu.memref_slice %arg7[%dma_wait3A_286, %dma_wait3A_287] : memref<10001x128xf32, #tpu.memory_space<vmem_shared>> -> memref<17x128xf32, #tpu.memory_space<vmem_shared>>
        %dma_wait3A_289 = arith.constant 9984 : i32
        %dma_wait3A_290 = arith.constant 0 : i32
        %dma_wait3A_291 = tpu.memref_slice %arg7[%dma_wait3A_289, %dma_wait3A_290] : memref<10001x128xf32, #tpu.memory_space<vmem_shared>> -> memref<17x128xf32, #tpu.memory_space<vmem_shared>>
        %dma_wait3A_292 = arith.constant 0 : i32
        %dma_wait3A_293 = arith.constant 0 : i32
        %dma_wait3A_294 = tpu.memref_slice %arg10[%dma_wait3A_292, %dma_wait3A_293] : memref<320x128xf32, #tpu.memory_space<vmem>> -> memref<17x128xf32, #tpu.memory_space<vmem>>
        tpu.wait_dma2 semaphore(%run_scoped3A_270 : memref<!tpu.dma_semaphore, #tpu.memory_space<semaphore_mem>>) src(%dma_wait3A_294 : memref<17x128xf32, #tpu.memory_space<vmem>>) dst(%dma_wait3A_291 : memref<17x128xf32, #tpu.memory_space<vmem_shared>>)
        tpu.yield
      }) : () -> ()
    } else {
    }
    %barrier3A = arith.constant 0 : index
    tpu.barrier barrier_id(%barrier3A)
    %mul3A_19 = arith.constant 10000 : i32
    %mul3A_20 = arith.muli %add3A, %mul3A_19 : i32
    %add3A_21 = arith.constant 0 : i32
    %add3A_22 = arith.addi %mul3A_20, %add3A_21 : i32
    %add3A_23 = arith.constant 0 : i32
    %add3A_24 = arith.addi %mul3A_20, %add3A_23 : i32
    %dma_start3A = arith.constant 0 : i32
    %dma_start3A_25 = arith.constant 0 : i32
    %dma_start3A_26 = tpu.memref_slice %arg8[%dma_start3A, %dma_start3A_25] : memref<8x80xi32, #tpu.memory_space<vmem>> -> memref<1x80xi32, #tpu.memory_space<vmem>>
    %dma_start3A_27 = tpu.memref_squeeze %dma_start3A_26 : memref<1x80xi32, #tpu.memory_space<vmem>> -> memref<80xi32, #tpu.memory_space<vmem>>
    %dma_start3A_28 = tpu.memref_slice %arg3[%add3A_22] : memref<320000xi32, #tpu.memory_space<hbm>> -> memref<80xi32, #tpu.memory_space<hbm>>
    %dma_start3A_29 = arith.constant 0 : i32
    %dma_start3A_30 = tpu.memref_slice %arg8[%dma_start3A, %dma_start3A_29] : memref<8x80xi32, #tpu.memory_space<vmem>> -> memref<1x80xi32, #tpu.memory_space<vmem>>
    %dma_start3A_31 = tpu.memref_squeeze %dma_start3A_30 : memref<1x80xi32, #tpu.memory_space<vmem>> -> memref<80xi32, #tpu.memory_space<vmem>>
    %dma_start3A_32 = tpu.memref_slice %arg3[%add3A_22] : memref<320000xi32, #tpu.memory_space<hbm>> -> memref<80xi32, #tpu.memory_space<hbm>>
    tpu.enqueue_dma source(%dma_start3A_32 : memref<80xi32, #tpu.memory_space<hbm>>) target(%dma_start3A_31 : memref<80xi32, #tpu.memory_space<vmem>>) target_semaphore(%arg12 : memref<!tpu.dma_semaphore, #tpu.memory_space<semaphore_mem>>)
    %dma_start3A_33 = arith.constant 0 : i32
    %dma_start3A_34 = arith.constant 0 : i32
    %dma_start3A_35 = tpu.memref_slice %arg9[%dma_start3A_33, %dma_start3A_34] : memref<8x80xi32, #tpu.memory_space<vmem>> -> memref<1x80xi32, #tpu.memory_space<vmem>>
    %dma_start3A_36 = tpu.memref_squeeze %dma_start3A_35 : memref<1x80xi32, #tpu.memory_space<vmem>> -> memref<80xi32, #tpu.memory_space<vmem>>
    %dma_start3A_37 = tpu.memref_slice %arg4[%add3A_24] : memref<320000xi32, #tpu.memory_space<hbm>> -> memref<80xi32, #tpu.memory_space<hbm>>
    %dma_start3A_38 = arith.constant 0 : i32
    %dma_start3A_39 = tpu.memref_slice %arg9[%dma_start3A_33, %dma_start3A_38] : memref<8x80xi32, #tpu.memory_space<vmem>> -> memref<1x80xi32, #tpu.memory_space<vmem>>
    %dma_start3A_40 = tpu.memref_squeeze %dma_start3A_39 : memref<1x80xi32, #tpu.memory_space<vmem>> -> memref<80xi32, #tpu.memory_space<vmem>>
    %dma_start3A_41 = tpu.memref_slice %arg4[%add3A_24] : memref<320000xi32, #tpu.memory_space<hbm>> -> memref<80xi32, #tpu.memory_space<hbm>>
    tpu.enqueue_dma source(%dma_start3A_41 : memref<80xi32, #tpu.memory_space<hbm>>) target(%dma_start3A_40 : memref<80xi32, #tpu.memory_space<vmem>>) target_semaphore(%arg12 : memref<!tpu.dma_semaphore, #tpu.memory_space<semaphore_mem>>)
    %add3A_42 = arith.constant 80 : i32
    %add3A_43 = arith.addi %mul3A_20, %add3A_42 : i32
    %add3A_44 = arith.constant 80 : i32
    %add3A_45 = arith.addi %mul3A_20, %add3A_44 : i32
    %dma_start3A_46 = arith.constant 1 : i32
    %dma_start3A_47 = arith.constant 0 : i32
    %dma_start3A_48 = tpu.memref_slice %arg8[%dma_start3A_46, %dma_start3A_47] : memref<8x80xi32, #tpu.memory_space<vmem>> -> memref<1x80xi32, #tpu.memory_space<vmem>>
    %dma_start3A_49 = tpu.memref_squeeze %dma_start3A_48 : memref<1x80xi32, #tpu.memory_space<vmem>> -> memref<80xi32, #tpu.memory_space<vmem>>
    %dma_start3A_50 = tpu.memref_slice %arg3[%add3A_43] : memref<320000xi32, #tpu.memory_space<hbm>> -> memref<80xi32, #tpu.memory_space<hbm>>
    %dma_start3A_51 = arith.constant 0 : i32
    %dma_start3A_52 = tpu.memref_slice %arg8[%dma_start3A_46, %dma_start3A_51] : memref<8x80xi32, #tpu.memory_space<vmem>> -> memref<1x80xi32, #tpu.memory_space<vmem>>
    %dma_start3A_53 = tpu.memref_squeeze %dma_start3A_52 : memref<1x80xi32, #tpu.memory_space<vmem>> -> memref<80xi32, #tpu.memory_space<vmem>>
    %dma_start3A_54 = tpu.memref_slice %arg3[%add3A_43] : memref<320000xi32, #tpu.memory_space<hbm>> -> memref<80xi32, #tpu.memory_space<hbm>>
    tpu.enqueue_dma source(%dma_start3A_54 : memref<80xi32, #tpu.memory_space<hbm>>) target(%dma_start3A_53 : memref<80xi32, #tpu.memory_space<vmem>>) target_semaphore(%arg12 : memref<!tpu.dma_semaphore, #tpu.memory_space<semaphore_mem>>)
    %dma_start3A_55 = arith.constant 1 : i32
    %dma_start3A_56 = arith.constant 0 : i32
    %dma_start3A_57 = tpu.memref_slice %arg9[%dma_start3A_55, %dma_start3A_56] : memref<8x80xi32, #tpu.memory_space<vmem>> -> memref<1x80xi32, #tpu.memory_space<vmem>>
    %dma_start3A_58 = tpu.memref_squeeze %dma_start3A_57 : memref<1x80xi32, #tpu.memory_space<vmem>> -> memref<80xi32, #tpu.memory_space<vmem>>
    %dma_start3A_59 = tpu.memref_slice %arg4[%add3A_45] : memref<320000xi32, #tpu.memory_space<hbm>> -> memref<80xi32, #tpu.memory_space<hbm>>
    %dma_start3A_60 = arith.constant 0 : i32
    %dma_start3A_61 = tpu.memref_slice %arg9[%dma_start3A_55, %dma_start3A_60] : memref<8x80xi32, #tpu.memory_space<vmem>> -> memref<1x80xi32, #tpu.memory_space<vmem>>
    %dma_start3A_62 = tpu.memref_squeeze %dma_start3A_61 : memref<1x80xi32, #tpu.memory_space<vmem>> -> memref<80xi32, #tpu.memory_space<vmem>>
    %dma_start3A_63 = tpu.memref_slice %arg4[%add3A_45] : memref<320000xi32, #tpu.memory_space<hbm>> -> memref<80xi32, #tpu.memory_space<hbm>>
    tpu.enqueue_dma source(%dma_start3A_63 : memref<80xi32, #tpu.memory_space<hbm>>) target(%dma_start3A_62 : memref<80xi32, #tpu.memory_space<vmem>>) target_semaphore(%arg12 : memref<!tpu.dma_semaphore, #tpu.memory_space<semaphore_mem>>)
    %add3A_64 = arith.constant 160 : i32
    %add3A_65 = arith.addi %mul3A_20, %add3A_64 : i32
    %add3A_66 = arith.constant 160 : i32
    %add3A_67 = arith.addi %mul3A_20, %add3A_66 : i32
    %dma_start3A_68 = arith.constant 2 : i32
    %dma_start3A_69 = arith.constant 0 : i32
    %dma_start3A_70 = tpu.memref_slice %arg8[%dma_start3A_68, %dma_start3A_69] : memref<8x80xi32, #tpu.memory_space<vmem>> -> memref<1x80xi32, #tpu.memory_space<vmem>>
    %dma_start3A_71 = tpu.memref_squeeze %dma_start3A_70 : memref<1x80xi32, #tpu.memory_space<vmem>> -> memref<80xi32, #tpu.memory_space<vmem>>
    %dma_start3A_72 = tpu.memref_slice %arg3[%add3A_65] : memref<320000xi32, #tpu.memory_space<hbm>> -> memref<80xi32, #tpu.memory_space<hbm>>
    %dma_start3A_73 = arith.constant 0 : i32
    %dma_start3A_74 = tpu.memref_slice %arg8[%dma_start3A_68, %dma_start3A_73] : memref<8x80xi32, #tpu.memory_space<vmem>> -> memref<1x80xi32, #tpu.memory_space<vmem>>
    %dma_start3A_75 = tpu.memref_squeeze %dma_start3A_74 : memref<1x80xi32, #tpu.memory_space<vmem>> -> memref<80xi32, #tpu.memory_space<vmem>>
    %dma_start3A_76 = tpu.memref_slice %arg3[%add3A_65] : memref<320000xi32, #tpu.memory_space<hbm>> -> memref<80xi32, #tpu.memory_space<hbm>>
    tpu.enqueue_dma source(%dma_start3A_76 : memref<80xi32, #tpu.memory_space<hbm>>) target(%dma_start3A_75 : memref<80xi32, #tpu.memory_space<vmem>>) target_semaphore(%arg12 : memref<!tpu.dma_semaphore, #tpu.memory_space<semaphore_mem>>)
    %dma_start3A_77 = arith.constant 2 : i32
    %dma_start3A_78 = arith.constant 0 : i32
    %dma_start3A_79 = tpu.memref_slice %arg9[%dma_start3A_77, %dma_start3A_78] : memref<8x80xi32, #tpu.memory_space<vmem>> -> memref<1x80xi32, #tpu.memory_space<vmem>>
    %dma_start3A_80 = tpu.memref_squeeze %dma_start3A_79 : memref<1x80xi32, #tpu.memory_space<vmem>> -> memref<80xi32, #tpu.memory_space<vmem>>
    %dma_start3A_81 = tpu.memref_slice %arg4[%add3A_67] : memref<320000xi32, #tpu.memory_space<hbm>> -> memref<80xi32, #tpu.memory_space<hbm>>
    %dma_start3A_82 = arith.constant 0 : i32
    %dma_start3A_83 = tpu.memref_slice %arg9[%dma_start3A_77, %dma_start3A_82] : memref<8x80xi32, #tpu.memory_space<vmem>> -> memref<1x80xi32, #tpu.memory_space<vmem>>
    %dma_start3A_84 = tpu.memref_squeeze %dma_start3A_83 : memref<1x80xi32, #tpu.memory_space<vmem>> -> memref<80xi32, #tpu.memory_space<vmem>>
    %dma_start3A_85 = tpu.memref_slice %arg4[%add3A_67] : memref<320000xi32, #tpu.memory_space<hbm>> -> memref<80xi32, #tpu.memory_space<hbm>>
    tpu.enqueue_dma source(%dma_start3A_85 : memref<80xi32, #tpu.memory_space<hbm>>) target(%dma_start3A_84 : memref<80xi32, #tpu.memory_space<vmem>>) target_semaphore(%arg12 : memref<!tpu.dma_semaphore, #tpu.memory_space<semaphore_mem>>)
    %add3A_86 = arith.constant 240 : i32
    %add3A_87 = arith.addi %mul3A_20, %add3A_86 : i32
    %add3A_88 = arith.constant 240 : i32
    %add3A_89 = arith.addi %mul3A_20, %add3A_88 : i32
    %dma_start3A_90 = arith.constant 3 : i32
    %dma_start3A_91 = arith.constant 0 : i32
    %dma_start3A_92 = tpu.memref_slice %arg8[%dma_start3A_90, %dma_start3A_91] : memref<8x80xi32, #tpu.memory_space<vmem>> -> memref<1x80xi32, #tpu.memory_space<vmem>>
    %dma_start3A_93 = tpu.memref_squeeze %dma_start3A_92 : memref<1x80xi32, #tpu.memory_space<vmem>> -> memref<80xi32, #tpu.memory_space<vmem>>
    %dma_start3A_94 = tpu.memref_slice %arg3[%add3A_87] : memref<320000xi32, #tpu.memory_space<hbm>> -> memref<80xi32, #tpu.memory_space<hbm>>
    %dma_start3A_95 = arith.constant 0 : i32
    %dma_start3A_96 = tpu.memref_slice %arg8[%dma_start3A_90, %dma_start3A_95] : memref<8x80xi32, #tpu.memory_space<vmem>> -> memref<1x80xi32, #tpu.memory_space<vmem>>
    %dma_start3A_97 = tpu.memref_squeeze %dma_start3A_96 : memref<1x80xi32, #tpu.memory_space<vmem>> -> memref<80xi32, #tpu.memory_space<vmem>>
    %dma_start3A_98 = tpu.memref_slice %arg3[%add3A_87] : memref<320000xi32, #tpu.memory_space<hbm>> -> memref<80xi32, #tpu.memory_space<hbm>>
    tpu.enqueue_dma source(%dma_start3A_98 : memref<80xi32, #tpu.memory_space<hbm>>) target(%dma_start3A_97 : memref<80xi32, #tpu.memory_space<vmem>>) target_semaphore(%arg12 : memref<!tpu.dma_semaphore, #tpu.memory_space<semaphore_mem>>)
    %dma_start3A_99 = arith.constant 3 : i32
    %dma_start3A_100 = arith.constant 0 : i32
    %dma_start3A_101 = tpu.memref_slice %arg9[%dma_start3A_99, %dma_start3A_100] : memref<8x80xi32, #tpu.memory_space<vmem>> -> memref<1x80xi32, #tpu.memory_space<vmem>>
    %dma_start3A_102 = tpu.memref_squeeze %dma_start3A_101 : memref<1x80xi32, #tpu.memory_space<vmem>> -> memref<80xi32, #tpu.memory_space<vmem>>
    %dma_start3A_103 = tpu.memref_slice %arg4[%add3A_89] : memref<320000xi32, #tpu.memory_space<hbm>> -> memref<80xi32, #tpu.memory_space<hbm>>
    %dma_start3A_104 = arith.constant 0 : i32
    %dma_start3A_105 = tpu.memref_slice %arg9[%dma_start3A_99, %dma_start3A_104] : memref<8x80xi32, #tpu.memory_space<vmem>> -> memref<1x80xi32, #tpu.memory_space<vmem>>
    %dma_start3A_106 = tpu.memref_squeeze %dma_start3A_105 : memref<1x80xi32, #tpu.memory_space<vmem>> -> memref<80xi32, #tpu.memory_space<vmem>>
    %dma_start3A_107 = tpu.memref_slice %arg4[%add3A_89] : memref<320000xi32, #tpu.memory_space<hbm>> -> memref<80xi32, #tpu.memory_space<hbm>>
    tpu.enqueue_dma source(%dma_start3A_107 : memref<80xi32, #tpu.memory_space<hbm>>) target(%dma_start3A_106 : memref<80xi32, #tpu.memory_space<vmem>>) target_semaphore(%arg12 : memref<!tpu.dma_semaphore, #tpu.memory_space<semaphore_mem>>)
    %scan3A_108 = arith.constant 0 : i32
    %scan3A_109 = arith.constant 0 : i32
    %scan3A_110 = arith.constant 125 : i32
    %scan3A_111 = arith.addi %scan3A_109, %scan3A_110 : i32
    %scan3A_112 = arith.constant 1 : i32
    %scan3A_113 = scf.for %scan3A_270 = %scan3A_109 to %scan3A_111 step %scan3A_112 iter_args(%scan3A_271 = %scan3A_108) -> (i32)  : i32 {
      %mul3A_272 = arith.constant 80 : i32
      %mul3A_273 = arith.muli %scan3A_270, %mul3A_272 : i32
      %add3A_274 = arith.addi %mul3A_20, %mul3A_273 : i32
      %jit3A = arith.constant 8 : i32
      %eq3A_275 = arith.constant 0 : i32
      %eq3A_276 = arith.cmpi eq, %jit3A, %eq3A_275 : i32
      %jit3A_277 = arith.constant 1 : i32
      %select_n3A = arith.select %eq3A_276, %jit3A_277, %jit3A : i32
      %rem3A = arith.remsi %scan3A_270, %select_n3A : i32
      %ne3A = arith.constant 0 : i32
      %ne3A_278 = arith.cmpi ne, %rem3A, %ne3A : i32
      %lt3A = arith.constant 0 : i32
      %lt3A_279 = arith.cmpi slt, %rem3A, %lt3A : i32
      %lt3A_280 = arith.constant 0 : i32
      %lt3A_281 = arith.cmpi slt, %select_n3A, %lt3A_280 : i32
      %ne3A_282 = arith.xori %lt3A_279, %lt3A_281 : i1
      %and3A = arith.andi %ne3A_282, %ne3A_278 : i1
      %add3A_283 = arith.addi %rem3A, %select_n3A : i32
      %select_n3A_284 = arith.select %and3A, %add3A_283, %rem3A : i32
      %mul3A_285 = arith.constant 80 : i32
      %mul3A_286 = arith.muli %scan3A_270, %mul3A_285 : i32
      %add3A_287 = arith.addi %mul3A_20, %mul3A_286 : i32
      %jit3A_288 = arith.constant 8 : i32
      %eq3A_289 = arith.constant 0 : i32
      %eq3A_290 = arith.cmpi eq, %jit3A_288, %eq3A_289 : i32
      %jit3A_291 = arith.constant 1 : i32
      %select_n3A_292 = arith.select %eq3A_290, %jit3A_291, %jit3A_288 : i32
      %rem3A_293 = arith.remsi %scan3A_270, %select_n3A_292 : i32
      %ne3A_294 = arith.constant 0 : i32
      %ne3A_295 = arith.cmpi ne, %rem3A_293, %ne3A_294 : i32
      %lt3A_296 = arith.constant 0 : i32
      %lt3A_297 = arith.cmpi slt, %rem3A_293, %lt3A_296 : i32
      %lt3A_298 = arith.constant 0 : i32
      %lt3A_299 = arith.cmpi slt, %select_n3A_292, %lt3A_298 : i32
      %ne3A_300 = arith.xori %lt3A_297, %lt3A_299 : i1
      %and3A_301 = arith.andi %ne3A_300, %ne3A_295 : i1
      %add3A_302 = arith.addi %rem3A_293, %select_n3A_292 : i32
      %select_n3A_303 = arith.select %and3A_301, %add3A_302, %rem3A_293 : i32
      %dma_wait3A_304 = arith.constant 0 : i32
      %dma_wait3A_305 = tpu.memref_slice %arg8[%select_n3A_284, %dma_wait3A_304] : memref<8x80xi32, #tpu.memory_space<vmem>> -> memref<1x80xi32, #tpu.memory_space<vmem>>
      %dma_wait3A_306 = tpu.memref_squeeze %dma_wait3A_305 : memref<1x80xi32, #tpu.memory_space<vmem>> -> memref<80xi32, #tpu.memory_space<vmem>>
      %dma_wait3A_307 = tpu.memref_slice %arg3[%add3A_274] : memref<320000xi32, #tpu.memory_space<hbm>> -> memref<80xi32, #tpu.memory_space<hbm>>
      %dma_wait3A_308 = arith.constant 0 : i32
      %dma_wait3A_309 = tpu.memref_slice %arg8[%select_n3A_284, %dma_wait3A_308] : memref<8x80xi32, #tpu.memory_space<vmem>> -> memref<1x80xi32, #tpu.memory_space<vmem>>
      %dma_wait3A_310 = tpu.memref_squeeze %dma_wait3A_309 : memref<1x80xi32, #tpu.memory_space<vmem>> -> memref<80xi32, #tpu.memory_space<vmem>>
      %dma_wait3A_311 = tpu.memref_slice %arg3[%add3A_274] : memref<320000xi32, #tpu.memory_space<hbm>> -> memref<80xi32, #tpu.memory_space<hbm>>
      tpu.wait_dma2 semaphore(%arg12 : memref<!tpu.dma_semaphore, #tpu.memory_space<semaphore_mem>>) src(%dma_wait3A_311 : memref<80xi32, #tpu.memory_space<hbm>>) dst(%dma_wait3A_310 : memref<80xi32, #tpu.memory_space<vmem>>)
      %dma_wait3A_312 = arith.constant 0 : i32
      %dma_wait3A_313 = tpu.memref_slice %arg9[%select_n3A_303, %dma_wait3A_312] : memref<8x80xi32, #tpu.memory_space<vmem>> -> memref<1x80xi32, #tpu.memory_space<vmem>>
      %dma_wait3A_314 = tpu.memref_squeeze %dma_wait3A_313 : memref<1x80xi32, #tpu.memory_space<vmem>> -> memref<80xi32, #tpu.memory_space<vmem>>
      %dma_wait3A_315 = tpu.memref_slice %arg4[%add3A_287] : memref<320000xi32, #tpu.memory_space<hbm>> -> memref<80xi32, #tpu.memory_space<hbm>>
      %dma_wait3A_316 = arith.constant 0 : i32
      %dma_wait3A_317 = tpu.memref_slice %arg9[%select_n3A_303, %dma_wait3A_316] : memref<8x80xi32, #tpu.memory_space<vmem>> -> memref<1x80xi32, #tpu.memory_space<vmem>>
      %dma_wait3A_318 = tpu.memref_squeeze %dma_wait3A_317 : memref<1x80xi32, #tpu.memory_space<vmem>> -> memref<80xi32, #tpu.memory_space<vmem>>
      %dma_wait3A_319 = tpu.memref_slice %arg4[%add3A_287] : memref<320000xi32, #tpu.memory_space<hbm>> -> memref<80xi32, #tpu.memory_space<hbm>>
      tpu.wait_dma2 semaphore(%arg12 : memref<!tpu.dma_semaphore, #tpu.memory_space<semaphore_mem>>) src(%dma_wait3A_319 : memref<80xi32, #tpu.memory_space<hbm>>) dst(%dma_wait3A_318 : memref<80xi32, #tpu.memory_space<vmem>>)
      %jit3A_320 = arith.constant 8 : i32
      %eq3A_321 = arith.constant 0 : i32
      %eq3A_322 = arith.cmpi eq, %jit3A_320, %eq3A_321 : i32
      %jit3A_323 = arith.constant 1 : i32
      %select_n3A_324 = arith.select %eq3A_322, %jit3A_323, %jit3A_320 : i32
      %rem3A_325 = arith.remsi %scan3A_270, %select_n3A_324 : i32
      %ne3A_326 = arith.constant 0 : i32
      %ne3A_327 = arith.cmpi ne, %rem3A_325, %ne3A_326 : i32
      %lt3A_328 = arith.constant 0 : i32
      %lt3A_329 = arith.cmpi slt, %rem3A_325, %lt3A_328 : i32
      %lt3A_330 = arith.constant 0 : i32
      %lt3A_331 = arith.cmpi slt, %select_n3A_324, %lt3A_330 : i32
      %ne3A_332 = arith.xori %lt3A_329, %lt3A_331 : i1
      %and3A_333 = arith.andi %ne3A_332, %ne3A_327 : i1
      %add3A_334 = arith.addi %rem3A_325, %select_n3A_324 : i32
      %select_n3A_335 = arith.select %and3A_333, %add3A_334, %rem3A_325 : i32
      %jit3A_336 = arith.constant 4 : i32
      %eq3A_337 = arith.constant 0 : i32
      %eq3A_338 = arith.cmpi eq, %jit3A_336, %eq3A_337 : i32
      %jit3A_339 = arith.constant 1 : i32
      %select_n3A_340 = arith.select %eq3A_338, %jit3A_339, %jit3A_336 : i32
      %rem3A_341 = arith.remsi %scan3A_270, %select_n3A_340 : i32
      %ne3A_342 = arith.constant 0 : i32
      %ne3A_343 = arith.cmpi ne, %rem3A_341, %ne3A_342 : i32
      %lt3A_344 = arith.constant 0 : i32
      %lt3A_345 = arith.cmpi slt, %rem3A_341, %lt3A_344 : i32
      %lt3A_346 = arith.constant 0 : i32
      %lt3A_347 = arith.cmpi slt, %select_n3A_340, %lt3A_346 : i32
      %ne3A_348 = arith.xori %lt3A_345, %lt3A_347 : i1
      %and3A_349 = arith.andi %ne3A_348, %ne3A_343 : i1
      %add3A_350 = arith.addi %rem3A_341, %select_n3A_340 : i32
      %select_n3A_351 = arith.select %and3A_349, %add3A_350, %rem3A_341 : i32
      %mul3A_352 = arith.constant 80 : i32
      %mul3A_353 = arith.muli %select_n3A_351, %mul3A_352 : i32
      %dma_start3A_354 = arith.constant 0 : i32
      %dma_start3A_355 = tpu.memref_slice %arg10[%mul3A_353, %dma_start3A_354] : memref<320x128xf32, #tpu.memory_space<vmem>> -> memref<80x128xf32, #tpu.memory_space<vmem>>
      %dma_start3A_356 = arith.constant 0 : i32
      %dma_start3A_357 = tpu.memref_slice %arg8[%select_n3A_335, %dma_start3A_356] : memref<8x80xi32, #tpu.memory_space<vmem>> -> memref<1x80xi32, #tpu.memory_space<vmem>>
      %dma_start3A_358 = tpu.memref_squeeze %dma_start3A_357 : memref<1x80xi32, #tpu.memory_space<vmem>> -> memref<80xi32, #tpu.memory_space<vmem>>
      %dma_start3A_359 = arith.constant 0 : i32
      %dma_start3A_360 = arith.constant 0 : i32
      %dma_start3A_361 = tpu.memref_slice %arg2[%dma_start3A_359, %dma_start3A_360] : memref<10000x128xf32, #tpu.memory_space<hbm>> -> memref<10000x128xf32, #tpu.memory_space<hbm>>
      tpu.enqueue_indirect_dma source(%dma_start3A_361 : memref<10000x128xf32, #tpu.memory_space<hbm>>) target(%dma_start3A_355 : memref<80x128xf32, #tpu.memory_space<vmem>>) offsets(%dma_start3A_358 : memref<80xi32, #tpu.memory_space<vmem>>) semaphore(%arg11 : memref<!tpu.dma_semaphore, #tpu.memory_space<semaphore_mem>>)
      %gt3A = arith.constant 2 : i32
      %gt3A_362 = arith.cmpi sgt, %scan3A_270, %gt3A : i32
      %convert_element_type3A_363 = arith.extui %gt3A_362 : i1 to i32
      %cond3A_364 = arith.constant 0 : i32
      %cond3A_365 = arith.cmpi ne, %convert_element_type3A_363, %cond3A_364 : i32
      scf.if %cond3A_365 {
        %sub3A_374 = arith.constant 3 : i32
        %sub3A_375 = arith.subi %scan3A_270, %sub3A_374 : i32
        %jit3A_376 = arith.constant 8 : i32
        %eq3A_377 = arith.constant 0 : i32
        %eq3A_378 = arith.cmpi eq, %jit3A_376, %eq3A_377 : i32
        %jit3A_379 = arith.constant 1 : i32
        %select_n3A_380 = arith.select %eq3A_378, %jit3A_379, %jit3A_376 : i32
        %rem3A_381 = arith.remsi %sub3A_375, %select_n3A_380 : i32
        %ne3A_382 = arith.constant 0 : i32
        %ne3A_383 = arith.cmpi ne, %rem3A_381, %ne3A_382 : i32
        %lt3A_384 = arith.constant 0 : i32
        %lt3A_385 = arith.cmpi slt, %rem3A_381, %lt3A_384 : i32
        %lt3A_386 = arith.constant 0 : i32
        %lt3A_387 = arith.cmpi slt, %select_n3A_380, %lt3A_386 : i32
        %ne3A_388 = arith.xori %lt3A_385, %lt3A_387 : i1
        %and3A_389 = arith.andi %ne3A_388, %ne3A_383 : i1
        %add3A_390 = arith.addi %rem3A_381, %select_n3A_380 : i32
        %select_n3A_391 = arith.select %and3A_389, %add3A_390, %rem3A_381 : i32
        %jit3A_392 = arith.constant 4 : i32
        %eq3A_393 = arith.constant 0 : i32
        %eq3A_394 = arith.cmpi eq, %jit3A_392, %eq3A_393 : i32
        %jit3A_395 = arith.constant 1 : i32
        %select_n3A_396 = arith.select %eq3A_394, %jit3A_395, %jit3A_392 : i32
        %rem3A_397 = arith.remsi %sub3A_375, %select_n3A_396 : i32
        %ne3A_398 = arith.constant 0 : i32
        %ne3A_399 = arith.cmpi ne, %rem3A_397, %ne3A_398 : i32
        %lt3A_400 = arith.constant 0 : i32
        %lt3A_401 = arith.cmpi slt, %rem3A_397, %lt3A_400 : i32
        %lt3A_402 = arith.constant 0 : i32
        %lt3A_403 = arith.cmpi slt, %select_n3A_396, %lt3A_402 : i32
        %ne3A_404 = arith.xori %lt3A_401, %lt3A_403 : i1
        %and3A_405 = arith.andi %ne3A_404, %ne3A_399 : i1
        %add3A_406 = arith.addi %rem3A_397, %select_n3A_396 : i32
        %select_n3A_407 = arith.select %and3A_405, %add3A_406, %rem3A_397 : i32
        %mul3A_408 = arith.constant 80 : i32
        %mul3A_409 = arith.muli %select_n3A_407, %mul3A_408 : i32
        %dma_wait3A_410 = arith.constant 0 : i32
        %dma_wait3A_411 = tpu.memref_slice %arg10[%mul3A_409, %dma_wait3A_410] : memref<320x128xf32, #tpu.memory_space<vmem>> -> memref<80x128xf32, #tpu.memory_space<vmem>>
        %dma_wait3A_412 = arith.constant 0 : i32
        %dma_wait3A_413 = tpu.memref_slice %arg8[%select_n3A_391, %dma_wait3A_412] : memref<8x80xi32, #tpu.memory_space<vmem>> -> memref<1x80xi32, #tpu.memory_space<vmem>>
        %dma_wait3A_414 = tpu.memref_squeeze %dma_wait3A_413 : memref<1x80xi32, #tpu.memory_space<vmem>> -> memref<80xi32, #tpu.memory_space<vmem>>
        %dma_wait3A_415 = arith.constant 0 : i32
        %dma_wait3A_416 = arith.constant 0 : i32
        %dma_wait3A_417 = tpu.memref_slice %arg2[%dma_wait3A_415, %dma_wait3A_416] : memref<10000x128xf32, #tpu.memory_space<hbm>> -> memref<10000x128xf32, #tpu.memory_space<hbm>>
        tpu.wait_indirect_dma semaphore(%arg11 : memref<!tpu.dma_semaphore, #tpu.memory_space<semaphore_mem>>) src(%dma_wait3A_417 : memref<10000x128xf32, #tpu.memory_space<hbm>>) dst(%dma_wait3A_411 : memref<80x128xf32, #tpu.memory_space<vmem>>)
        %sub3A_418 = arith.constant 3 : i32
        %sub3A_419 = arith.subi %scan3A_270, %sub3A_418 : i32
        %jit3A_420 = arith.constant 4 : i32
        %eq3A_421 = arith.constant 0 : i32
        %eq3A_422 = arith.cmpi eq, %jit3A_420, %eq3A_421 : i32
        %jit3A_423 = arith.constant 1 : i32
        %select_n3A_424 = arith.select %eq3A_422, %jit3A_423, %jit3A_420 : i32
        %rem3A_425 = arith.remsi %sub3A_419, %select_n3A_424 : i32
        %ne3A_426 = arith.constant 0 : i32
        %ne3A_427 = arith.cmpi ne, %rem3A_425, %ne3A_426 : i32
        %lt3A_428 = arith.constant 0 : i32
        %lt3A_429 = arith.cmpi slt, %rem3A_425, %lt3A_428 : i32
        %lt3A_430 = arith.constant 0 : i32
        %lt3A_431 = arith.cmpi slt, %select_n3A_424, %lt3A_430 : i32
        %ne3A_432 = arith.xori %lt3A_429, %lt3A_431 : i1
        %and3A_433 = arith.andi %ne3A_432, %ne3A_427 : i1
        %add3A_434 = arith.addi %rem3A_425, %select_n3A_424 : i32
        %select_n3A_435 = arith.select %and3A_433, %add3A_434, %rem3A_425 : i32
        %mul3A_436 = arith.constant 80 : i32
        %mul3A_437 = arith.muli %select_n3A_435, %mul3A_436 : i32
        %jit3A_438 = arith.constant 8 : i32
        %eq3A_439 = arith.constant 0 : i32
        %eq3A_440 = arith.cmpi eq, %jit3A_438, %eq3A_439 : i32
        %jit3A_441 = arith.constant 1 : i32
        %select_n3A_442 = arith.select %eq3A_440, %jit3A_441, %jit3A_438 : i32
        %rem3A_443 = arith.remsi %sub3A_419, %select_n3A_442 : i32
        %ne3A_444 = arith.constant 0 : i32
        %ne3A_445 = arith.cmpi ne, %rem3A_443, %ne3A_444 : i32
        %lt3A_446 = arith.constant 0 : i32
        %lt3A_447 = arith.cmpi slt, %rem3A_443, %lt3A_446 : i32
        %lt3A_448 = arith.constant 0 : i32
        %lt3A_449 = arith.cmpi slt, %select_n3A_442, %lt3A_448 : i32
        %ne3A_450 = arith.xori %lt3A_447, %lt3A_449 : i1
        %and3A_451 = arith.andi %ne3A_450, %ne3A_445 : i1
        %add3A_452 = arith.addi %rem3A_443, %select_n3A_442 : i32
        %select_n3A_453 = arith.select %and3A_451, %add3A_452, %rem3A_443 : i32
        "tpu.region"() ({
          %run_scoped3A_454 = tpu.sem_alloc : memref<!tpu.dma_semaphore, #tpu.memory_space<semaphore_mem>>
          %dma_start3A_455 = arith.constant 0 : i32
          %dma_start3A_456 = tpu.memref_slice %arg10[%mul3A_437, %dma_start3A_455] : memref<320x128xf32, #tpu.memory_space<vmem>> -> memref<80x128xf32, #tpu.memory_space<vmem>>
          %dma_start3A_457 = arith.constant 0 : i32
          %dma_start3A_458 = tpu.memref_slice %arg9[%select_n3A_453, %dma_start3A_457] : memref<8x80xi32, #tpu.memory_space<vmem>> -> memref<1x80xi32, #tpu.memory_space<vmem>>
          %dma_start3A_459 = tpu.memref_squeeze %dma_start3A_458 : memref<1x80xi32, #tpu.memory_space<vmem>> -> memref<80xi32, #tpu.memory_space<vmem>>
          %dma_start3A_460 = arith.constant 0 : i32
          %dma_start3A_461 = arith.constant 0 : i32
          %dma_start3A_462 = tpu.memref_slice %arg7[%dma_start3A_460, %dma_start3A_461] : memref<10001x128xf32, #tpu.memory_space<vmem_shared>> -> memref<10001x128xf32, #tpu.memory_space<vmem_shared>>
          tpu.enqueue_indirect_dma source(%dma_start3A_456 : memref<80x128xf32, #tpu.memory_space<vmem>>) target(%dma_start3A_462 : memref<10001x128xf32, #tpu.memory_space<vmem_shared>>) offsets(%dma_start3A_459 : memref<80xi32, #tpu.memory_space<vmem>>) semaphore(%run_scoped3A_454 : memref<!tpu.dma_semaphore, #tpu.memory_space<semaphore_mem>>) {add = true}
          %dma_wait3A_463 = arith.constant 0 : i32
          %dma_wait3A_464 = tpu.memref_slice %arg10[%mul3A_437, %dma_wait3A_463] : memref<320x128xf32, #tpu.memory_space<vmem>> -> memref<80x128xf32, #tpu.memory_space<vmem>>
          %dma_wait3A_465 = arith.constant 0 : i32
          %dma_wait3A_466 = tpu.memref_slice %arg9[%select_n3A_453, %dma_wait3A_465] : memref<8x80xi32, #tpu.memory_space<vmem>> -> memref<1x80xi32, #tpu.memory_space<vmem>>
          %dma_wait3A_467 = tpu.memref_squeeze %dma_wait3A_466 : memref<1x80xi32, #tpu.memory_space<vmem>> -> memref<80xi32, #tpu.memory_space<vmem>>
          %dma_wait3A_468 = arith.constant 0 : i32
          %dma_wait3A_469 = arith.constant 0 : i32
          %dma_wait3A_470 = tpu.memref_slice %arg7[%dma_wait3A_468, %dma_wait3A_469] : memref<10001x128xf32, #tpu.memory_space<vmem_shared>> -> memref<10001x128xf32, #tpu.memory_space<vmem_shared>>
          tpu.wait_indirect_dma semaphore(%run_scoped3A_454 : memref<!tpu.dma_semaphore, #tpu.memory_space<semaphore_mem>>) src(%dma_wait3A_464 : memref<80x128xf32, #tpu.memory_space<vmem>>) dst(%dma_wait3A_470 : memref<10001x128xf32, #tpu.memory_space<vmem_shared>>)
          tpu.yield
        }) : () -> ()
      } else {
      }
      %add3A_366 = arith.constant 4 : i32
      %add3A_367 = arith.addi %scan3A_270, %add3A_366 : i32
      %lt3A_368 = arith.constant 125 : i32
      %lt3A_369 = arith.cmpi slt, %add3A_367, %lt3A_368 : i32
      %convert_element_type3A_370 = arith.extui %lt3A_369 : i1 to i32
      %cond3A_371 = arith.constant 0 : i32
      %cond3A_372 = arith.cmpi ne, %convert_element_type3A_370, %cond3A_371 : i32
      scf.if %cond3A_372 {
        %add3A_374 = arith.constant 4 : i32
        %add3A_375 = arith.addi %scan3A_270, %add3A_374 : i32
        %mul3A_376 = arith.constant 80 : i32
        %mul3A_377 = arith.muli %add3A_375, %mul3A_376 : i32
        %add3A_378 = arith.addi %mul3A_20, %mul3A_377 : i32
        %jit3A_379 = arith.constant 8 : i32
        %eq3A_380 = arith.constant 0 : i32
        %eq3A_381 = arith.cmpi eq, %jit3A_379, %eq3A_380 : i32
        %jit3A_382 = arith.constant 1 : i32
        %select_n3A_383 = arith.select %eq3A_381, %jit3A_382, %jit3A_379 : i32
        %rem3A_384 = arith.remsi %add3A_375, %select_n3A_383 : i32
        %ne3A_385 = arith.constant 0 : i32
        %ne3A_386 = arith.cmpi ne, %rem3A_384, %ne3A_385 : i32
        %lt3A_387 = arith.constant 0 : i32
        %lt3A_388 = arith.cmpi slt, %rem3A_384, %lt3A_387 : i32
        %lt3A_389 = arith.constant 0 : i32
        %lt3A_390 = arith.cmpi slt, %select_n3A_383, %lt3A_389 : i32
        %ne3A_391 = arith.xori %lt3A_388, %lt3A_390 : i1
        %and3A_392 = arith.andi %ne3A_391, %ne3A_386 : i1
        %add3A_393 = arith.addi %rem3A_384, %select_n3A_383 : i32
        %select_n3A_394 = arith.select %and3A_392, %add3A_393, %rem3A_384 : i32
        %mul3A_395 = arith.constant 80 : i32
        %mul3A_396 = arith.muli %add3A_375, %mul3A_395 : i32
        %add3A_397 = arith.addi %mul3A_20, %mul3A_396 : i32
        %jit3A_398 = arith.constant 8 : i32
        %eq3A_399 = arith.constant 0 : i32
        %eq3A_400 = arith.cmpi eq, %jit3A_398, %eq3A_399 : i32
        %jit3A_401 = arith.constant 1 : i32
        %select_n3A_402 = arith.select %eq3A_400, %jit3A_401, %jit3A_398 : i32
        %rem3A_403 = arith.remsi %add3A_375, %select_n3A_402 : i32
        %ne3A_404 = arith.constant 0 : i32
        %ne3A_405 = arith.cmpi ne, %rem3A_403, %ne3A_404 : i32
        %lt3A_406 = arith.constant 0 : i32
        %lt3A_407 = arith.cmpi slt, %rem3A_403, %lt3A_406 : i32
        %lt3A_408 = arith.constant 0 : i32
        %lt3A_409 = arith.cmpi slt, %select_n3A_402, %lt3A_408 : i32
        %ne3A_410 = arith.xori %lt3A_407, %lt3A_409 : i1
        %and3A_411 = arith.andi %ne3A_410, %ne3A_405 : i1
        %add3A_412 = arith.addi %rem3A_403, %select_n3A_402 : i32
        %select_n3A_413 = arith.select %and3A_411, %add3A_412, %rem3A_403 : i32
        %dma_start3A_414 = arith.constant 0 : i32
        %dma_start3A_415 = tpu.memref_slice %arg8[%select_n3A_394, %dma_start3A_414] : memref<8x80xi32, #tpu.memory_space<vmem>> -> memref<1x80xi32, #tpu.memory_space<vmem>>
        %dma_start3A_416 = tpu.memref_squeeze %dma_start3A_415 : memref<1x80xi32, #tpu.memory_space<vmem>> -> memref<80xi32, #tpu.memory_space<vmem>>
        %dma_start3A_417 = tpu.memref_slice %arg3[%add3A_378] : memref<320000xi32, #tpu.memory_space<hbm>> -> memref<80xi32, #tpu.memory_space<hbm>>
        %dma_start3A_418 = arith.constant 0 : i32
        %dma_start3A_419 = tpu.memref_slice %arg8[%select_n3A_394, %dma_start3A_418] : memref<8x80xi32, #tpu.memory_space<vmem>> -> memref<1x80xi32, #tpu.memory_space<vmem>>
        %dma_start3A_420 = tpu.memref_squeeze %dma_start3A_419 : memref<1x80xi32, #tpu.memory_space<vmem>> -> memref<80xi32, #tpu.memory_space<vmem>>
        %dma_start3A_421 = tpu.memref_slice %arg3[%add3A_378] : memref<320000xi32, #tpu.memory_space<hbm>> -> memref<80xi32, #tpu.memory_space<hbm>>
        tpu.enqueue_dma source(%dma_start3A_421 : memref<80xi32, #tpu.memory_space<hbm>>) target(%dma_start3A_420 : memref<80xi32, #tpu.memory_space<vmem>>) target_semaphore(%arg12 : memref<!tpu.dma_semaphore, #tpu.memory_space<semaphore_mem>>)
        %dma_start3A_422 = arith.constant 0 : i32
        %dma_start3A_423 = tpu.memref_slice %arg9[%select_n3A_413, %dma_start3A_422] : memref<8x80xi32, #tpu.memory_space<vmem>> -> memref<1x80xi32, #tpu.memory_space<vmem>>
        %dma_start3A_424 = tpu.memref_squeeze %dma_start3A_423 : memref<1x80xi32, #tpu.memory_space<vmem>> -> memref<80xi32, #tpu.memory_space<vmem>>
        %dma_start3A_425 = tpu.memref_slice %arg4[%add3A_397] : memref<320000xi32, #tpu.memory_space<hbm>> -> memref<80xi32, #tpu.memory_space<hbm>>
        %dma_start3A_426 = arith.constant 0 : i32
        %dma_start3A_427 = tpu.memref_slice %arg9[%select_n3A_413, %dma_start3A_426] : memref<8x80xi32, #tpu.memory_space<vmem>> -> memref<1x80xi32, #tpu.memory_space<vmem>>
        %dma_start3A_428 = tpu.memref_squeeze %dma_start3A_427 : memref<1x80xi32, #tpu.memory_space<vmem>> -> memref<80xi32, #tpu.memory_space<vmem>>
        %dma_start3A_429 = tpu.memref_slice %arg4[%add3A_397] : memref<320000xi32, #tpu.memory_space<hbm>> -> memref<80xi32, #tpu.memory_space<hbm>>
        tpu.enqueue_dma source(%dma_start3A_429 : memref<80xi32, #tpu.memory_space<hbm>>) target(%dma_start3A_428 : memref<80xi32, #tpu.memory_space<vmem>>) target_semaphore(%arg12 : memref<!tpu.dma_semaphore, #tpu.memory_space<semaphore_mem>>)
      } else {
      }
      %scan3A_373 = arith.constant 0 : i32
      scf.yield %scan3A_373 : i32
    }
    %scan3A_114 = arith.constant 125 : i32
    %dma_wait3A = arith.constant 2 : i32
    %dma_wait3A_115 = arith.constant 160 : i32
    %dma_wait3A_116 = arith.constant 0 : i32
    %dma_wait3A_117 = tpu.memref_slice %arg10[%dma_wait3A_115, %dma_wait3A_116] : memref<320x128xf32, #tpu.memory_space<vmem>> -> memref<80x128xf32, #tpu.memory_space<vmem>>
    %dma_wait3A_118 = arith.constant 0 : i32
    %dma_wait3A_119 = tpu.memref_slice %arg8[%dma_wait3A, %dma_wait3A_118] : memref<8x80xi32, #tpu.memory_space<vmem>> -> memref<1x80xi32, #tpu.memory_space<vmem>>
    %dma_wait3A_120 = tpu.memref_squeeze %dma_wait3A_119 : memref<1x80xi32, #tpu.memory_space<vmem>> -> memref<80xi32, #tpu.memory_space<vmem>>
    %dma_wait3A_121 = arith.constant 0 : i32
    %dma_wait3A_122 = arith.constant 0 : i32
    %dma_wait3A_123 = tpu.memref_slice %arg2[%dma_wait3A_121, %dma_wait3A_122] : memref<10000x128xf32, #tpu.memory_space<hbm>> -> memref<10000x128xf32, #tpu.memory_space<hbm>>
    tpu.wait_indirect_dma semaphore(%arg11 : memref<!tpu.dma_semaphore, #tpu.memory_space<semaphore_mem>>) src(%dma_wait3A_123 : memref<10000x128xf32, #tpu.memory_space<hbm>>) dst(%dma_wait3A_117 : memref<80x128xf32, #tpu.memory_space<vmem>>)
    %run_scoped3A = arith.constant 2 : i32
    "tpu.region"() ({
      %run_scoped3A_270 = tpu.sem_alloc : memref<!tpu.dma_semaphore, #tpu.memory_space<semaphore_mem>>
      %dma_start3A_271 = arith.constant 160 : i32
      %dma_start3A_272 = arith.constant 0 : i32
      %dma_start3A_273 = tpu.memref_slice %arg10[%dma_start3A_271, %dma_start3A_272] : memref<320x128xf32, #tpu.memory_space<vmem>> -> memref<80x128xf32, #tpu.memory_space<vmem>>
      %dma_start3A_274 = arith.constant 0 : i32
      %dma_start3A_275 = tpu.memref_slice %arg9[%run_scoped3A, %dma_start3A_274] : memref<8x80xi32, #tpu.memory_space<vmem>> -> memref<1x80xi32, #tpu.memory_space<vmem>>
      %dma_start3A_276 = tpu.memref_squeeze %dma_start3A_275 : memref<1x80xi32, #tpu.memory_space<vmem>> -> memref<80xi32, #tpu.memory_space<vmem>>
      %dma_start3A_277 = arith.constant 0 : i32
      %dma_start3A_278 = arith.constant 0 : i32
      %dma_start3A_279 = tpu.memref_slice %arg7[%dma_start3A_277, %dma_start3A_278] : memref<10001x128xf32, #tpu.memory_space<vmem_shared>> -> memref<10001x128xf32, #tpu.memory_space<vmem_shared>>
      tpu.enqueue_indirect_dma source(%dma_start3A_273 : memref<80x128xf32, #tpu.memory_space<vmem>>) target(%dma_start3A_279 : memref<10001x128xf32, #tpu.memory_space<vmem_shared>>) offsets(%dma_start3A_276 : memref<80xi32, #tpu.memory_space<vmem>>) semaphore(%run_scoped3A_270 : memref<!tpu.dma_semaphore, #tpu.memory_space<semaphore_mem>>) {add = true}
      %dma_wait3A_280 = arith.constant 160 : i32
      %dma_wait3A_281 = arith.constant 0 : i32
      %dma_wait3A_282 = tpu.memref_slice %arg10[%dma_wait3A_280, %dma_wait3A_281] : memref<320x128xf32, #tpu.memory_space<vmem>> -> memref<80x128xf32, #tpu.memory_space<vmem>>
      %dma_wait3A_283 = arith.constant 0 : i32
      %dma_wait3A_284 = tpu.memref_slice %arg9[%run_scoped3A, %dma_wait3A_283] : memref<8x80xi32, #tpu.memory_space<vmem>> -> memref<1x80xi32, #tpu.memory_space<vmem>>
      %dma_wait3A_285 = tpu.memref_squeeze %dma_wait3A_284 : memref<1x80xi32, #tpu.memory_space<vmem>> -> memref<80xi32, #tpu.memory_space<vmem>>
      %dma_wait3A_286 = arith.constant 0 : i32
      %dma_wait3A_287 = arith.constant 0 : i32
      %dma_wait3A_288 = tpu.memref_slice %arg7[%dma_wait3A_286, %dma_wait3A_287] : memref<10001x128xf32, #tpu.memory_space<vmem_shared>> -> memref<10001x128xf32, #tpu.memory_space<vmem_shared>>
      tpu.wait_indirect_dma semaphore(%run_scoped3A_270 : memref<!tpu.dma_semaphore, #tpu.memory_space<semaphore_mem>>) src(%dma_wait3A_282 : memref<80x128xf32, #tpu.memory_space<vmem>>) dst(%dma_wait3A_288 : memref<10001x128xf32, #tpu.memory_space<vmem_shared>>)
      tpu.yield
    }) : () -> ()
    %dma_wait3A_124 = arith.constant 3 : i32
    %dma_wait3A_125 = arith.constant 240 : i32
    %dma_wait3A_126 = arith.constant 0 : i32
    %dma_wait3A_127 = tpu.memref_slice %arg10[%dma_wait3A_125, %dma_wait3A_126] : memref<320x128xf32, #tpu.memory_space<vmem>> -> memref<80x128xf32, #tpu.memory_space<vmem>>
    %dma_wait3A_128 = arith.constant 0 : i32
    %dma_wait3A_129 = tpu.memref_slice %arg8[%dma_wait3A_124, %dma_wait3A_128] : memref<8x80xi32, #tpu.memory_space<vmem>> -> memref<1x80xi32, #tpu.memory_space<vmem>>
    %dma_wait3A_130 = tpu.memref_squeeze %dma_wait3A_129 : memref<1x80xi32, #tpu.memory_space<vmem>> -> memref<80xi32, #tpu.memory_space<vmem>>
    %dma_wait3A_131 = arith.constant 0 : i32
    %dma_wait3A_132 = arith.constant 0 : i32
    %dma_wait3A_133 = tpu.memref_slice %arg2[%dma_wait3A_131, %dma_wait3A_132] : memref<10000x128xf32, #tpu.memory_space<hbm>> -> memref<10000x128xf32, #tpu.memory_space<hbm>>
    tpu.wait_indirect_dma semaphore(%arg11 : memref<!tpu.dma_semaphore, #tpu.memory_space<semaphore_mem>>) src(%dma_wait3A_133 : memref<10000x128xf32, #tpu.memory_space<hbm>>) dst(%dma_wait3A_127 : memref<80x128xf32, #tpu.memory_space<vmem>>)
    %run_scoped3A_134 = arith.constant 3 : i32
    "tpu.region"() ({
      %run_scoped3A_270 = tpu.sem_alloc : memref<!tpu.dma_semaphore, #tpu.memory_space<semaphore_mem>>
      %dma_start3A_271 = arith.constant 240 : i32
      %dma_start3A_272 = arith.constant 0 : i32
      %dma_start3A_273 = tpu.memref_slice %arg10[%dma_start3A_271, %dma_start3A_272] : memref<320x128xf32, #tpu.memory_space<vmem>> -> memref<80x128xf32, #tpu.memory_space<vmem>>
      %dma_start3A_274 = arith.constant 0 : i32
      %dma_start3A_275 = tpu.memref_slice %arg9[%run_scoped3A_134, %dma_start3A_274] : memref<8x80xi32, #tpu.memory_space<vmem>> -> memref<1x80xi32, #tpu.memory_space<vmem>>
      %dma_start3A_276 = tpu.memref_squeeze %dma_start3A_275 : memref<1x80xi32, #tpu.memory_space<vmem>> -> memref<80xi32, #tpu.memory_space<vmem>>
      %dma_start3A_277 = arith.constant 0 : i32
      %dma_start3A_278 = arith.constant 0 : i32
      %dma_start3A_279 = tpu.memref_slice %arg7[%dma_start3A_277, %dma_start3A_278] : memref<10001x128xf32, #tpu.memory_space<vmem_shared>> -> memref<10001x128xf32, #tpu.memory_space<vmem_shared>>
      tpu.enqueue_indirect_dma source(%dma_start3A_273 : memref<80x128xf32, #tpu.memory_space<vmem>>) target(%dma_start3A_279 : memref<10001x128xf32, #tpu.memory_space<vmem_shared>>) offsets(%dma_start3A_276 : memref<80xi32, #tpu.memory_space<vmem>>) semaphore(%run_scoped3A_270 : memref<!tpu.dma_semaphore, #tpu.memory_space<semaphore_mem>>) {add = true}
      %dma_wait3A_280 = arith.constant 240 : i32
      %dma_wait3A_281 = arith.constant 0 : i32
      %dma_wait3A_282 = tpu.memref_slice %arg10[%dma_wait3A_280, %dma_wait3A_281] : memref<320x128xf32, #tpu.memory_space<vmem>> -> memref<80x128xf32, #tpu.memory_space<vmem>>
      %dma_wait3A_283 = arith.constant 0 : i32
      %dma_wait3A_284 = tpu.memref_slice %arg9[%run_scoped3A_134, %dma_wait3A_283] : memref<8x80xi32, #tpu.memory_space<vmem>> -> memref<1x80xi32, #tpu.memory_space<vmem>>
      %dma_wait3A_285 = tpu.memref_squeeze %dma_wait3A_284 : memref<1x80xi32, #tpu.memory_space<vmem>> -> memref<80xi32, #tpu.memory_space<vmem>>
      %dma_wait3A_286 = arith.constant 0 : i32
      %dma_wait3A_287 = arith.constant 0 : i32
      %dma_wait3A_288 = tpu.memref_slice %arg7[%dma_wait3A_286, %dma_wait3A_287] : memref<10001x128xf32, #tpu.memory_space<vmem_shared>> -> memref<10001x128xf32, #tpu.memory_space<vmem_shared>>
      tpu.wait_indirect_dma semaphore(%run_scoped3A_270 : memref<!tpu.dma_semaphore, #tpu.memory_space<semaphore_mem>>) src(%dma_wait3A_282 : memref<80x128xf32, #tpu.memory_space<vmem>>) dst(%dma_wait3A_288 : memref<10001x128xf32, #tpu.memory_space<vmem_shared>>)
      tpu.yield
    }) : () -> ()
    %dma_wait3A_135 = arith.constant 4 : i32
    %dma_wait3A_136 = arith.constant 0 : i32
    %dma_wait3A_137 = arith.constant 0 : i32
    %dma_wait3A_138 = tpu.memref_slice %arg10[%dma_wait3A_136, %dma_wait3A_137] : memref<320x128xf32, #tpu.memory_space<vmem>> -> memref<80x128xf32, #tpu.memory_space<vmem>>
    %dma_wait3A_139 = arith.constant 0 : i32
    %dma_wait3A_140 = tpu.memref_slice %arg8[%dma_wait3A_135, %dma_wait3A_139] : memref<8x80xi32, #tpu.memory_space<vmem>> -> memref<1x80xi32, #tpu.memory_space<vmem>>
    %dma_wait3A_141 = tpu.memref_squeeze %dma_wait3A_140 : memref<1x80xi32, #tpu.memory_space<vmem>> -> memref<80xi32, #tpu.memory_space<vmem>>
    %dma_wait3A_142 = arith.constant 0 : i32
    %dma_wait3A_143 = arith.constant 0 : i32
    %dma_wait3A_144 = tpu.memref_slice %arg2[%dma_wait3A_142, %dma_wait3A_143] : memref<10000x128xf32, #tpu.memory_space<hbm>> -> memref<10000x128xf32, #tpu.memory_space<hbm>>
    tpu.wait_indirect_dma semaphore(%arg11 : memref<!tpu.dma_semaphore, #tpu.memory_space<semaphore_mem>>) src(%dma_wait3A_144 : memref<10000x128xf32, #tpu.memory_space<hbm>>) dst(%dma_wait3A_138 : memref<80x128xf32, #tpu.memory_space<vmem>>)
    %run_scoped3A_145 = arith.constant 4 : i32
    "tpu.region"() ({
      %run_scoped3A_270 = tpu.sem_alloc : memref<!tpu.dma_semaphore, #tpu.memory_space<semaphore_mem>>
      %dma_start3A_271 = arith.constant 0 : i32
      %dma_start3A_272 = arith.constant 0 : i32
      %dma_start3A_273 = tpu.memref_slice %arg10[%dma_start3A_271, %dma_start3A_272] : memref<320x128xf32, #tpu.memory_space<vmem>> -> memref<80x128xf32, #tpu.memory_space<vmem>>
      %dma_start3A_274 = arith.constant 0 : i32
      %dma_start3A_275 = tpu.memref_slice %arg9[%run_scoped3A_145, %dma_start3A_274] : memref<8x80xi32, #tpu.memory_space<vmem>> -> memref<1x80xi32, #tpu.memory_space<vmem>>
      %dma_start3A_276 = tpu.memref_squeeze %dma_start3A_275 : memref<1x80xi32, #tpu.memory_space<vmem>> -> memref<80xi32, #tpu.memory_space<vmem>>
      %dma_start3A_277 = arith.constant 0 : i32
      %dma_start3A_278 = arith.constant 0 : i32
      %dma_start3A_279 = tpu.memref_slice %arg7[%dma_start3A_277, %dma_start3A_278] : memref<10001x128xf32, #tpu.memory_space<vmem_shared>> -> memref<10001x128xf32, #tpu.memory_space<vmem_shared>>
      tpu.enqueue_indirect_dma source(%dma_start3A_273 : memref<80x128xf32, #tpu.memory_space<vmem>>) target(%dma_start3A_279 : memref<10001x128xf32, #tpu.memory_space<vmem_shared>>) offsets(%dma_start3A_276 : memref<80xi32, #tpu.memory_space<vmem>>) semaphore(%run_scoped3A_270 : memref<!tpu.dma_semaphore, #tpu.memory_space<semaphore_mem>>) {add = true}
      %dma_wait3A_280 = arith.constant 0 : i32
      %dma_wait3A_281 = arith.constant 0 : i32
      %dma_wait3A_282 = tpu.memref_slice %arg10[%dma_wait3A_280, %dma_wait3A_281] : memref<320x128xf32, #tpu.memory_space<vmem>> -> memref<80x128xf32, #tpu.memory_space<vmem>>
      %dma_wait3A_283 = arith.constant 0 : i32
      %dma_wait3A_284 = tpu.memref_slice %arg9[%run_scoped3A_145, %dma_wait3A_283] : memref<8x80xi32, #tpu.memory_space<vmem>> -> memref<1x80xi32, #tpu.memory_space<vmem>>
      %dma_wait3A_285 = tpu.memref_squeeze %dma_wait3A_284 : memref<1x80xi32, #tpu.memory_space<vmem>> -> memref<80xi32, #tpu.memory_space<vmem>>
      %dma_wait3A_286 = arith.constant 0 : i32
      %dma_wait3A_287 = arith.constant 0 : i32
      %dma_wait3A_288 = tpu.memref_slice %arg7[%dma_wait3A_286, %dma_wait3A_287] : memref<10001x128xf32, #tpu.memory_space<vmem_shared>> -> memref<10001x128xf32, #tpu.memory_space<vmem_shared>>
      tpu.wait_indirect_dma semaphore(%run_scoped3A_270 : memref<!tpu.dma_semaphore, #tpu.memory_space<semaphore_mem>>) src(%dma_wait3A_282 : memref<80x128xf32, #tpu.memory_space<vmem>>) dst(%dma_wait3A_288 : memref<10001x128xf32, #tpu.memory_space<vmem_shared>>)
      tpu.yield
    }) : () -> ()
    %barrier3A_146 = arith.constant 0 : index
    tpu.barrier barrier_id(%barrier3A_146)
    %mul3A_147 = arith.constant 624 : i32
    %mul3A_148 = arith.muli %arg1, %mul3A_147 : i32
    %mul3A_149 = arith.constant 624 : i32
    %mul3A_150 = arith.muli %arg1, %mul3A_149 : i32
    "tpu.region"() ({
      %run_scoped3A_270 = tpu.sem_alloc : memref<!tpu.dma_semaphore, #tpu.memory_space<semaphore_mem>>
      %dma_start3A_271 = arith.constant 0 : i32
      %dma_start3A_272 = tpu.memref_slice %arg5[%arg0, %mul3A_150, %dma_start3A_271] : memref<2x10000x128xf32, #tpu.memory_space<hbm>> -> memref<1x624x128xf32, #tpu.memory_space<hbm>>
      %dma_start3A_273 = tpu.memref_squeeze %dma_start3A_272 : memref<1x624x128xf32, #tpu.memory_space<hbm>> -> memref<624x128xf32, #tpu.memory_space<hbm>>
      %dma_start3A_274 = arith.constant 0 : i32
      %dma_start3A_275 = tpu.memref_slice %arg7[%mul3A_148, %dma_start3A_274] : memref<10001x128xf32, #tpu.memory_space<vmem_shared>> -> memref<624x128xf32, #tpu.memory_space<vmem_shared>>
      tpu.enqueue_dma source(%dma_start3A_275 : memref<624x128xf32, #tpu.memory_space<vmem_shared>>) target(%dma_start3A_273 : memref<624x128xf32, #tpu.memory_space<hbm>>) target_semaphore(%run_scoped3A_270 : memref<!tpu.dma_semaphore, #tpu.memory_space<semaphore_mem>>)
      %dma_wait3A_276 = arith.constant 0 : i32
      %dma_wait3A_277 = tpu.memref_slice %arg5[%arg0, %mul3A_150, %dma_wait3A_276] : memref<2x10000x128xf32, #tpu.memory_space<hbm>> -> memref<1x624x128xf32, #tpu.memory_space<hbm>>
      %dma_wait3A_278 = tpu.memref_squeeze %dma_wait3A_277 : memref<1x624x128xf32, #tpu.memory_space<hbm>> -> memref<624x128xf32, #tpu.memory_space<hbm>>
      %dma_wait3A_279 = arith.constant 0 : i32
      %dma_wait3A_280 = tpu.memref_slice %arg7[%mul3A_148, %dma_wait3A_279] : memref<10001x128xf32, #tpu.memory_space<vmem_shared>> -> memref<624x128xf32, #tpu.memory_space<vmem_shared>>
      tpu.wait_dma2 semaphore(%run_scoped3A_270 : memref<!tpu.dma_semaphore, #tpu.memory_space<semaphore_mem>>) src(%dma_wait3A_280 : memref<624x128xf32, #tpu.memory_space<vmem_shared>>) dst(%dma_wait3A_278 : memref<624x128xf32, #tpu.memory_space<hbm>>)
      tpu.yield
    }) : () -> ()
    %eq3A_151 = arith.constant 15 : i32
    %eq3A_152 = arith.cmpi eq, %arg1, %eq3A_151 : i32
    %convert_element_type3A_153 = arith.extui %eq3A_152 : i1 to i32
    %cond3A_154 = arith.constant 0 : i32
    %cond3A_155 = arith.cmpi ne, %convert_element_type3A_153, %cond3A_154 : i32
    scf.if %cond3A_155 {
      "tpu.region"() ({
        %run_scoped3A_270 = tpu.sem_alloc : memref<!tpu.dma_semaphore, #tpu.memory_space<semaphore_mem>>
        %dma_start3A_271 = arith.constant 9984 : i32
        %dma_start3A_272 = arith.constant 0 : i32
        %dma_start3A_273 = tpu.memref_slice %arg5[%arg0, %dma_start3A_271, %dma_start3A_272] : memref<2x10000x128xf32, #tpu.memory_space<hbm>> -> memref<1x16x128xf32, #tpu.memory_space<hbm>>
        %dma_start3A_274 = tpu.memref_squeeze %dma_start3A_273 : memref<1x16x128xf32, #tpu.memory_space<hbm>> -> memref<16x128xf32, #tpu.memory_space<hbm>>
        %dma_start3A_275 = arith.constant 9984 : i32
        %dma_start3A_276 = arith.constant 0 : i32
        %dma_start3A_277 = tpu.memref_slice %arg7[%dma_start3A_275, %dma_start3A_276] : memref<10001x128xf32, #tpu.memory_space<vmem_shared>> -> memref<16x128xf32, #tpu.memory_space<vmem_shared>>
        tpu.enqueue_dma source(%dma_start3A_277 : memref<16x128xf32, #tpu.memory_space<vmem_shared>>) target(%dma_start3A_274 : memref<16x128xf32, #tpu.memory_space<hbm>>) target_semaphore(%run_scoped3A_270 : memref<!tpu.dma_semaphore, #tpu.memory_space<semaphore_mem>>)
        %dma_wait3A_278 = arith.constant 9984 : i32
        %dma_wait3A_279 = arith.constant 0 : i32
        %dma_wait3A_280 = tpu.memref_slice %arg5[%arg0, %dma_wait3A_278, %dma_wait3A_279] : memref<2x10000x128xf32, #tpu.memory_space<hbm>> -> memref<1x16x128xf32, #tpu.memory_space<hbm>>
        %dma_wait3A_281 = tpu.memref_squeeze %dma_wait3A_280 : memref<1x16x128xf32, #tpu.memory_space<hbm>> -> memref<16x128xf32, #tpu.memory_space<hbm>>
        %dma_wait3A_282 = arith.constant 9984 : i32
        %dma_wait3A_283 = arith.constant 0 : i32
        %dma_wait3A_284 = tpu.memref_slice %arg7[%dma_wait3A_282, %dma_wait3A_283] : memref<10001x128xf32, #tpu.memory_space<vmem_shared>> -> memref<16x128xf32, #tpu.memory_space<vmem_shared>>
        tpu.wait_dma2 semaphore(%run_scoped3A_270 : memref<!tpu.dma_semaphore, #tpu.memory_space<semaphore_mem>>) src(%dma_wait3A_284 : memref<16x128xf32, #tpu.memory_space<vmem_shared>>) dst(%dma_wait3A_281 : memref<16x128xf32, #tpu.memory_space<hbm>>)
        tpu.yield
      }) : () -> ()
    } else {
    }
    %barrier3A_156 = arith.constant 0 : index
    tpu.barrier barrier_id(%barrier3A_156)
    %scan3A_157 = arith.constant 0 : i32
    %scan3A_158 = arith.constant 0 : i32
    %scan3A_159 = arith.constant 2560 : i32
    %scan3A_160 = arith.addi %scan3A_158, %scan3A_159 : i32
    %scan3A_161 = arith.constant 1 : i32
    %scan3A_162 = scf.for %scan3A_270 = %scan3A_158 to %scan3A_160 step %scan3A_161 iter_args(%scan3A_271 = %scan3A_157) -> (i32)  : i32 {
      %jit3A = arith.constant 8 : i32
      %div3A = arith.divsi %scan3A_270, %jit3A : i32
      %sign3A = arith.constant 0 : i32
      %sign3A_272 = arith.cmpi sgt, %scan3A_270, %sign3A : i32
      %sign3A_273 = arith.extui %sign3A_272 : i1 to i32
      %sign3A_274 = arith.constant 0 : i32
      %sign3A_275 = arith.cmpi slt, %scan3A_270, %sign3A_274 : i32
      %sign3A_276 = arith.extui %sign3A_275 : i1 to i32
      %sign3A_277 = arith.subi %sign3A_273, %sign3A_276 : i32
      %sign3A_278 = arith.constant 0 : i32
      %sign3A_279 = arith.cmpi sgt, %jit3A, %sign3A_278 : i32
      %sign3A_280 = arith.extui %sign3A_279 : i1 to i32
      %sign3A_281 = arith.constant 0 : i32
      %sign3A_282 = arith.cmpi slt, %jit3A, %sign3A_281 : i32
      %sign3A_283 = arith.extui %sign3A_282 : i1 to i32
      %sign3A_284 = arith.subi %sign3A_280, %sign3A_283 : i32
      %ne3A = arith.cmpi ne, %sign3A_277, %sign3A_284 : i32
      %rem3A = arith.remsi %scan3A_270, %jit3A : i32
      %ne3A_285 = arith.constant 0 : i32
      %ne3A_286 = arith.cmpi ne, %rem3A, %ne3A_285 : i32
      %and3A = arith.andi %ne3A, %ne3A_286 : i1
      %sub3A_287 = arith.constant 1 : i32
      %sub3A_288 = arith.subi %div3A, %sub3A_287 : i32
      %select_n3A = arith.select %and3A, %sub3A_288, %div3A : i32
      %jit3A_289 = arith.constant 8 : i32
      %eq3A_290 = arith.constant 0 : i32
      %eq3A_291 = arith.cmpi eq, %jit3A_289, %eq3A_290 : i32
      %jit3A_292 = arith.constant 1 : i32
      %select_n3A_293 = arith.select %eq3A_291, %jit3A_292, %jit3A_289 : i32
      %rem3A_294 = arith.remsi %scan3A_270, %select_n3A_293 : i32
      %ne3A_295 = arith.constant 0 : i32
      %ne3A_296 = arith.cmpi ne, %rem3A_294, %ne3A_295 : i32
      %lt3A = arith.constant 0 : i32
      %lt3A_297 = arith.cmpi slt, %rem3A_294, %lt3A : i32
      %lt3A_298 = arith.constant 0 : i32
      %lt3A_299 = arith.cmpi slt, %select_n3A_293, %lt3A_298 : i32
      %ne3A_300 = arith.xori %lt3A_297, %lt3A_299 : i1
      %and3A_301 = arith.andi %ne3A_300, %ne3A_296 : i1
      %add3A_302 = arith.addi %rem3A_294, %select_n3A_293 : i32
      %select_n3A_303 = arith.select %and3A_301, %add3A_302, %rem3A_294 : i32
      %mul3A_304 = arith.constant 16 : i32
      %mul3A_305 = arith.muli %select_n3A_303, %mul3A_304 : i32
      %swap3A = arith.index_cast %select_n3A : i32 to index
      %swap3A_306 = arith.index_cast %mul3A_305 : i32 to index
      %swap3A_307 = tpu.vector_load %arg10[%swap3A, %swap3A_306] {strides = array<i32>} : memref<320x128xf32, #tpu.memory_space<vmem>>, vector<1x16xf32>,
      %swap3A_308 = vector.shape_cast %swap3A_307 : vector<1x16xf32> to vector<16xf32>
      %swap3A_309 = vector.shape_cast %broadcast_in_dim3A_1 : vector<16xf32> to vector<1x16xf32>
      tpu.vector_store %arg10[%swap3A, %swap3A_306], %swap3A_309 {strides = array<i32>} : memref<320x128xf32, #tpu.memory_space<vmem>>, vector<1x16xf32>,
      %scan3A_310 = arith.constant 0 : i32
      scf.yield %scan3A_310 : i32
    }
    %scan3A_163 = arith.constant 2560 : i32
    %mul3A_164 = arith.constant 624 : i32
    %mul3A_165 = arith.muli %arg1, %mul3A_164 : i32
    %add3A_166 = arith.constant 0 : i32
    %add3A_167 = arith.addi %mul3A_165, %add3A_166 : i32
    "tpu.region"() ({
      %run_scoped3A_270 = tpu.sem_alloc : memref<!tpu.dma_semaphore, #tpu.memory_space<semaphore_mem>>
      %dma_start3A_271 = arith.constant 0 : i32
      %dma_start3A_272 = tpu.memref_slice %arg7[%add3A_167, %dma_start3A_271] : memref<10001x128xf32, #tpu.memory_space<vmem_shared>> -> memref<320x128xf32, #tpu.memory_space<vmem_shared>>
      %dma_start3A_273 = arith.constant 0 : i32
      %dma_start3A_274 = tpu.memref_slice %arg7[%add3A_167, %dma_start3A_273] : memref<10001x128xf32, #tpu.memory_space<vmem_shared>> -> memref<320x128xf32, #tpu.memory_space<vmem_shared>>
      tpu.enqueue_dma source(%arg10 : memref<320x128xf32, #tpu.memory_space<vmem>>) target(%dma_start3A_274 : memref<320x128xf32, #tpu.memory_space<vmem_shared>>) target_semaphore(%run_scoped3A_270 : memref<!tpu.dma_semaphore, #tpu.memory_space<semaphore_mem>>)
      %dma_wait3A_275 = arith.constant 0 : i32
      %dma_wait3A_276 = tpu.memref_slice %arg7[%add3A_167, %dma_wait3A_275] : memref<10001x128xf32, #tpu.memory_space<vmem_shared>> -> memref<320x128xf32, #tpu.memory_space<vmem_shared>>
      %dma_wait3A_277 = arith.constant 0 : i32
      %dma_wait3A_278 = tpu.memref_slice %arg7[%add3A_167, %dma_wait3A_277] : memref<10001x128xf32, #tpu.memory_space<vmem_shared>> -> memref<320x128xf32, #tpu.memory_space<vmem_shared>>
      tpu.wait_dma2 semaphore(%run_scoped3A_270 : memref<!tpu.dma_semaphore, #tpu.memory_space<semaphore_mem>>) src(%arg10 : memref<320x128xf32, #tpu.memory_space<vmem>>) dst(%dma_wait3A_278 : memref<320x128xf32, #tpu.memory_space<vmem_shared>>)
      tpu.yield
    }) : () -> ()
    %mul3A_168 = arith.constant 624 : i32
    %mul3A_169 = arith.muli %arg1, %mul3A_168 : i32
    %add3A_170 = arith.constant 624 : i32
    %add3A_171 = arith.addi %mul3A_169, %add3A_170 : i32
    %sub3A_172 = arith.constant 304 : i32
    %sub3A_173 = arith.subi %add3A_171, %sub3A_172 : i32
    "tpu.region"() ({
      %run_scoped3A_270 = tpu.sem_alloc : memref<!tpu.dma_semaphore, #tpu.memory_space<semaphore_mem>>
      %dma_start3A_271 = arith.constant 0 : i32
      %dma_start3A_272 = arith.constant 0 : i32
      %dma_start3A_273 = tpu.memref_slice %arg10[%dma_start3A_271, %dma_start3A_272] : memref<320x128xf32, #tpu.memory_space<vmem>> -> memref<304x128xf32, #tpu.memory_space<vmem>>
      %dma_start3A_274 = arith.constant 0 : i32
      %dma_start3A_275 = tpu.memref_slice %arg7[%sub3A_173, %dma_start3A_274] : memref<10001x128xf32, #tpu.memory_space<vmem_shared>> -> memref<304x128xf32, #tpu.memory_space<vmem_shared>>
      %dma_start3A_276 = arith.constant 0 : i32
      %dma_start3A_277 = tpu.memref_slice %arg7[%sub3A_173, %dma_start3A_276] : memref<10001x128xf32, #tpu.memory_space<vmem_shared>> -> memref<304x128xf32, #tpu.memory_space<vmem_shared>>
      %dma_start3A_278 = arith.constant 0 : i32
      %dma_start3A_279 = arith.constant 0 : i32
      %dma_start3A_280 = tpu.memref_slice %arg10[%dma_start3A_278, %dma_start3A_279] : memref<320x128xf32, #tpu.memory_space<vmem>> -> memref<304x128xf32, #tpu.memory_space<vmem>>
      tpu.enqueue_dma source(%dma_start3A_280 : memref<304x128xf32, #tpu.memory_space<vmem>>) target(%dma_start3A_277 : memref<304x128xf32, #tpu.memory_space<vmem_shared>>) target_semaphore(%run_scoped3A_270 : memref<!tpu.dma_semaphore, #tpu.memory_space<semaphore_mem>>)
      %dma_wait3A_281 = arith.constant 0 : i32
      %dma_wait3A_282 = arith.constant 0 : i32
      %dma_wait3A_283 = tpu.memref_slice %arg10[%dma_wait3A_281, %dma_wait3A_282] : memref<320x128xf32, #tpu.memory_space<vmem>> -> memref<304x128xf32, #tpu.memory_space<vmem>>
      %dma_wait3A_284 = arith.constant 0 : i32
      %dma_wait3A_285 = tpu.memref_slice %arg7[%sub3A_173, %dma_wait3A_284] : memref<10001x128xf32, #tpu.memory_space<vmem_shared>> -> memref<304x128xf32, #tpu.memory_space<vmem_shared>>
      %dma_wait3A_286 = arith.constant 0 : i32
      %dma_wait3A_287 = tpu.memref_slice %arg7[%sub3A_173, %dma_wait3A_286] : memref<10001x128xf32, #tpu.memory_space<vmem_shared>> -> memref<304x128xf32, #tpu.memory_space<vmem_shared>>
      %dma_wait3A_288 = arith.constant 0 : i32
      %dma_wait3A_289 = arith.constant 0 : i32
      %dma_wait3A_290 = tpu.memref_slice %arg10[%dma_wait3A_288, %dma_wait3A_289] : memref<320x128xf32, #tpu.memory_space<vmem>> -> memref<304x128xf32, #tpu.memory_space<vmem>>
      tpu.wait_dma2 semaphore(%run_scoped3A_270 : memref<!tpu.dma_semaphore, #tpu.memory_space<semaphore_mem>>) src(%dma_wait3A_290 : memref<304x128xf32, #tpu.memory_space<vmem>>) dst(%dma_wait3A_287 : memref<304x128xf32, #tpu.memory_space<vmem_shared>>)
      tpu.yield
    }) : () -> ()
    %eq3A_174 = arith.constant 15 : i32
    %eq3A_175 = arith.cmpi eq, %arg1, %eq3A_174 : i32
    %convert_element_type3A_176 = arith.extui %eq3A_175 : i1 to i32
    %cond3A_177 = arith.constant 0 : i32
    %cond3A_178 = arith.cmpi ne, %convert_element_type3A_176, %cond3A_177 : i32
    scf.if %cond3A_178 {
      "tpu.region"() ({
        %run_scoped3A_270 = tpu.sem_alloc : memref<!tpu.dma_semaphore, #tpu.memory_space<semaphore_mem>>
        %dma_start3A_271 = arith.constant 0 : i32
        %dma_start3A_272 = arith.constant 0 : i32
        %dma_start3A_273 = tpu.memref_slice %arg10[%dma_start3A_271, %dma_start3A_272] : memref<320x128xf32, #tpu.memory_space<vmem>> -> memref<17x128xf32, #tpu.memory_space<vmem>>
        %dma_start3A_274 = arith.constant 9984 : i32
        %dma_start3A_275 = arith.constant 0 : i32
        %dma_start3A_276 = tpu.memref_slice %arg7[%dma_start3A_274, %dma_start3A_275] : memref<10001x128xf32, #tpu.memory_space<vmem_shared>> -> memref<17x128xf32, #tpu.memory_space<vmem_shared>>
        %dma_start3A_277 = arith.constant 9984 : i32
        %dma_start3A_278 = arith.constant 0 : i32
        %dma_start3A_279 = tpu.memref_slice %arg7[%dma_start3A_277, %dma_start3A_278] : memref<10001x128xf32, #tpu.memory_space<vmem_shared>> -> memref<17x128xf32, #tpu.memory_space<vmem_shared>>
        %dma_start3A_280 = arith.constant 0 : i32
        %dma_start3A_281 = arith.constant 0 : i32
        %dma_start3A_282 = tpu.memref_slice %arg10[%dma_start3A_280, %dma_start3A_281] : memref<320x128xf32, #tpu.memory_space<vmem>> -> memref<17x128xf32, #tpu.memory_space<vmem>>
        tpu.enqueue_dma source(%dma_start3A_282 : memref<17x128xf32, #tpu.memory_space<vmem>>) target(%dma_start3A_279 : memref<17x128xf32, #tpu.memory_space<vmem_shared>>) target_semaphore(%run_scoped3A_270 : memref<!tpu.dma_semaphore, #tpu.memory_space<semaphore_mem>>)
        %dma_wait3A_283 = arith.constant 0 : i32
        %dma_wait3A_284 = arith.constant 0 : i32
        %dma_wait3A_285 = tpu.memref_slice %arg10[%dma_wait3A_283, %dma_wait3A_284] : memref<320x128xf32, #tpu.memory_space<vmem>> -> memref<17x128xf32, #tpu.memory_space<vmem>>
        %dma_wait3A_286 = arith.constant 9984 : i32
        %dma_wait3A_287 = arith.constant 0 : i32
        %dma_wait3A_288 = tpu.memref_slice %arg7[%dma_wait3A_286, %dma_wait3A_287] : memref<10001x128xf32, #tpu.memory_space<vmem_shared>> -> memref<17x128xf32, #tpu.memory_space<vmem_shared>>
        %dma_wait3A_289 = arith.constant 9984 : i32
        %dma_wait3A_290 = arith.constant 0 : i32
        %dma_wait3A_291 = tpu.memref_slice %arg7[%dma_wait3A_289, %dma_wait3A_290] : memref<10001x128xf32, #tpu.memory_space<vmem_shared>> -> memref<17x128xf32, #tpu.memory_space<vmem_shared>>
        %dma_wait3A_292 = arith.constant 0 : i32
        %dma_wait3A_293 = arith.constant 0 : i32
        %dma_wait3A_294 = tpu.memref_slice %arg10[%dma_wait3A_292, %dma_wait3A_293] : memref<320x128xf32, #tpu.memory_space<vmem>> -> memref<17x128xf32, #tpu.memory_space<vmem>>
        tpu.wait_dma2 semaphore(%run_scoped3A_270 : memref<!tpu.dma_semaphore, #tpu.memory_space<semaphore_mem>>) src(%dma_wait3A_294 : memref<17x128xf32, #tpu.memory_space<vmem>>) dst(%dma_wait3A_291 : memref<17x128xf32, #tpu.memory_space<vmem_shared>>)
        tpu.yield
      }) : () -> ()
    } else {
    }
    %barrier3A_179 = arith.constant 0 : index
    tpu.barrier barrier_id(%barrier3A_179)
    %broadcast_in_dim3A_180 = arith.constant 1.000000e+00 : f32
    %broadcast_in_dim3A_181 = vector.broadcast %broadcast_in_dim3A_180 : f32 to vector<16xf32>
    %scan3A_182 = arith.constant 0 : i32
    %scan3A_183 = arith.constant 0 : i32
    %scan3A_184 = arith.constant 640 : i32
    %scan3A_185 = arith.addi %scan3A_183, %scan3A_184 : i32
    %scan3A_186 = arith.constant 1 : i32
    %scan3A_187 = scf.for %scan3A_270 = %scan3A_183 to %scan3A_185 step %scan3A_186 iter_args(%scan3A_271 = %scan3A_182) -> (i32)  : i32 {
      %jit3A = arith.constant 8 : i32
      %div3A = arith.divsi %scan3A_270, %jit3A : i32
      %sign3A = arith.constant 0 : i32
      %sign3A_272 = arith.cmpi sgt, %scan3A_270, %sign3A : i32
      %sign3A_273 = arith.extui %sign3A_272 : i1 to i32
      %sign3A_274 = arith.constant 0 : i32
      %sign3A_275 = arith.cmpi slt, %scan3A_270, %sign3A_274 : i32
      %sign3A_276 = arith.extui %sign3A_275 : i1 to i32
      %sign3A_277 = arith.subi %sign3A_273, %sign3A_276 : i32
      %sign3A_278 = arith.constant 0 : i32
      %sign3A_279 = arith.cmpi sgt, %jit3A, %sign3A_278 : i32
      %sign3A_280 = arith.extui %sign3A_279 : i1 to i32
      %sign3A_281 = arith.constant 0 : i32
      %sign3A_282 = arith.cmpi slt, %jit3A, %sign3A_281 : i32
      %sign3A_283 = arith.extui %sign3A_282 : i1 to i32
      %sign3A_284 = arith.subi %sign3A_280, %sign3A_283 : i32
      %ne3A = arith.cmpi ne, %sign3A_277, %sign3A_284 : i32
      %rem3A = arith.remsi %scan3A_270, %jit3A : i32
      %ne3A_285 = arith.constant 0 : i32
      %ne3A_286 = arith.cmpi ne, %rem3A, %ne3A_285 : i32
      %and3A = arith.andi %ne3A, %ne3A_286 : i1
      %sub3A_287 = arith.constant 1 : i32
      %sub3A_288 = arith.subi %div3A, %sub3A_287 : i32
      %select_n3A = arith.select %and3A, %sub3A_288, %div3A : i32
      %jit3A_289 = arith.constant 8 : i32
      %eq3A_290 = arith.constant 0 : i32
      %eq3A_291 = arith.cmpi eq, %jit3A_289, %eq3A_290 : i32
      %jit3A_292 = arith.constant 1 : i32
      %select_n3A_293 = arith.select %eq3A_291, %jit3A_292, %jit3A_289 : i32
      %rem3A_294 = arith.remsi %scan3A_270, %select_n3A_293 : i32
      %ne3A_295 = arith.constant 0 : i32
      %ne3A_296 = arith.cmpi ne, %rem3A_294, %ne3A_295 : i32
      %lt3A = arith.constant 0 : i32
      %lt3A_297 = arith.cmpi slt, %rem3A_294, %lt3A : i32
      %lt3A_298 = arith.constant 0 : i32
      %lt3A_299 = arith.cmpi slt, %select_n3A_293, %lt3A_298 : i32
      %ne3A_300 = arith.xori %lt3A_297, %lt3A_299 : i1
      %and3A_301 = arith.andi %ne3A_300, %ne3A_296 : i1
      %add3A_302 = arith.addi %rem3A_294, %select_n3A_293 : i32
      %select_n3A_303 = arith.select %and3A_301, %add3A_302, %rem3A_294 : i32
      %mul3A_304 = arith.constant 16 : i32
      %mul3A_305 = arith.muli %select_n3A_303, %mul3A_304 : i32
      %swap3A = arith.index_cast %select_n3A : i32 to index
      %swap3A_306 = arith.index_cast %mul3A_305 : i32 to index
      %swap3A_307 = tpu.vector_load %arg10[%swap3A, %swap3A_306] {strides = array<i32>} : memref<320x128xf32, #tpu.memory_space<vmem>>, vector<1x16xf32>,
      %swap3A_308 = vector.shape_cast %swap3A_307 : vector<1x16xf32> to vector<16xf32>
      %swap3A_309 = vector.shape_cast %broadcast_in_dim3A_181 : vector<16xf32> to vector<1x16xf32>
      tpu.vector_store %arg10[%swap3A, %swap3A_306], %swap3A_309 {strides = array<i32>} : memref<320x128xf32, #tpu.memory_space<vmem>>, vector<1x16xf32>,
      %scan3A_310 = arith.constant 0 : i32
      scf.yield %scan3A_310 : i32
    }
    %scan3A_188 = arith.constant 640 : i32
    %add3A_189 = arith.constant 0 : i32
    %add3A_190 = arith.addi %mul3A_20, %add3A_189 : i32
    %dma_start3A_191 = arith.constant 0 : i32
    %dma_start3A_192 = arith.constant 0 : i32
    %dma_start3A_193 = tpu.memref_slice %arg9[%dma_start3A_191, %dma_start3A_192] : memref<8x80xi32, #tpu.memory_space<vmem>> -> memref<1x80xi32, #tpu.memory_space<vmem>>
    %dma_start3A_194 = tpu.memref_squeeze %dma_start3A_193 : memref<1x80xi32, #tpu.memory_space<vmem>> -> memref<80xi32, #tpu.memory_space<vmem>>
    %dma_start3A_195 = tpu.memref_slice %arg4[%add3A_190] : memref<320000xi32, #tpu.memory_space<hbm>> -> memref<80xi32, #tpu.memory_space<hbm>>
    %dma_start3A_196 = arith.constant 0 : i32
    %dma_start3A_197 = tpu.memref_slice %arg9[%dma_start3A_191, %dma_start3A_196] : memref<8x80xi32, #tpu.memory_space<vmem>> -> memref<1x80xi32, #tpu.memory_space<vmem>>
    %dma_start3A_198 = tpu.memref_squeeze %dma_start3A_197 : memref<1x80xi32, #tpu.memory_space<vmem>> -> memref<80xi32, #tpu.memory_space<vmem>>
    %dma_start3A_199 = tpu.memref_slice %arg4[%add3A_190] : memref<320000xi32, #tpu.memory_space<hbm>> -> memref<80xi32, #tpu.memory_space<hbm>>
    tpu.enqueue_dma source(%dma_start3A_199 : memref<80xi32, #tpu.memory_space<hbm>>) target(%dma_start3A_198 : memref<80xi32, #tpu.memory_space<vmem>>) target_semaphore(%arg12 : memref<!tpu.dma_semaphore, #tpu.memory_space<semaphore_mem>>)
    %add3A_200 = arith.constant 80 : i32
    %add3A_201 = arith.addi %mul3A_20, %add3A_200 : i32
    %dma_start3A_202 = arith.constant 1 : i32
    %dma_start3A_203 = arith.constant 0 : i32
    %dma_start3A_204 = tpu.memref_slice %arg9[%dma_start3A_202, %dma_start3A_203] : memref<8x80xi32, #tpu.memory_space<vmem>> -> memref<1x80xi32, #tpu.memory_space<vmem>>
    %dma_start3A_205 = tpu.memref_squeeze %dma_start3A_204 : memref<1x80xi32, #tpu.memory_space<vmem>> -> memref<80xi32, #tpu.memory_space<vmem>>
    %dma_start3A_206 = tpu.memref_slice %arg4[%add3A_201] : memref<320000xi32, #tpu.memory_space<hbm>> -> memref<80xi32, #tpu.memory_space<hbm>>
    %dma_start3A_207 = arith.constant 0 : i32
    %dma_start3A_208 = tpu.memref_slice %arg9[%dma_start3A_202, %dma_start3A_207] : memref<8x80xi32, #tpu.memory_space<vmem>> -> memref<1x80xi32, #tpu.memory_space<vmem>>
    %dma_start3A_209 = tpu.memref_squeeze %dma_start3A_208 : memref<1x80xi32, #tpu.memory_space<vmem>> -> memref<80xi32, #tpu.memory_space<vmem>>
    %dma_start3A_210 = tpu.memref_slice %arg4[%add3A_201] : memref<320000xi32, #tpu.memory_space<hbm>> -> memref<80xi32, #tpu.memory_space<hbm>>
    tpu.enqueue_dma source(%dma_start3A_210 : memref<80xi32, #tpu.memory_space<hbm>>) target(%dma_start3A_209 : memref<80xi32, #tpu.memory_space<vmem>>) target_semaphore(%arg12 : memref<!tpu.dma_semaphore, #tpu.memory_space<semaphore_mem>>)
    %add3A_211 = arith.constant 160 : i32
    %add3A_212 = arith.addi %mul3A_20, %add3A_211 : i32
    %dma_start3A_213 = arith.constant 2 : i32
    %dma_start3A_214 = arith.constant 0 : i32
    %dma_start3A_215 = tpu.memref_slice %arg9[%dma_start3A_213, %dma_start3A_214] : memref<8x80xi32, #tpu.memory_space<vmem>> -> memref<1x80xi32, #tpu.memory_space<vmem>>
    %dma_start3A_216 = tpu.memref_squeeze %dma_start3A_215 : memref<1x80xi32, #tpu.memory_space<vmem>> -> memref<80xi32, #tpu.memory_space<vmem>>
    %dma_start3A_217 = tpu.memref_slice %arg4[%add3A_212] : memref<320000xi32, #tpu.memory_space<hbm>> -> memref<80xi32, #tpu.memory_space<hbm>>
    %dma_start3A_218 = arith.constant 0 : i32
    %dma_start3A_219 = tpu.memref_slice %arg9[%dma_start3A_213, %dma_start3A_218] : memref<8x80xi32, #tpu.memory_space<vmem>> -> memref<1x80xi32, #tpu.memory_space<vmem>>
    %dma_start3A_220 = tpu.memref_squeeze %dma_start3A_219 : memref<1x80xi32, #tpu.memory_space<vmem>> -> memref<80xi32, #tpu.memory_space<vmem>>
    %dma_start3A_221 = tpu.memref_slice %arg4[%add3A_212] : memref<320000xi32, #tpu.memory_space<hbm>> -> memref<80xi32, #tpu.memory_space<hbm>>
    tpu.enqueue_dma source(%dma_start3A_221 : memref<80xi32, #tpu.memory_space<hbm>>) target(%dma_start3A_220 : memref<80xi32, #tpu.memory_space<vmem>>) target_semaphore(%arg12 : memref<!tpu.dma_semaphore, #tpu.memory_space<semaphore_mem>>)
    %add3A_222 = arith.constant 240 : i32
    %add3A_223 = arith.addi %mul3A_20, %add3A_222 : i32
    %dma_start3A_224 = arith.constant 3 : i32
    %dma_start3A_225 = arith.constant 0 : i32
    %dma_start3A_226 = tpu.memref_slice %arg9[%dma_start3A_224, %dma_start3A_225] : memref<8x80xi32, #tpu.memory_space<vmem>> -> memref<1x80xi32, #tpu.memory_space<vmem>>
    %dma_start3A_227 = tpu.memref_squeeze %dma_start3A_226 : memref<1x80xi32, #tpu.memory_space<vmem>> -> memref<80xi32, #tpu.memory_space<vmem>>
    %dma_start3A_228 = tpu.memref_slice %arg4[%add3A_223] : memref<320000xi32, #tpu.memory_space<hbm>> -> memref<80xi32, #tpu.memory_space<hbm>>
    %dma_start3A_229 = arith.constant 0 : i32
    %dma_start3A_230 = tpu.memref_slice %arg9[%dma_start3A_224, %dma_start3A_229] : memref<8x80xi32, #tpu.memory_space<vmem>> -> memref<1x80xi32, #tpu.memory_space<vmem>>
    %dma_start3A_231 = tpu.memref_squeeze %dma_start3A_230 : memref<1x80xi32, #tpu.memory_space<vmem>> -> memref<80xi32, #tpu.memory_space<vmem>>
    %dma_start3A_232 = tpu.memref_slice %arg4[%add3A_223] : memref<320000xi32, #tpu.memory_space<hbm>> -> memref<80xi32, #tpu.memory_space<hbm>>
    tpu.enqueue_dma source(%dma_start3A_232 : memref<80xi32, #tpu.memory_space<hbm>>) target(%dma_start3A_231 : memref<80xi32, #tpu.memory_space<vmem>>) target_semaphore(%arg12 : memref<!tpu.dma_semaphore, #tpu.memory_space<semaphore_mem>>)
    %scan3A_233 = arith.constant 0 : i32
    %scan3A_234 = arith.constant 0 : i32
    %scan3A_235 = arith.constant 125 : i32
    %scan3A_236 = arith.addi %scan3A_234, %scan3A_235 : i32
    %scan3A_237 = arith.constant 1 : i32
    %scan3A_238 = scf.for %scan3A_270 = %scan3A_234 to %scan3A_236 step %scan3A_237 iter_args(%scan3A_271 = %scan3A_233) -> (i32)  : i32 {
      %mul3A_272 = arith.constant 80 : i32
      %mul3A_273 = arith.muli %scan3A_270, %mul3A_272 : i32
      %add3A_274 = arith.addi %mul3A_20, %mul3A_273 : i32
      %jit3A = arith.constant 8 : i32
      %eq3A_275 = arith.constant 0 : i32
      %eq3A_276 = arith.cmpi eq, %jit3A, %eq3A_275 : i32
      %jit3A_277 = arith.constant 1 : i32
      %select_n3A = arith.select %eq3A_276, %jit3A_277, %jit3A : i32
      %rem3A = arith.remsi %scan3A_270, %select_n3A : i32
      %ne3A = arith.constant 0 : i32
      %ne3A_278 = arith.cmpi ne, %rem3A, %ne3A : i32
      %lt3A = arith.constant 0 : i32
      %lt3A_279 = arith.cmpi slt, %rem3A, %lt3A : i32
      %lt3A_280 = arith.constant 0 : i32
      %lt3A_281 = arith.cmpi slt, %select_n3A, %lt3A_280 : i32
      %ne3A_282 = arith.xori %lt3A_279, %lt3A_281 : i1
      %and3A = arith.andi %ne3A_282, %ne3A_278 : i1
      %add3A_283 = arith.addi %rem3A, %select_n3A : i32
      %select_n3A_284 = arith.select %and3A, %add3A_283, %rem3A : i32
      %dma_wait3A_285 = arith.constant 0 : i32
      %dma_wait3A_286 = tpu.memref_slice %arg9[%select_n3A_284, %dma_wait3A_285] : memref<8x80xi32, #tpu.memory_space<vmem>> -> memref<1x80xi32, #tpu.memory_space<vmem>>
      %dma_wait3A_287 = tpu.memref_squeeze %dma_wait3A_286 : memref<1x80xi32, #tpu.memory_space<vmem>> -> memref<80xi32, #tpu.memory_space<vmem>>
      %dma_wait3A_288 = tpu.memref_slice %arg4[%add3A_274] : memref<320000xi32, #tpu.memory_space<hbm>> -> memref<80xi32, #tpu.memory_space<hbm>>
      %dma_wait3A_289 = arith.constant 0 : i32
      %dma_wait3A_290 = tpu.memref_slice %arg9[%select_n3A_284, %dma_wait3A_289] : memref<8x80xi32, #tpu.memory_space<vmem>> -> memref<1x80xi32, #tpu.memory_space<vmem>>
      %dma_wait3A_291 = tpu.memref_squeeze %dma_wait3A_290 : memref<1x80xi32, #tpu.memory_space<vmem>> -> memref<80xi32, #tpu.memory_space<vmem>>
      %dma_wait3A_292 = tpu.memref_slice %arg4[%add3A_274] : memref<320000xi32, #tpu.memory_space<hbm>> -> memref<80xi32, #tpu.memory_space<hbm>>
      tpu.wait_dma2 semaphore(%arg12 : memref<!tpu.dma_semaphore, #tpu.memory_space<semaphore_mem>>) src(%dma_wait3A_292 : memref<80xi32, #tpu.memory_space<hbm>>) dst(%dma_wait3A_291 : memref<80xi32, #tpu.memory_space<vmem>>)
      %jit3A_293 = arith.constant 8 : i32
      %eq3A_294 = arith.constant 0 : i32
      %eq3A_295 = arith.cmpi eq, %jit3A_293, %eq3A_294 : i32
      %jit3A_296 = arith.constant 1 : i32
      %select_n3A_297 = arith.select %eq3A_295, %jit3A_296, %jit3A_293 : i32
      %rem3A_298 = arith.remsi %scan3A_270, %select_n3A_297 : i32
      %ne3A_299 = arith.constant 0 : i32
      %ne3A_300 = arith.cmpi ne, %rem3A_298, %ne3A_299 : i32
      %lt3A_301 = arith.constant 0 : i32
      %lt3A_302 = arith.cmpi slt, %rem3A_298, %lt3A_301 : i32
      %lt3A_303 = arith.constant 0 : i32
      %lt3A_304 = arith.cmpi slt, %select_n3A_297, %lt3A_303 : i32
      %ne3A_305 = arith.xori %lt3A_302, %lt3A_304 : i1
      %and3A_306 = arith.andi %ne3A_305, %ne3A_300 : i1
      %add3A_307 = arith.addi %rem3A_298, %select_n3A_297 : i32
      %select_n3A_308 = arith.select %and3A_306, %add3A_307, %rem3A_298 : i32
      %dma_start3A_309 = arith.constant 0 : i32
      %dma_start3A_310 = arith.constant 0 : i32
      %dma_start3A_311 = tpu.memref_slice %arg10[%dma_start3A_309, %dma_start3A_310] : memref<320x128xf32, #tpu.memory_space<vmem>> -> memref<80x128xf32, #tpu.memory_space<vmem>>
      %dma_start3A_312 = arith.constant 0 : i32
      %dma_start3A_313 = tpu.memref_slice %arg9[%select_n3A_308, %dma_start3A_312] : memref<8x80xi32, #tpu.memory_space<vmem>> -> memref<1x80xi32, #tpu.memory_space<vmem>>
      %dma_start3A_314 = tpu.memref_squeeze %dma_start3A_313 : memref<1x80xi32, #tpu.memory_space<vmem>> -> memref<80xi32, #tpu.memory_space<vmem>>
      %dma_start3A_315 = arith.constant 0 : i32
      %dma_start3A_316 = arith.constant 0 : i32
      %dma_start3A_317 = tpu.memref_slice %arg7[%dma_start3A_315, %dma_start3A_316] : memref<10001x128xf32, #tpu.memory_space<vmem_shared>> -> memref<10001x128xf32, #tpu.memory_space<vmem_shared>>
      tpu.enqueue_indirect_dma source(%dma_start3A_311 : memref<80x128xf32, #tpu.memory_space<vmem>>) target(%dma_start3A_317 : memref<10001x128xf32, #tpu.memory_space<vmem_shared>>) offsets(%dma_start3A_314 : memref<80xi32, #tpu.memory_space<vmem>>) semaphore(%arg11 : memref<!tpu.dma_semaphore, #tpu.memory_space<semaphore_mem>>) {add = true}
      %gt3A = arith.constant 1 : i32
      %gt3A_318 = arith.cmpi sgt, %scan3A_270, %gt3A : i32
      %convert_element_type3A_319 = arith.extui %gt3A_318 : i1 to i32
      %cond3A_320 = arith.constant 0 : i32
      %cond3A_321 = arith.cmpi ne, %convert_element_type3A_319, %cond3A_320 : i32
      scf.if %cond3A_321 {
        %sub3A_330 = arith.constant 2 : i32
        %sub3A_331 = arith.subi %scan3A_270, %sub3A_330 : i32
        %jit3A_332 = arith.constant 8 : i32
        %eq3A_333 = arith.constant 0 : i32
        %eq3A_334 = arith.cmpi eq, %jit3A_332, %eq3A_333 : i32
        %jit3A_335 = arith.constant 1 : i32
        %select_n3A_336 = arith.select %eq3A_334, %jit3A_335, %jit3A_332 : i32
        %rem3A_337 = arith.remsi %sub3A_331, %select_n3A_336 : i32
        %ne3A_338 = arith.constant 0 : i32
        %ne3A_339 = arith.cmpi ne, %rem3A_337, %ne3A_338 : i32
        %lt3A_340 = arith.constant 0 : i32
        %lt3A_341 = arith.cmpi slt, %rem3A_337, %lt3A_340 : i32
        %lt3A_342 = arith.constant 0 : i32
        %lt3A_343 = arith.cmpi slt, %select_n3A_336, %lt3A_342 : i32
        %ne3A_344 = arith.xori %lt3A_341, %lt3A_343 : i1
        %and3A_345 = arith.andi %ne3A_344, %ne3A_339 : i1
        %add3A_346 = arith.addi %rem3A_337, %select_n3A_336 : i32
        %select_n3A_347 = arith.select %and3A_345, %add3A_346, %rem3A_337 : i32
        %dma_wait3A_348 = arith.constant 0 : i32
        %dma_wait3A_349 = arith.constant 0 : i32
        %dma_wait3A_350 = tpu.memref_slice %arg10[%dma_wait3A_348, %dma_wait3A_349] : memref<320x128xf32, #tpu.memory_space<vmem>> -> memref<80x128xf32, #tpu.memory_space<vmem>>
        %dma_wait3A_351 = arith.constant 0 : i32
        %dma_wait3A_352 = tpu.memref_slice %arg9[%select_n3A_347, %dma_wait3A_351] : memref<8x80xi32, #tpu.memory_space<vmem>> -> memref<1x80xi32, #tpu.memory_space<vmem>>
        %dma_wait3A_353 = tpu.memref_squeeze %dma_wait3A_352 : memref<1x80xi32, #tpu.memory_space<vmem>> -> memref<80xi32, #tpu.memory_space<vmem>>
        %dma_wait3A_354 = arith.constant 0 : i32
        %dma_wait3A_355 = arith.constant 0 : i32
        %dma_wait3A_356 = tpu.memref_slice %arg7[%dma_wait3A_354, %dma_wait3A_355] : memref<10001x128xf32, #tpu.memory_space<vmem_shared>> -> memref<10001x128xf32, #tpu.memory_space<vmem_shared>>
        tpu.wait_indirect_dma semaphore(%arg11 : memref<!tpu.dma_semaphore, #tpu.memory_space<semaphore_mem>>) src(%dma_wait3A_350 : memref<80x128xf32, #tpu.memory_space<vmem>>) dst(%dma_wait3A_356 : memref<10001x128xf32, #tpu.memory_space<vmem_shared>>)
      } else {
      }
      %add3A_322 = arith.constant 4 : i32
      %add3A_323 = arith.addi %scan3A_270, %add3A_322 : i32
      %lt3A_324 = arith.constant 125 : i32
      %lt3A_325 = arith.cmpi slt, %add3A_323, %lt3A_324 : i32
      %convert_element_type3A_326 = arith.extui %lt3A_325 : i1 to i32
      %cond3A_327 = arith.constant 0 : i32
      %cond3A_328 = arith.cmpi ne, %convert_element_type3A_326, %cond3A_327 : i32
      scf.if %cond3A_328 {
        %add3A_330 = arith.constant 4 : i32
        %add3A_331 = arith.addi %scan3A_270, %add3A_330 : i32
        %mul3A_332 = arith.constant 80 : i32
        %mul3A_333 = arith.muli %add3A_331, %mul3A_332 : i32
        %add3A_334 = arith.addi %mul3A_20, %mul3A_333 : i32
        %jit3A_335 = arith.constant 8 : i32
        %eq3A_336 = arith.constant 0 : i32
        %eq3A_337 = arith.cmpi eq, %jit3A_335, %eq3A_336 : i32
        %jit3A_338 = arith.constant 1 : i32
        %select_n3A_339 = arith.select %eq3A_337, %jit3A_338, %jit3A_335 : i32
        %rem3A_340 = arith.remsi %add3A_331, %select_n3A_339 : i32
        %ne3A_341 = arith.constant 0 : i32
        %ne3A_342 = arith.cmpi ne, %rem3A_340, %ne3A_341 : i32
        %lt3A_343 = arith.constant 0 : i32
        %lt3A_344 = arith.cmpi slt, %rem3A_340, %lt3A_343 : i32
        %lt3A_345 = arith.constant 0 : i32
        %lt3A_346 = arith.cmpi slt, %select_n3A_339, %lt3A_345 : i32
        %ne3A_347 = arith.xori %lt3A_344, %lt3A_346 : i1
        %and3A_348 = arith.andi %ne3A_347, %ne3A_342 : i1
        %add3A_349 = arith.addi %rem3A_340, %select_n3A_339 : i32
        %select_n3A_350 = arith.select %and3A_348, %add3A_349, %rem3A_340 : i32
        %dma_start3A_351 = arith.constant 0 : i32
        %dma_start3A_352 = tpu.memref_slice %arg9[%select_n3A_350, %dma_start3A_351] : memref<8x80xi32, #tpu.memory_space<vmem>> -> memref<1x80xi32, #tpu.memory_space<vmem>>
        %dma_start3A_353 = tpu.memref_squeeze %dma_start3A_352 : memref<1x80xi32, #tpu.memory_space<vmem>> -> memref<80xi32, #tpu.memory_space<vmem>>
        %dma_start3A_354 = tpu.memref_slice %arg4[%add3A_334] : memref<320000xi32, #tpu.memory_space<hbm>> -> memref<80xi32, #tpu.memory_space<hbm>>
        %dma_start3A_355 = arith.constant 0 : i32
        %dma_start3A_356 = tpu.memref_slice %arg9[%select_n3A_350, %dma_start3A_355] : memref<8x80xi32, #tpu.memory_space<vmem>> -> memref<1x80xi32, #tpu.memory_space<vmem>>
        %dma_start3A_357 = tpu.memref_squeeze %dma_start3A_356 : memref<1x80xi32, #tpu.memory_space<vmem>> -> memref<80xi32, #tpu.memory_space<vmem>>
        %dma_start3A_358 = tpu.memref_slice %arg4[%add3A_334] : memref<320000xi32, #tpu.memory_space<hbm>> -> memref<80xi32, #tpu.memory_space<hbm>>
        tpu.enqueue_dma source(%dma_start3A_358 : memref<80xi32, #tpu.memory_space<hbm>>) target(%dma_start3A_357 : memref<80xi32, #tpu.memory_space<vmem>>) target_semaphore(%arg12 : memref<!tpu.dma_semaphore, #tpu.memory_space<semaphore_mem>>)
      } else {
      }
      %scan3A_329 = arith.constant 0 : i32
      scf.yield %scan3A_329 : i32
    }
    %scan3A_239 = arith.constant 125 : i32
    %dma_wait3A_240 = arith.constant 3 : i32
    %dma_wait3A_241 = arith.constant 0 : i32
    %dma_wait3A_242 = arith.constant 0 : i32
    %dma_wait3A_243 = tpu.memref_slice %arg10[%dma_wait3A_241, %dma_wait3A_242] : memref<320x128xf32, #tpu.memory_space<vmem>> -> memref<80x128xf32, #tpu.memory_space<vmem>>
    %dma_wait3A_244 = arith.constant 0 : i32
    %dma_wait3A_245 = tpu.memref_slice %arg9[%dma_wait3A_240, %dma_wait3A_244] : memref<8x80xi32, #tpu.memory_space<vmem>> -> memref<1x80xi32, #tpu.memory_space<vmem>>
    %dma_wait3A_246 = tpu.memref_squeeze %dma_wait3A_245 : memref<1x80xi32, #tpu.memory_space<vmem>> -> memref<80xi32, #tpu.memory_space<vmem>>
    %dma_wait3A_247 = arith.constant 0 : i32
    %dma_wait3A_248 = arith.constant 0 : i32
    %dma_wait3A_249 = tpu.memref_slice %arg7[%dma_wait3A_247, %dma_wait3A_248] : memref<10001x128xf32, #tpu.memory_space<vmem_shared>> -> memref<10001x128xf32, #tpu.memory_space<vmem_shared>>
    tpu.wait_indirect_dma semaphore(%arg11 : memref<!tpu.dma_semaphore, #tpu.memory_space<semaphore_mem>>) src(%dma_wait3A_243 : memref<80x128xf32, #tpu.memory_space<vmem>>) dst(%dma_wait3A_249 : memref<10001x128xf32, #tpu.memory_space<vmem_shared>>)
    %dma_wait3A_250 = arith.constant 4 : i32
    %dma_wait3A_251 = arith.constant 0 : i32
    %dma_wait3A_252 = arith.constant 0 : i32
    %dma_wait3A_253 = tpu.memref_slice %arg10[%dma_wait3A_251, %dma_wait3A_252] : memref<320x128xf32, #tpu.memory_space<vmem>> -> memref<80x128xf32, #tpu.memory_space<vmem>>
    %dma_wait3A_254 = arith.constant 0 : i32
    %dma_wait3A_255 = tpu.memref_slice %arg9[%dma_wait3A_250, %dma_wait3A_254] : memref<8x80xi32, #tpu.memory_space<vmem>> -> memref<1x80xi32, #tpu.memory_space<vmem>>
    %dma_wait3A_256 = tpu.memref_squeeze %dma_wait3A_255 : memref<1x80xi32, #tpu.memory_space<vmem>> -> memref<80xi32, #tpu.memory_space<vmem>>
    %dma_wait3A_257 = arith.constant 0 : i32
    %dma_wait3A_258 = arith.constant 0 : i32
    %dma_wait3A_259 = tpu.memref_slice %arg7[%dma_wait3A_257, %dma_wait3A_258] : memref<10001x128xf32, #tpu.memory_space<vmem_shared>> -> memref<10001x128xf32, #tpu.memory_space<vmem_shared>>
    tpu.wait_indirect_dma semaphore(%arg11 : memref<!tpu.dma_semaphore, #tpu.memory_space<semaphore_mem>>) src(%dma_wait3A_253 : memref<80x128xf32, #tpu.memory_space<vmem>>) dst(%dma_wait3A_259 : memref<10001x128xf32, #tpu.memory_space<vmem_shared>>)
    %barrier3A_260 = arith.constant 0 : index
    tpu.barrier barrier_id(%barrier3A_260)
    %mul3A_261 = arith.constant 624 : i32
    %mul3A_262 = arith.muli %arg1, %mul3A_261 : i32
    %mul3A_263 = arith.constant 624 : i32
    %mul3A_264 = arith.muli %arg1, %mul3A_263 : i32
    "tpu.region"() ({
      %run_scoped3A_270 = tpu.sem_alloc : memref<!tpu.dma_semaphore, #tpu.memory_space<semaphore_mem>>
      %dma_start3A_271 = arith.constant 0 : i32
      %dma_start3A_272 = tpu.memref_slice %arg6[%arg0, %mul3A_264, %dma_start3A_271] : memref<2x10000x128xf32, #tpu.memory_space<hbm>> -> memref<1x624x128xf32, #tpu.memory_space<hbm>>
      %dma_start3A_273 = tpu.memref_squeeze %dma_start3A_272 : memref<1x624x128xf32, #tpu.memory_space<hbm>> -> memref<624x128xf32, #tpu.memory_space<hbm>>
      %dma_start3A_274 = arith.constant 0 : i32
      %dma_start3A_275 = tpu.memref_slice %arg7[%mul3A_262, %dma_start3A_274] : memref<10001x128xf32, #tpu.memory_space<vmem_shared>> -> memref<624x128xf32, #tpu.memory_space<vmem_shared>>
      tpu.enqueue_dma source(%dma_start3A_275 : memref<624x128xf32, #tpu.memory_space<vmem_shared>>) target(%dma_start3A_273 : memref<624x128xf32, #tpu.memory_space<hbm>>) target_semaphore(%run_scoped3A_270 : memref<!tpu.dma_semaphore, #tpu.memory_space<semaphore_mem>>)
      %dma_wait3A_276 = arith.constant 0 : i32
      %dma_wait3A_277 = tpu.memref_slice %arg6[%arg0, %mul3A_264, %dma_wait3A_276] : memref<2x10000x128xf32, #tpu.memory_space<hbm>> -> memref<1x624x128xf32, #tpu.memory_space<hbm>>
      %dma_wait3A_278 = tpu.memref_squeeze %dma_wait3A_277 : memref<1x624x128xf32, #tpu.memory_space<hbm>> -> memref<624x128xf32, #tpu.memory_space<hbm>>
      %dma_wait3A_279 = arith.constant 0 : i32
      %dma_wait3A_280 = tpu.memref_slice %arg7[%mul3A_262, %dma_wait3A_279] : memref<10001x128xf32, #tpu.memory_space<vmem_shared>> -> memref<624x128xf32, #tpu.memory_space<vmem_shared>>
      tpu.wait_dma2 semaphore(%run_scoped3A_270 : memref<!tpu.dma_semaphore, #tpu.memory_space<semaphore_mem>>) src(%dma_wait3A_280 : memref<624x128xf32, #tpu.memory_space<vmem_shared>>) dst(%dma_wait3A_278 : memref<624x128xf32, #tpu.memory_space<hbm>>)
      tpu.yield
    }) : () -> ()
    %eq3A_265 = arith.constant 15 : i32
    %eq3A_266 = arith.cmpi eq, %arg1, %eq3A_265 : i32
    %convert_element_type3A_267 = arith.extui %eq3A_266 : i1 to i32
    %cond3A_268 = arith.constant 0 : i32
    %cond3A_269 = arith.cmpi ne, %convert_element_type3A_267, %cond3A_268 : i32
    scf.if %cond3A_269 {
      "tpu.region"() ({
        %run_scoped3A_270 = tpu.sem_alloc : memref<!tpu.dma_semaphore, #tpu.memory_space<semaphore_mem>>
        %dma_start3A_271 = arith.constant 9984 : i32
        %dma_start3A_272 = arith.constant 0 : i32
        %dma_start3A_273 = tpu.memref_slice %arg6[%arg0, %dma_start3A_271, %dma_start3A_272] : memref<2x10000x128xf32, #tpu.memory_space<hbm>> -> memref<1x16x128xf32, #tpu.memory_space<hbm>>
        %dma_start3A_274 = tpu.memref_squeeze %dma_start3A_273 : memref<1x16x128xf32, #tpu.memory_space<hbm>> -> memref<16x128xf32, #tpu.memory_space<hbm>>
        %dma_start3A_275 = arith.constant 9984 : i32
        %dma_start3A_276 = arith.constant 0 : i32
        %dma_start3A_277 = tpu.memref_slice %arg7[%dma_start3A_275, %dma_start3A_276] : memref<10001x128xf32, #tpu.memory_space<vmem_shared>> -> memref<16x128xf32, #tpu.memory_space<vmem_shared>>
        tpu.enqueue_dma source(%dma_start3A_277 : memref<16x128xf32, #tpu.memory_space<vmem_shared>>) target(%dma_start3A_274 : memref<16x128xf32, #tpu.memory_space<hbm>>) target_semaphore(%run_scoped3A_270 : memref<!tpu.dma_semaphore, #tpu.memory_space<semaphore_mem>>)
        %dma_wait3A_278 = arith.constant 9984 : i32
        %dma_wait3A_279 = arith.constant 0 : i32
        %dma_wait3A_280 = tpu.memref_slice %arg6[%arg0, %dma_wait3A_278, %dma_wait3A_279] : memref<2x10000x128xf32, #tpu.memory_space<hbm>> -> memref<1x16x128xf32, #tpu.memory_space<hbm>>
        %dma_wait3A_281 = tpu.memref_squeeze %dma_wait3A_280 : memref<1x16x128xf32, #tpu.memory_space<hbm>> -> memref<16x128xf32, #tpu.memory_space<hbm>>
        %dma_wait3A_282 = arith.constant 9984 : i32
        %dma_wait3A_283 = arith.constant 0 : i32
        %dma_wait3A_284 = tpu.memref_slice %arg7[%dma_wait3A_282, %dma_wait3A_283] : memref<10001x128xf32, #tpu.memory_space<vmem_shared>> -> memref<16x128xf32, #tpu.memory_space<vmem_shared>>
        tpu.wait_dma2 semaphore(%run_scoped3A_270 : memref<!tpu.dma_semaphore, #tpu.memory_space<semaphore_mem>>) src(%dma_wait3A_284 : memref<16x128xf32, #tpu.memory_space<vmem_shared>>) dst(%dma_wait3A_281 : memref<16x128xf32, #tpu.memory_space<hbm>>)
        tpu.yield
      }) : () -> ()
    } else {
    }
    return
  }
}

#map = affine_map<(d0, d1) -> (0, 0)>
#map1 = affine_map<(d0, d1) -> (0)>
#map2 = affine_map<(d0, d1) -> (0, 0, 0)>
module attributes {stable_mosaic.version = 14 : i64} {
  func.func @body(%arg0: i32, %arg1: i32, %arg2: memref<10000x128xf32, #tpu.memory_space<hbm>>, %arg3: memref<320000xi32, #tpu.memory_space<hbm>>, %arg4: memref<320000xi32, #tpu.memory_space<hbm>>, %arg5: memref<2x10000x128xf32, #tpu.memory_space<hbm>>, %arg6: memref<10001x128xf32, #tpu.memory_space<vmem_shared>>, %arg7: memref<8x80xi32, #tpu.memory_space<vmem>>, %arg8: memref<8x80xi32, #tpu.memory_space<vmem>>, %arg9: memref<320x128xf32, #tpu.memory_space<vmem>>, %arg10: memref<!tpu.dma_semaphore, #tpu.memory_space<semaphore_mem>>, %arg11: memref<!tpu.dma_semaphore, #tpu.memory_space<semaphore_mem>>) attributes {dimension_semantics = [#tpu.dimension_semantics<core_parallel>, #tpu.dimension_semantics<subcore_parallel>], iteration_bounds = array<i64: 2, 16>, scalar_prefetch = 0 : i64, scratch_operands = 6 : i64, tpu.core_type = #tpu.core_type<sc_vector_subcore>, window_params = [{transform_indices = #map}, {transform_indices = #map1}, {transform_indices = #map1}, {transform_indices = #map2}]} {
    %mul3A = arith.constant 2 : i32
    %mul3A_0 = arith.muli %arg1, %mul3A : i32
    %add3A = arith.addi %mul3A_0, %arg0 : i32
    %broadcast_in_dim3A = arith.constant 0.000000e+00 : f32
    %broadcast_in_dim3A_1 = vector.broadcast %broadcast_in_dim3A : f32 to vector<16xf32>
    %scan3A = arith.constant 0 : i32
    %scan3A_2 = arith.constant 0 : i32
    %scan3A_3 = arith.constant 2560 : i32
    %scan3A_4 = arith.addi %scan3A_2, %scan3A_3 : i32
    %scan3A_5 = arith.constant 1 : i32
    %scan3A_6 = scf.for %scan3A_156 = %scan3A_2 to %scan3A_4 step %scan3A_5 iter_args(%scan3A_157 = %scan3A) -> (i32)  : i32 {
      %jit3A = arith.constant 8 : i32
      %div3A = arith.divsi %scan3A_156, %jit3A : i32
      %sign3A = arith.constant 0 : i32
      %sign3A_158 = arith.cmpi sgt, %scan3A_156, %sign3A : i32
      %sign3A_159 = arith.extui %sign3A_158 : i1 to i32
      %sign3A_160 = arith.constant 0 : i32
      %sign3A_161 = arith.cmpi slt, %scan3A_156, %sign3A_160 : i32
      %sign3A_162 = arith.extui %sign3A_161 : i1 to i32
      %sign3A_163 = arith.subi %sign3A_159, %sign3A_162 : i32
      %sign3A_164 = arith.constant 0 : i32
      %sign3A_165 = arith.cmpi sgt, %jit3A, %sign3A_164 : i32
      %sign3A_166 = arith.extui %sign3A_165 : i1 to i32
      %sign3A_167 = arith.constant 0 : i32
      %sign3A_168 = arith.cmpi slt, %jit3A, %sign3A_167 : i32
      %sign3A_169 = arith.extui %sign3A_168 : i1 to i32
      %sign3A_170 = arith.subi %sign3A_166, %sign3A_169 : i32
      %ne3A = arith.cmpi ne, %sign3A_163, %sign3A_170 : i32
      %rem3A = arith.remsi %scan3A_156, %jit3A : i32
      %ne3A_171 = arith.constant 0 : i32
      %ne3A_172 = arith.cmpi ne, %rem3A, %ne3A_171 : i32
      %and3A = arith.andi %ne3A, %ne3A_172 : i1
      %sub3A_173 = arith.constant 1 : i32
      %sub3A_174 = arith.subi %div3A, %sub3A_173 : i32
      %select_n3A = arith.select %and3A, %sub3A_174, %div3A : i32
      %jit3A_175 = arith.constant 8 : i32
      %eq3A_176 = arith.constant 0 : i32
      %eq3A_177 = arith.cmpi eq, %jit3A_175, %eq3A_176 : i32
      %jit3A_178 = arith.constant 1 : i32
      %select_n3A_179 = arith.select %eq3A_177, %jit3A_178, %jit3A_175 : i32
      %rem3A_180 = arith.remsi %scan3A_156, %select_n3A_179 : i32
      %ne3A_181 = arith.constant 0 : i32
      %ne3A_182 = arith.cmpi ne, %rem3A_180, %ne3A_181 : i32
      %lt3A = arith.constant 0 : i32
      %lt3A_183 = arith.cmpi slt, %rem3A_180, %lt3A : i32
      %lt3A_184 = arith.constant 0 : i32
      %lt3A_185 = arith.cmpi slt, %select_n3A_179, %lt3A_184 : i32
      %ne3A_186 = arith.xori %lt3A_183, %lt3A_185 : i1
      %and3A_187 = arith.andi %ne3A_186, %ne3A_182 : i1
      %add3A_188 = arith.addi %rem3A_180, %select_n3A_179 : i32
      %select_n3A_189 = arith.select %and3A_187, %add3A_188, %rem3A_180 : i32
      %mul3A_190 = arith.constant 16 : i32
      %mul3A_191 = arith.muli %select_n3A_189, %mul3A_190 : i32
      %swap3A = arith.index_cast %select_n3A : i32 to index
      %swap3A_192 = arith.index_cast %mul3A_191 : i32 to index
      %swap3A_193 = tpu.vector_load %arg9[%swap3A, %swap3A_192] {strides = array<i32>} : memref<320x128xf32, #tpu.memory_space<vmem>>, vector<1x16xf32>,
      %swap3A_194 = vector.shape_cast %swap3A_193 : vector<1x16xf32> to vector<16xf32>
      %swap3A_195 = vector.shape_cast %broadcast_in_dim3A_1 : vector<16xf32> to vector<1x16xf32>
      tpu.vector_store %arg9[%swap3A, %swap3A_192], %swap3A_195 {strides = array<i32>} : memref<320x128xf32, #tpu.memory_space<vmem>>, vector<1x16xf32>,
      %scan3A_196 = arith.constant 0 : i32
      scf.yield %scan3A_196 : i32
    }
    %scan3A_7 = arith.constant 2560 : i32
    %mul3A_8 = arith.constant 624 : i32
    %mul3A_9 = arith.muli %arg1, %mul3A_8 : i32
    %add3A_10 = arith.constant 0 : i32
    %add3A_11 = arith.addi %mul3A_9, %add3A_10 : i32
    "tpu.region"() ({
      %run_scoped3A_156 = tpu.sem_alloc : memref<!tpu.dma_semaphore, #tpu.memory_space<semaphore_mem>>
      %dma_start3A_157 = arith.constant 0 : i32
      %dma_start3A_158 = tpu.memref_slice %arg6[%add3A_11, %dma_start3A_157] : memref<10001x128xf32, #tpu.memory_space<vmem_shared>> -> memref<320x128xf32, #tpu.memory_space<vmem_shared>>
      %dma_start3A_159 = arith.constant 0 : i32
      %dma_start3A_160 = tpu.memref_slice %arg6[%add3A_11, %dma_start3A_159] : memref<10001x128xf32, #tpu.memory_space<vmem_shared>> -> memref<320x128xf32, #tpu.memory_space<vmem_shared>>
      tpu.enqueue_dma source(%arg9 : memref<320x128xf32, #tpu.memory_space<vmem>>) target(%dma_start3A_160 : memref<320x128xf32, #tpu.memory_space<vmem_shared>>) target_semaphore(%run_scoped3A_156 : memref<!tpu.dma_semaphore, #tpu.memory_space<semaphore_mem>>)
      %dma_wait3A_161 = arith.constant 0 : i32
      %dma_wait3A_162 = tpu.memref_slice %arg6[%add3A_11, %dma_wait3A_161] : memref<10001x128xf32, #tpu.memory_space<vmem_shared>> -> memref<320x128xf32, #tpu.memory_space<vmem_shared>>
      %dma_wait3A_163 = arith.constant 0 : i32
      %dma_wait3A_164 = tpu.memref_slice %arg6[%add3A_11, %dma_wait3A_163] : memref<10001x128xf32, #tpu.memory_space<vmem_shared>> -> memref<320x128xf32, #tpu.memory_space<vmem_shared>>
      tpu.wait_dma2 semaphore(%run_scoped3A_156 : memref<!tpu.dma_semaphore, #tpu.memory_space<semaphore_mem>>) src(%arg9 : memref<320x128xf32, #tpu.memory_space<vmem>>) dst(%dma_wait3A_164 : memref<320x128xf32, #tpu.memory_space<vmem_shared>>)
      tpu.yield
    }) : () -> ()
    %mul3A_12 = arith.constant 624 : i32
    %mul3A_13 = arith.muli %arg1, %mul3A_12 : i32
    %add3A_14 = arith.constant 624 : i32
    %add3A_15 = arith.addi %mul3A_13, %add3A_14 : i32
    %sub3A = arith.constant 304 : i32
    %sub3A_16 = arith.subi %add3A_15, %sub3A : i32
    "tpu.region"() ({
      %run_scoped3A_156 = tpu.sem_alloc : memref<!tpu.dma_semaphore, #tpu.memory_space<semaphore_mem>>
      %dma_start3A_157 = arith.constant 0 : i32
      %dma_start3A_158 = arith.constant 0 : i32
      %dma_start3A_159 = tpu.memref_slice %arg9[%dma_start3A_157, %dma_start3A_158] : memref<320x128xf32, #tpu.memory_space<vmem>> -> memref<304x128xf32, #tpu.memory_space<vmem>>
      %dma_start3A_160 = arith.constant 0 : i32
      %dma_start3A_161 = tpu.memref_slice %arg6[%sub3A_16, %dma_start3A_160] : memref<10001x128xf32, #tpu.memory_space<vmem_shared>> -> memref<304x128xf32, #tpu.memory_space<vmem_shared>>
      %dma_start3A_162 = arith.constant 0 : i32
      %dma_start3A_163 = tpu.memref_slice %arg6[%sub3A_16, %dma_start3A_162] : memref<10001x128xf32, #tpu.memory_space<vmem_shared>> -> memref<304x128xf32, #tpu.memory_space<vmem_shared>>
      %dma_start3A_164 = arith.constant 0 : i32
      %dma_start3A_165 = arith.constant 0 : i32
      %dma_start3A_166 = tpu.memref_slice %arg9[%dma_start3A_164, %dma_start3A_165] : memref<320x128xf32, #tpu.memory_space<vmem>> -> memref<304x128xf32, #tpu.memory_space<vmem>>
      tpu.enqueue_dma source(%dma_start3A_166 : memref<304x128xf32, #tpu.memory_space<vmem>>) target(%dma_start3A_163 : memref<304x128xf32, #tpu.memory_space<vmem_shared>>) target_semaphore(%run_scoped3A_156 : memref<!tpu.dma_semaphore, #tpu.memory_space<semaphore_mem>>)
      %dma_wait3A_167 = arith.constant 0 : i32
      %dma_wait3A_168 = arith.constant 0 : i32
      %dma_wait3A_169 = tpu.memref_slice %arg9[%dma_wait3A_167, %dma_wait3A_168] : memref<320x128xf32, #tpu.memory_space<vmem>> -> memref<304x128xf32, #tpu.memory_space<vmem>>
      %dma_wait3A_170 = arith.constant 0 : i32
      %dma_wait3A_171 = tpu.memref_slice %arg6[%sub3A_16, %dma_wait3A_170] : memref<10001x128xf32, #tpu.memory_space<vmem_shared>> -> memref<304x128xf32, #tpu.memory_space<vmem_shared>>
      %dma_wait3A_172 = arith.constant 0 : i32
      %dma_wait3A_173 = tpu.memref_slice %arg6[%sub3A_16, %dma_wait3A_172] : memref<10001x128xf32, #tpu.memory_space<vmem_shared>> -> memref<304x128xf32, #tpu.memory_space<vmem_shared>>
      %dma_wait3A_174 = arith.constant 0 : i32
      %dma_wait3A_175 = arith.constant 0 : i32
      %dma_wait3A_176 = tpu.memref_slice %arg9[%dma_wait3A_174, %dma_wait3A_175] : memref<320x128xf32, #tpu.memory_space<vmem>> -> memref<304x128xf32, #tpu.memory_space<vmem>>
      tpu.wait_dma2 semaphore(%run_scoped3A_156 : memref<!tpu.dma_semaphore, #tpu.memory_space<semaphore_mem>>) src(%dma_wait3A_176 : memref<304x128xf32, #tpu.memory_space<vmem>>) dst(%dma_wait3A_173 : memref<304x128xf32, #tpu.memory_space<vmem_shared>>)
      tpu.yield
    }) : () -> ()
    %eq3A = arith.constant 15 : i32
    %eq3A_17 = arith.cmpi eq, %arg1, %eq3A : i32
    %convert_element_type3A = arith.extui %eq3A_17 : i1 to i32
    %cond3A = arith.constant 0 : i32
    %cond3A_18 = arith.cmpi ne, %convert_element_type3A, %cond3A : i32
    scf.if %cond3A_18 {
      "tpu.region"() ({
        %run_scoped3A_156 = tpu.sem_alloc : memref<!tpu.dma_semaphore, #tpu.memory_space<semaphore_mem>>
        %dma_start3A_157 = arith.constant 0 : i32
        %dma_start3A_158 = arith.constant 0 : i32
        %dma_start3A_159 = tpu.memref_slice %arg9[%dma_start3A_157, %dma_start3A_158] : memref<320x128xf32, #tpu.memory_space<vmem>> -> memref<17x128xf32, #tpu.memory_space<vmem>>
        %dma_start3A_160 = arith.constant 9984 : i32
        %dma_start3A_161 = arith.constant 0 : i32
        %dma_start3A_162 = tpu.memref_slice %arg6[%dma_start3A_160, %dma_start3A_161] : memref<10001x128xf32, #tpu.memory_space<vmem_shared>> -> memref<17x128xf32, #tpu.memory_space<vmem_shared>>
        %dma_start3A_163 = arith.constant 9984 : i32
        %dma_start3A_164 = arith.constant 0 : i32
        %dma_start3A_165 = tpu.memref_slice %arg6[%dma_start3A_163, %dma_start3A_164] : memref<10001x128xf32, #tpu.memory_space<vmem_shared>> -> memref<17x128xf32, #tpu.memory_space<vmem_shared>>
        %dma_start3A_166 = arith.constant 0 : i32
        %dma_start3A_167 = arith.constant 0 : i32
        %dma_start3A_168 = tpu.memref_slice %arg9[%dma_start3A_166, %dma_start3A_167] : memref<320x128xf32, #tpu.memory_space<vmem>> -> memref<17x128xf32, #tpu.memory_space<vmem>>
        tpu.enqueue_dma source(%dma_start3A_168 : memref<17x128xf32, #tpu.memory_space<vmem>>) target(%dma_start3A_165 : memref<17x128xf32, #tpu.memory_space<vmem_shared>>) target_semaphore(%run_scoped3A_156 : memref<!tpu.dma_semaphore, #tpu.memory_space<semaphore_mem>>)
        %dma_wait3A_169 = arith.constant 0 : i32
        %dma_wait3A_170 = arith.constant 0 : i32
        %dma_wait3A_171 = tpu.memref_slice %arg9[%dma_wait3A_169, %dma_wait3A_170] : memref<320x128xf32, #tpu.memory_space<vmem>> -> memref<17x128xf32, #tpu.memory_space<vmem>>
        %dma_wait3A_172 = arith.constant 9984 : i32
        %dma_wait3A_173 = arith.constant 0 : i32
        %dma_wait3A_174 = tpu.memref_slice %arg6[%dma_wait3A_172, %dma_wait3A_173] : memref<10001x128xf32, #tpu.memory_space<vmem_shared>> -> memref<17x128xf32, #tpu.memory_space<vmem_shared>>
        %dma_wait3A_175 = arith.constant 9984 : i32
        %dma_wait3A_176 = arith.constant 0 : i32
        %dma_wait3A_177 = tpu.memref_slice %arg6[%dma_wait3A_175, %dma_wait3A_176] : memref<10001x128xf32, #tpu.memory_space<vmem_shared>> -> memref<17x128xf32, #tpu.memory_space<vmem_shared>>
        %dma_wait3A_178 = arith.constant 0 : i32
        %dma_wait3A_179 = arith.constant 0 : i32
        %dma_wait3A_180 = tpu.memref_slice %arg9[%dma_wait3A_178, %dma_wait3A_179] : memref<320x128xf32, #tpu.memory_space<vmem>> -> memref<17x128xf32, #tpu.memory_space<vmem>>
        tpu.wait_dma2 semaphore(%run_scoped3A_156 : memref<!tpu.dma_semaphore, #tpu.memory_space<semaphore_mem>>) src(%dma_wait3A_180 : memref<17x128xf32, #tpu.memory_space<vmem>>) dst(%dma_wait3A_177 : memref<17x128xf32, #tpu.memory_space<vmem_shared>>)
        tpu.yield
      }) : () -> ()
    } else {
    }
    %barrier3A = arith.constant 0 : index
    tpu.barrier barrier_id(%barrier3A)
    %mul3A_19 = arith.constant 10000 : i32
    %mul3A_20 = arith.muli %add3A, %mul3A_19 : i32
    %add3A_21 = arith.constant 0 : i32
    %add3A_22 = arith.addi %mul3A_20, %add3A_21 : i32
    %add3A_23 = arith.constant 0 : i32
    %add3A_24 = arith.addi %mul3A_20, %add3A_23 : i32
    %dma_start3A = arith.constant 0 : i32
    %dma_start3A_25 = arith.constant 0 : i32
    %dma_start3A_26 = tpu.memref_slice %arg7[%dma_start3A, %dma_start3A_25] : memref<8x80xi32, #tpu.memory_space<vmem>> -> memref<1x80xi32, #tpu.memory_space<vmem>>
    %dma_start3A_27 = tpu.memref_squeeze %dma_start3A_26 : memref<1x80xi32, #tpu.memory_space<vmem>> -> memref<80xi32, #tpu.memory_space<vmem>>
    %dma_start3A_28 = tpu.memref_slice %arg3[%add3A_22] : memref<320000xi32, #tpu.memory_space<hbm>> -> memref<80xi32, #tpu.memory_space<hbm>>
    %dma_start3A_29 = arith.constant 0 : i32
    %dma_start3A_30 = tpu.memref_slice %arg7[%dma_start3A, %dma_start3A_29] : memref<8x80xi32, #tpu.memory_space<vmem>> -> memref<1x80xi32, #tpu.memory_space<vmem>>
    %dma_start3A_31 = tpu.memref_squeeze %dma_start3A_30 : memref<1x80xi32, #tpu.memory_space<vmem>> -> memref<80xi32, #tpu.memory_space<vmem>>
    %dma_start3A_32 = tpu.memref_slice %arg3[%add3A_22] : memref<320000xi32, #tpu.memory_space<hbm>> -> memref<80xi32, #tpu.memory_space<hbm>>
    tpu.enqueue_dma source(%dma_start3A_32 : memref<80xi32, #tpu.memory_space<hbm>>) target(%dma_start3A_31 : memref<80xi32, #tpu.memory_space<vmem>>) target_semaphore(%arg11 : memref<!tpu.dma_semaphore, #tpu.memory_space<semaphore_mem>>)
    %dma_start3A_33 = arith.constant 0 : i32
    %dma_start3A_34 = arith.constant 0 : i32
    %dma_start3A_35 = tpu.memref_slice %arg8[%dma_start3A_33, %dma_start3A_34] : memref<8x80xi32, #tpu.memory_space<vmem>> -> memref<1x80xi32, #tpu.memory_space<vmem>>
    %dma_start3A_36 = tpu.memref_squeeze %dma_start3A_35 : memref<1x80xi32, #tpu.memory_space<vmem>> -> memref<80xi32, #tpu.memory_space<vmem>>
    %dma_start3A_37 = tpu.memref_slice %arg4[%add3A_24] : memref<320000xi32, #tpu.memory_space<hbm>> -> memref<80xi32, #tpu.memory_space<hbm>>
    %dma_start3A_38 = arith.constant 0 : i32
    %dma_start3A_39 = tpu.memref_slice %arg8[%dma_start3A_33, %dma_start3A_38] : memref<8x80xi32, #tpu.memory_space<vmem>> -> memref<1x80xi32, #tpu.memory_space<vmem>>
    %dma_start3A_40 = tpu.memref_squeeze %dma_start3A_39 : memref<1x80xi32, #tpu.memory_space<vmem>> -> memref<80xi32, #tpu.memory_space<vmem>>
    %dma_start3A_41 = tpu.memref_slice %arg4[%add3A_24] : memref<320000xi32, #tpu.memory_space<hbm>> -> memref<80xi32, #tpu.memory_space<hbm>>
    tpu.enqueue_dma source(%dma_start3A_41 : memref<80xi32, #tpu.memory_space<hbm>>) target(%dma_start3A_40 : memref<80xi32, #tpu.memory_space<vmem>>) target_semaphore(%arg11 : memref<!tpu.dma_semaphore, #tpu.memory_space<semaphore_mem>>)
    %add3A_42 = arith.constant 80 : i32
    %add3A_43 = arith.addi %mul3A_20, %add3A_42 : i32
    %add3A_44 = arith.constant 80 : i32
    %add3A_45 = arith.addi %mul3A_20, %add3A_44 : i32
    %dma_start3A_46 = arith.constant 1 : i32
    %dma_start3A_47 = arith.constant 0 : i32
    %dma_start3A_48 = tpu.memref_slice %arg7[%dma_start3A_46, %dma_start3A_47] : memref<8x80xi32, #tpu.memory_space<vmem>> -> memref<1x80xi32, #tpu.memory_space<vmem>>
    %dma_start3A_49 = tpu.memref_squeeze %dma_start3A_48 : memref<1x80xi32, #tpu.memory_space<vmem>> -> memref<80xi32, #tpu.memory_space<vmem>>
    %dma_start3A_50 = tpu.memref_slice %arg3[%add3A_43] : memref<320000xi32, #tpu.memory_space<hbm>> -> memref<80xi32, #tpu.memory_space<hbm>>
    %dma_start3A_51 = arith.constant 0 : i32
    %dma_start3A_52 = tpu.memref_slice %arg7[%dma_start3A_46, %dma_start3A_51] : memref<8x80xi32, #tpu.memory_space<vmem>> -> memref<1x80xi32, #tpu.memory_space<vmem>>
    %dma_start3A_53 = tpu.memref_squeeze %dma_start3A_52 : memref<1x80xi32, #tpu.memory_space<vmem>> -> memref<80xi32, #tpu.memory_space<vmem>>
    %dma_start3A_54 = tpu.memref_slice %arg3[%add3A_43] : memref<320000xi32, #tpu.memory_space<hbm>> -> memref<80xi32, #tpu.memory_space<hbm>>
    tpu.enqueue_dma source(%dma_start3A_54 : memref<80xi32, #tpu.memory_space<hbm>>) target(%dma_start3A_53 : memref<80xi32, #tpu.memory_space<vmem>>) target_semaphore(%arg11 : memref<!tpu.dma_semaphore, #tpu.memory_space<semaphore_mem>>)
    %dma_start3A_55 = arith.constant 1 : i32
    %dma_start3A_56 = arith.constant 0 : i32
    %dma_start3A_57 = tpu.memref_slice %arg8[%dma_start3A_55, %dma_start3A_56] : memref<8x80xi32, #tpu.memory_space<vmem>> -> memref<1x80xi32, #tpu.memory_space<vmem>>
    %dma_start3A_58 = tpu.memref_squeeze %dma_start3A_57 : memref<1x80xi32, #tpu.memory_space<vmem>> -> memref<80xi32, #tpu.memory_space<vmem>>
    %dma_start3A_59 = tpu.memref_slice %arg4[%add3A_45] : memref<320000xi32, #tpu.memory_space<hbm>> -> memref<80xi32, #tpu.memory_space<hbm>>
    %dma_start3A_60 = arith.constant 0 : i32
    %dma_start3A_61 = tpu.memref_slice %arg8[%dma_start3A_55, %dma_start3A_60] : memref<8x80xi32, #tpu.memory_space<vmem>> -> memref<1x80xi32, #tpu.memory_space<vmem>>
    %dma_start3A_62 = tpu.memref_squeeze %dma_start3A_61 : memref<1x80xi32, #tpu.memory_space<vmem>> -> memref<80xi32, #tpu.memory_space<vmem>>
    %dma_start3A_63 = tpu.memref_slice %arg4[%add3A_45] : memref<320000xi32, #tpu.memory_space<hbm>> -> memref<80xi32, #tpu.memory_space<hbm>>
    tpu.enqueue_dma source(%dma_start3A_63 : memref<80xi32, #tpu.memory_space<hbm>>) target(%dma_start3A_62 : memref<80xi32, #tpu.memory_space<vmem>>) target_semaphore(%arg11 : memref<!tpu.dma_semaphore, #tpu.memory_space<semaphore_mem>>)
    %add3A_64 = arith.constant 160 : i32
    %add3A_65 = arith.addi %mul3A_20, %add3A_64 : i32
    %add3A_66 = arith.constant 160 : i32
    %add3A_67 = arith.addi %mul3A_20, %add3A_66 : i32
    %dma_start3A_68 = arith.constant 2 : i32
    %dma_start3A_69 = arith.constant 0 : i32
    %dma_start3A_70 = tpu.memref_slice %arg7[%dma_start3A_68, %dma_start3A_69] : memref<8x80xi32, #tpu.memory_space<vmem>> -> memref<1x80xi32, #tpu.memory_space<vmem>>
    %dma_start3A_71 = tpu.memref_squeeze %dma_start3A_70 : memref<1x80xi32, #tpu.memory_space<vmem>> -> memref<80xi32, #tpu.memory_space<vmem>>
    %dma_start3A_72 = tpu.memref_slice %arg3[%add3A_65] : memref<320000xi32, #tpu.memory_space<hbm>> -> memref<80xi32, #tpu.memory_space<hbm>>
    %dma_start3A_73 = arith.constant 0 : i32
    %dma_start3A_74 = tpu.memref_slice %arg7[%dma_start3A_68, %dma_start3A_73] : memref<8x80xi32, #tpu.memory_space<vmem>> -> memref<1x80xi32, #tpu.memory_space<vmem>>
    %dma_start3A_75 = tpu.memref_squeeze %dma_start3A_74 : memref<1x80xi32, #tpu.memory_space<vmem>> -> memref<80xi32, #tpu.memory_space<vmem>>
    %dma_start3A_76 = tpu.memref_slice %arg3[%add3A_65] : memref<320000xi32, #tpu.memory_space<hbm>> -> memref<80xi32, #tpu.memory_space<hbm>>
    tpu.enqueue_dma source(%dma_start3A_76 : memref<80xi32, #tpu.memory_space<hbm>>) target(%dma_start3A_75 : memref<80xi32, #tpu.memory_space<vmem>>) target_semaphore(%arg11 : memref<!tpu.dma_semaphore, #tpu.memory_space<semaphore_mem>>)
    %dma_start3A_77 = arith.constant 2 : i32
    %dma_start3A_78 = arith.constant 0 : i32
    %dma_start3A_79 = tpu.memref_slice %arg8[%dma_start3A_77, %dma_start3A_78] : memref<8x80xi32, #tpu.memory_space<vmem>> -> memref<1x80xi32, #tpu.memory_space<vmem>>
    %dma_start3A_80 = tpu.memref_squeeze %dma_start3A_79 : memref<1x80xi32, #tpu.memory_space<vmem>> -> memref<80xi32, #tpu.memory_space<vmem>>
    %dma_start3A_81 = tpu.memref_slice %arg4[%add3A_67] : memref<320000xi32, #tpu.memory_space<hbm>> -> memref<80xi32, #tpu.memory_space<hbm>>
    %dma_start3A_82 = arith.constant 0 : i32
    %dma_start3A_83 = tpu.memref_slice %arg8[%dma_start3A_77, %dma_start3A_82] : memref<8x80xi32, #tpu.memory_space<vmem>> -> memref<1x80xi32, #tpu.memory_space<vmem>>
    %dma_start3A_84 = tpu.memref_squeeze %dma_start3A_83 : memref<1x80xi32, #tpu.memory_space<vmem>> -> memref<80xi32, #tpu.memory_space<vmem>>
    %dma_start3A_85 = tpu.memref_slice %arg4[%add3A_67] : memref<320000xi32, #tpu.memory_space<hbm>> -> memref<80xi32, #tpu.memory_space<hbm>>
    tpu.enqueue_dma source(%dma_start3A_85 : memref<80xi32, #tpu.memory_space<hbm>>) target(%dma_start3A_84 : memref<80xi32, #tpu.memory_space<vmem>>) target_semaphore(%arg11 : memref<!tpu.dma_semaphore, #tpu.memory_space<semaphore_mem>>)
    %add3A_86 = arith.constant 240 : i32
    %add3A_87 = arith.addi %mul3A_20, %add3A_86 : i32
    %add3A_88 = arith.constant 240 : i32
    %add3A_89 = arith.addi %mul3A_20, %add3A_88 : i32
    %dma_start3A_90 = arith.constant 3 : i32
    %dma_start3A_91 = arith.constant 0 : i32
    %dma_start3A_92 = tpu.memref_slice %arg7[%dma_start3A_90, %dma_start3A_91] : memref<8x80xi32, #tpu.memory_space<vmem>> -> memref<1x80xi32, #tpu.memory_space<vmem>>
    %dma_start3A_93 = tpu.memref_squeeze %dma_start3A_92 : memref<1x80xi32, #tpu.memory_space<vmem>> -> memref<80xi32, #tpu.memory_space<vmem>>
    %dma_start3A_94 = tpu.memref_slice %arg3[%add3A_87] : memref<320000xi32, #tpu.memory_space<hbm>> -> memref<80xi32, #tpu.memory_space<hbm>>
    %dma_start3A_95 = arith.constant 0 : i32
    %dma_start3A_96 = tpu.memref_slice %arg7[%dma_start3A_90, %dma_start3A_95] : memref<8x80xi32, #tpu.memory_space<vmem>> -> memref<1x80xi32, #tpu.memory_space<vmem>>
    %dma_start3A_97 = tpu.memref_squeeze %dma_start3A_96 : memref<1x80xi32, #tpu.memory_space<vmem>> -> memref<80xi32, #tpu.memory_space<vmem>>
    %dma_start3A_98 = tpu.memref_slice %arg3[%add3A_87] : memref<320000xi32, #tpu.memory_space<hbm>> -> memref<80xi32, #tpu.memory_space<hbm>>
    tpu.enqueue_dma source(%dma_start3A_98 : memref<80xi32, #tpu.memory_space<hbm>>) target(%dma_start3A_97 : memref<80xi32, #tpu.memory_space<vmem>>) target_semaphore(%arg11 : memref<!tpu.dma_semaphore, #tpu.memory_space<semaphore_mem>>)
    %dma_start3A_99 = arith.constant 3 : i32
    %dma_start3A_100 = arith.constant 0 : i32
    %dma_start3A_101 = tpu.memref_slice %arg8[%dma_start3A_99, %dma_start3A_100] : memref<8x80xi32, #tpu.memory_space<vmem>> -> memref<1x80xi32, #tpu.memory_space<vmem>>
    %dma_start3A_102 = tpu.memref_squeeze %dma_start3A_101 : memref<1x80xi32, #tpu.memory_space<vmem>> -> memref<80xi32, #tpu.memory_space<vmem>>
    %dma_start3A_103 = tpu.memref_slice %arg4[%add3A_89] : memref<320000xi32, #tpu.memory_space<hbm>> -> memref<80xi32, #tpu.memory_space<hbm>>
    %dma_start3A_104 = arith.constant 0 : i32
    %dma_start3A_105 = tpu.memref_slice %arg8[%dma_start3A_99, %dma_start3A_104] : memref<8x80xi32, #tpu.memory_space<vmem>> -> memref<1x80xi32, #tpu.memory_space<vmem>>
    %dma_start3A_106 = tpu.memref_squeeze %dma_start3A_105 : memref<1x80xi32, #tpu.memory_space<vmem>> -> memref<80xi32, #tpu.memory_space<vmem>>
    %dma_start3A_107 = tpu.memref_slice %arg4[%add3A_89] : memref<320000xi32, #tpu.memory_space<hbm>> -> memref<80xi32, #tpu.memory_space<hbm>>
    tpu.enqueue_dma source(%dma_start3A_107 : memref<80xi32, #tpu.memory_space<hbm>>) target(%dma_start3A_106 : memref<80xi32, #tpu.memory_space<vmem>>) target_semaphore(%arg11 : memref<!tpu.dma_semaphore, #tpu.memory_space<semaphore_mem>>)
    %scan3A_108 = arith.constant 0 : i32
    %scan3A_109 = arith.constant 0 : i32
    %scan3A_110 = arith.constant 125 : i32
    %scan3A_111 = arith.addi %scan3A_109, %scan3A_110 : i32
    %scan3A_112 = arith.constant 1 : i32
    %scan3A_113 = scf.for %scan3A_156 = %scan3A_109 to %scan3A_111 step %scan3A_112 iter_args(%scan3A_157 = %scan3A_108) -> (i32)  : i32 {
      %mul3A_158 = arith.constant 80 : i32
      %mul3A_159 = arith.muli %scan3A_156, %mul3A_158 : i32
      %add3A_160 = arith.addi %mul3A_20, %mul3A_159 : i32
      %jit3A = arith.constant 8 : i32
      %eq3A_161 = arith.constant 0 : i32
      %eq3A_162 = arith.cmpi eq, %jit3A, %eq3A_161 : i32
      %jit3A_163 = arith.constant 1 : i32
      %select_n3A = arith.select %eq3A_162, %jit3A_163, %jit3A : i32
      %rem3A = arith.remsi %scan3A_156, %select_n3A : i32
      %ne3A = arith.constant 0 : i32
      %ne3A_164 = arith.cmpi ne, %rem3A, %ne3A : i32
      %lt3A = arith.constant 0 : i32
      %lt3A_165 = arith.cmpi slt, %rem3A, %lt3A : i32
      %lt3A_166 = arith.constant 0 : i32
      %lt3A_167 = arith.cmpi slt, %select_n3A, %lt3A_166 : i32
      %ne3A_168 = arith.xori %lt3A_165, %lt3A_167 : i1
      %and3A = arith.andi %ne3A_168, %ne3A_164 : i1
      %add3A_169 = arith.addi %rem3A, %select_n3A : i32
      %select_n3A_170 = arith.select %and3A, %add3A_169, %rem3A : i32
      %mul3A_171 = arith.constant 80 : i32
      %mul3A_172 = arith.muli %scan3A_156, %mul3A_171 : i32
      %add3A_173 = arith.addi %mul3A_20, %mul3A_172 : i32
      %jit3A_174 = arith.constant 8 : i32
      %eq3A_175 = arith.constant 0 : i32
      %eq3A_176 = arith.cmpi eq, %jit3A_174, %eq3A_175 : i32
      %jit3A_177 = arith.constant 1 : i32
      %select_n3A_178 = arith.select %eq3A_176, %jit3A_177, %jit3A_174 : i32
      %rem3A_179 = arith.remsi %scan3A_156, %select_n3A_178 : i32
      %ne3A_180 = arith.constant 0 : i32
      %ne3A_181 = arith.cmpi ne, %rem3A_179, %ne3A_180 : i32
      %lt3A_182 = arith.constant 0 : i32
      %lt3A_183 = arith.cmpi slt, %rem3A_179, %lt3A_182 : i32
      %lt3A_184 = arith.constant 0 : i32
      %lt3A_185 = arith.cmpi slt, %select_n3A_178, %lt3A_184 : i32
      %ne3A_186 = arith.xori %lt3A_183, %lt3A_185 : i1
      %and3A_187 = arith.andi %ne3A_186, %ne3A_181 : i1
      %add3A_188 = arith.addi %rem3A_179, %select_n3A_178 : i32
      %select_n3A_189 = arith.select %and3A_187, %add3A_188, %rem3A_179 : i32
      %dma_wait3A_190 = arith.constant 0 : i32
      %dma_wait3A_191 = tpu.memref_slice %arg7[%select_n3A_170, %dma_wait3A_190] : memref<8x80xi32, #tpu.memory_space<vmem>> -> memref<1x80xi32, #tpu.memory_space<vmem>>
      %dma_wait3A_192 = tpu.memref_squeeze %dma_wait3A_191 : memref<1x80xi32, #tpu.memory_space<vmem>> -> memref<80xi32, #tpu.memory_space<vmem>>
      %dma_wait3A_193 = tpu.memref_slice %arg3[%add3A_160] : memref<320000xi32, #tpu.memory_space<hbm>> -> memref<80xi32, #tpu.memory_space<hbm>>
      %dma_wait3A_194 = arith.constant 0 : i32
      %dma_wait3A_195 = tpu.memref_slice %arg7[%select_n3A_170, %dma_wait3A_194] : memref<8x80xi32, #tpu.memory_space<vmem>> -> memref<1x80xi32, #tpu.memory_space<vmem>>
      %dma_wait3A_196 = tpu.memref_squeeze %dma_wait3A_195 : memref<1x80xi32, #tpu.memory_space<vmem>> -> memref<80xi32, #tpu.memory_space<vmem>>
      %dma_wait3A_197 = tpu.memref_slice %arg3[%add3A_160] : memref<320000xi32, #tpu.memory_space<hbm>> -> memref<80xi32, #tpu.memory_space<hbm>>
      tpu.wait_dma2 semaphore(%arg11 : memref<!tpu.dma_semaphore, #tpu.memory_space<semaphore_mem>>) src(%dma_wait3A_197 : memref<80xi32, #tpu.memory_space<hbm>>) dst(%dma_wait3A_196 : memref<80xi32, #tpu.memory_space<vmem>>)
      %dma_wait3A_198 = arith.constant 0 : i32
      %dma_wait3A_199 = tpu.memref_slice %arg8[%select_n3A_189, %dma_wait3A_198] : memref<8x80xi32, #tpu.memory_space<vmem>> -> memref<1x80xi32, #tpu.memory_space<vmem>>
      %dma_wait3A_200 = tpu.memref_squeeze %dma_wait3A_199 : memref<1x80xi32, #tpu.memory_space<vmem>> -> memref<80xi32, #tpu.memory_space<vmem>>
      %dma_wait3A_201 = tpu.memref_slice %arg4[%add3A_173] : memref<320000xi32, #tpu.memory_space<hbm>> -> memref<80xi32, #tpu.memory_space<hbm>>
      %dma_wait3A_202 = arith.constant 0 : i32
      %dma_wait3A_203 = tpu.memref_slice %arg8[%select_n3A_189, %dma_wait3A_202] : memref<8x80xi32, #tpu.memory_space<vmem>> -> memref<1x80xi32, #tpu.memory_space<vmem>>
      %dma_wait3A_204 = tpu.memref_squeeze %dma_wait3A_203 : memref<1x80xi32, #tpu.memory_space<vmem>> -> memref<80xi32, #tpu.memory_space<vmem>>
      %dma_wait3A_205 = tpu.memref_slice %arg4[%add3A_173] : memref<320000xi32, #tpu.memory_space<hbm>> -> memref<80xi32, #tpu.memory_space<hbm>>
      tpu.wait_dma2 semaphore(%arg11 : memref<!tpu.dma_semaphore, #tpu.memory_space<semaphore_mem>>) src(%dma_wait3A_205 : memref<80xi32, #tpu.memory_space<hbm>>) dst(%dma_wait3A_204 : memref<80xi32, #tpu.memory_space<vmem>>)
      %jit3A_206 = arith.constant 8 : i32
      %eq3A_207 = arith.constant 0 : i32
      %eq3A_208 = arith.cmpi eq, %jit3A_206, %eq3A_207 : i32
      %jit3A_209 = arith.constant 1 : i32
      %select_n3A_210 = arith.select %eq3A_208, %jit3A_209, %jit3A_206 : i32
      %rem3A_211 = arith.remsi %scan3A_156, %select_n3A_210 : i32
      %ne3A_212 = arith.constant 0 : i32
      %ne3A_213 = arith.cmpi ne, %rem3A_211, %ne3A_212 : i32
      %lt3A_214 = arith.constant 0 : i32
      %lt3A_215 = arith.cmpi slt, %rem3A_211, %lt3A_214 : i32
      %lt3A_216 = arith.constant 0 : i32
      %lt3A_217 = arith.cmpi slt, %select_n3A_210, %lt3A_216 : i32
      %ne3A_218 = arith.xori %lt3A_215, %lt3A_217 : i1
      %and3A_219 = arith.andi %ne3A_218, %ne3A_213 : i1
      %add3A_220 = arith.addi %rem3A_211, %select_n3A_210 : i32
      %select_n3A_221 = arith.select %and3A_219, %add3A_220, %rem3A_211 : i32
      %jit3A_222 = arith.constant 4 : i32
      %eq3A_223 = arith.constant 0 : i32
      %eq3A_224 = arith.cmpi eq, %jit3A_222, %eq3A_223 : i32
      %jit3A_225 = arith.constant 1 : i32
      %select_n3A_226 = arith.select %eq3A_224, %jit3A_225, %jit3A_222 : i32
      %rem3A_227 = arith.remsi %scan3A_156, %select_n3A_226 : i32
      %ne3A_228 = arith.constant 0 : i32
      %ne3A_229 = arith.cmpi ne, %rem3A_227, %ne3A_228 : i32
      %lt3A_230 = arith.constant 0 : i32
      %lt3A_231 = arith.cmpi slt, %rem3A_227, %lt3A_230 : i32
      %lt3A_232 = arith.constant 0 : i32
      %lt3A_233 = arith.cmpi slt, %select_n3A_226, %lt3A_232 : i32
      %ne3A_234 = arith.xori %lt3A_231, %lt3A_233 : i1
      %and3A_235 = arith.andi %ne3A_234, %ne3A_229 : i1
      %add3A_236 = arith.addi %rem3A_227, %select_n3A_226 : i32
      %select_n3A_237 = arith.select %and3A_235, %add3A_236, %rem3A_227 : i32
      %mul3A_238 = arith.constant 80 : i32
      %mul3A_239 = arith.muli %select_n3A_237, %mul3A_238 : i32
      %dma_start3A_240 = arith.constant 0 : i32
      %dma_start3A_241 = tpu.memref_slice %arg9[%mul3A_239, %dma_start3A_240] : memref<320x128xf32, #tpu.memory_space<vmem>> -> memref<80x128xf32, #tpu.memory_space<vmem>>
      %dma_start3A_242 = arith.constant 0 : i32
      %dma_start3A_243 = tpu.memref_slice %arg7[%select_n3A_221, %dma_start3A_242] : memref<8x80xi32, #tpu.memory_space<vmem>> -> memref<1x80xi32, #tpu.memory_space<vmem>>
      %dma_start3A_244 = tpu.memref_squeeze %dma_start3A_243 : memref<1x80xi32, #tpu.memory_space<vmem>> -> memref<80xi32, #tpu.memory_space<vmem>>
      %dma_start3A_245 = arith.constant 0 : i32
      %dma_start3A_246 = arith.constant 0 : i32
      %dma_start3A_247 = tpu.memref_slice %arg2[%dma_start3A_245, %dma_start3A_246] : memref<10000x128xf32, #tpu.memory_space<hbm>> -> memref<10000x128xf32, #tpu.memory_space<hbm>>
      tpu.enqueue_indirect_dma source(%dma_start3A_247 : memref<10000x128xf32, #tpu.memory_space<hbm>>) target(%dma_start3A_241 : memref<80x128xf32, #tpu.memory_space<vmem>>) offsets(%dma_start3A_244 : memref<80xi32, #tpu.memory_space<vmem>>) semaphore(%arg10 : memref<!tpu.dma_semaphore, #tpu.memory_space<semaphore_mem>>)
      %gt3A = arith.constant 2 : i32
      %gt3A_248 = arith.cmpi sgt, %scan3A_156, %gt3A : i32
      %convert_element_type3A_249 = arith.extui %gt3A_248 : i1 to i32
      %cond3A_250 = arith.constant 0 : i32
      %cond3A_251 = arith.cmpi ne, %convert_element_type3A_249, %cond3A_250 : i32
      scf.if %cond3A_251 {
        %sub3A_260 = arith.constant 3 : i32
        %sub3A_261 = arith.subi %scan3A_156, %sub3A_260 : i32
        %jit3A_262 = arith.constant 8 : i32
        %eq3A_263 = arith.constant 0 : i32
        %eq3A_264 = arith.cmpi eq, %jit3A_262, %eq3A_263 : i32
        %jit3A_265 = arith.constant 1 : i32
        %select_n3A_266 = arith.select %eq3A_264, %jit3A_265, %jit3A_262 : i32
        %rem3A_267 = arith.remsi %sub3A_261, %select_n3A_266 : i32
        %ne3A_268 = arith.constant 0 : i32
        %ne3A_269 = arith.cmpi ne, %rem3A_267, %ne3A_268 : i32
        %lt3A_270 = arith.constant 0 : i32
        %lt3A_271 = arith.cmpi slt, %rem3A_267, %lt3A_270 : i32
        %lt3A_272 = arith.constant 0 : i32
        %lt3A_273 = arith.cmpi slt, %select_n3A_266, %lt3A_272 : i32
        %ne3A_274 = arith.xori %lt3A_271, %lt3A_273 : i1
        %and3A_275 = arith.andi %ne3A_274, %ne3A_269 : i1
        %add3A_276 = arith.addi %rem3A_267, %select_n3A_266 : i32
        %select_n3A_277 = arith.select %and3A_275, %add3A_276, %rem3A_267 : i32
        %jit3A_278 = arith.constant 4 : i32
        %eq3A_279 = arith.constant 0 : i32
        %eq3A_280 = arith.cmpi eq, %jit3A_278, %eq3A_279 : i32
        %jit3A_281 = arith.constant 1 : i32
        %select_n3A_282 = arith.select %eq3A_280, %jit3A_281, %jit3A_278 : i32
        %rem3A_283 = arith.remsi %sub3A_261, %select_n3A_282 : i32
        %ne3A_284 = arith.constant 0 : i32
        %ne3A_285 = arith.cmpi ne, %rem3A_283, %ne3A_284 : i32
        %lt3A_286 = arith.constant 0 : i32
        %lt3A_287 = arith.cmpi slt, %rem3A_283, %lt3A_286 : i32
        %lt3A_288 = arith.constant 0 : i32
        %lt3A_289 = arith.cmpi slt, %select_n3A_282, %lt3A_288 : i32
        %ne3A_290 = arith.xori %lt3A_287, %lt3A_289 : i1
        %and3A_291 = arith.andi %ne3A_290, %ne3A_285 : i1
        %add3A_292 = arith.addi %rem3A_283, %select_n3A_282 : i32
        %select_n3A_293 = arith.select %and3A_291, %add3A_292, %rem3A_283 : i32
        %mul3A_294 = arith.constant 80 : i32
        %mul3A_295 = arith.muli %select_n3A_293, %mul3A_294 : i32
        %dma_wait3A_296 = arith.constant 0 : i32
        %dma_wait3A_297 = tpu.memref_slice %arg9[%mul3A_295, %dma_wait3A_296] : memref<320x128xf32, #tpu.memory_space<vmem>> -> memref<80x128xf32, #tpu.memory_space<vmem>>
        %dma_wait3A_298 = arith.constant 0 : i32
        %dma_wait3A_299 = tpu.memref_slice %arg7[%select_n3A_277, %dma_wait3A_298] : memref<8x80xi32, #tpu.memory_space<vmem>> -> memref<1x80xi32, #tpu.memory_space<vmem>>
        %dma_wait3A_300 = tpu.memref_squeeze %dma_wait3A_299 : memref<1x80xi32, #tpu.memory_space<vmem>> -> memref<80xi32, #tpu.memory_space<vmem>>
        %dma_wait3A_301 = arith.constant 0 : i32
        %dma_wait3A_302 = arith.constant 0 : i32
        %dma_wait3A_303 = tpu.memref_slice %arg2[%dma_wait3A_301, %dma_wait3A_302] : memref<10000x128xf32, #tpu.memory_space<hbm>> -> memref<10000x128xf32, #tpu.memory_space<hbm>>
        tpu.wait_indirect_dma semaphore(%arg10 : memref<!tpu.dma_semaphore, #tpu.memory_space<semaphore_mem>>) src(%dma_wait3A_303 : memref<10000x128xf32, #tpu.memory_space<hbm>>) dst(%dma_wait3A_297 : memref<80x128xf32, #tpu.memory_space<vmem>>)
        %sub3A_304 = arith.constant 3 : i32
        %sub3A_305 = arith.subi %scan3A_156, %sub3A_304 : i32
        %jit3A_306 = arith.constant 4 : i32
        %eq3A_307 = arith.constant 0 : i32
        %eq3A_308 = arith.cmpi eq, %jit3A_306, %eq3A_307 : i32
        %jit3A_309 = arith.constant 1 : i32
        %select_n3A_310 = arith.select %eq3A_308, %jit3A_309, %jit3A_306 : i32
        %rem3A_311 = arith.remsi %sub3A_305, %select_n3A_310 : i32
        %ne3A_312 = arith.constant 0 : i32
        %ne3A_313 = arith.cmpi ne, %rem3A_311, %ne3A_312 : i32
        %lt3A_314 = arith.constant 0 : i32
        %lt3A_315 = arith.cmpi slt, %rem3A_311, %lt3A_314 : i32
        %lt3A_316 = arith.constant 0 : i32
        %lt3A_317 = arith.cmpi slt, %select_n3A_310, %lt3A_316 : i32
        %ne3A_318 = arith.xori %lt3A_315, %lt3A_317 : i1
        %and3A_319 = arith.andi %ne3A_318, %ne3A_313 : i1
        %add3A_320 = arith.addi %rem3A_311, %select_n3A_310 : i32
        %select_n3A_321 = arith.select %and3A_319, %add3A_320, %rem3A_311 : i32
        %mul3A_322 = arith.constant 80 : i32
        %mul3A_323 = arith.muli %select_n3A_321, %mul3A_322 : i32
        %jit3A_324 = arith.constant 8 : i32
        %eq3A_325 = arith.constant 0 : i32
        %eq3A_326 = arith.cmpi eq, %jit3A_324, %eq3A_325 : i32
        %jit3A_327 = arith.constant 1 : i32
        %select_n3A_328 = arith.select %eq3A_326, %jit3A_327, %jit3A_324 : i32
        %rem3A_329 = arith.remsi %sub3A_305, %select_n3A_328 : i32
        %ne3A_330 = arith.constant 0 : i32
        %ne3A_331 = arith.cmpi ne, %rem3A_329, %ne3A_330 : i32
        %lt3A_332 = arith.constant 0 : i32
        %lt3A_333 = arith.cmpi slt, %rem3A_329, %lt3A_332 : i32
        %lt3A_334 = arith.constant 0 : i32
        %lt3A_335 = arith.cmpi slt, %select_n3A_328, %lt3A_334 : i32
        %ne3A_336 = arith.xori %lt3A_333, %lt3A_335 : i1
        %and3A_337 = arith.andi %ne3A_336, %ne3A_331 : i1
        %add3A_338 = arith.addi %rem3A_329, %select_n3A_328 : i32
        %select_n3A_339 = arith.select %and3A_337, %add3A_338, %rem3A_329 : i32
        "tpu.region"() ({
          %run_scoped3A_340 = tpu.sem_alloc : memref<!tpu.dma_semaphore, #tpu.memory_space<semaphore_mem>>
          %dma_start3A_341 = arith.constant 0 : i32
          %dma_start3A_342 = tpu.memref_slice %arg9[%mul3A_323, %dma_start3A_341] : memref<320x128xf32, #tpu.memory_space<vmem>> -> memref<80x128xf32, #tpu.memory_space<vmem>>
          %dma_start3A_343 = arith.constant 0 : i32
          %dma_start3A_344 = tpu.memref_slice %arg8[%select_n3A_339, %dma_start3A_343] : memref<8x80xi32, #tpu.memory_space<vmem>> -> memref<1x80xi32, #tpu.memory_space<vmem>>
          %dma_start3A_345 = tpu.memref_squeeze %dma_start3A_344 : memref<1x80xi32, #tpu.memory_space<vmem>> -> memref<80xi32, #tpu.memory_space<vmem>>
          %dma_start3A_346 = arith.constant 0 : i32
          %dma_start3A_347 = arith.constant 0 : i32
          %dma_start3A_348 = tpu.memref_slice %arg6[%dma_start3A_346, %dma_start3A_347] : memref<10001x128xf32, #tpu.memory_space<vmem_shared>> -> memref<10001x128xf32, #tpu.memory_space<vmem_shared>>
          tpu.enqueue_indirect_dma source(%dma_start3A_342 : memref<80x128xf32, #tpu.memory_space<vmem>>) target(%dma_start3A_348 : memref<10001x128xf32, #tpu.memory_space<vmem_shared>>) offsets(%dma_start3A_345 : memref<80xi32, #tpu.memory_space<vmem>>) semaphore(%run_scoped3A_340 : memref<!tpu.dma_semaphore, #tpu.memory_space<semaphore_mem>>) {add = true}
          %dma_wait3A_349 = arith.constant 0 : i32
          %dma_wait3A_350 = tpu.memref_slice %arg9[%mul3A_323, %dma_wait3A_349] : memref<320x128xf32, #tpu.memory_space<vmem>> -> memref<80x128xf32, #tpu.memory_space<vmem>>
          %dma_wait3A_351 = arith.constant 0 : i32
          %dma_wait3A_352 = tpu.memref_slice %arg8[%select_n3A_339, %dma_wait3A_351] : memref<8x80xi32, #tpu.memory_space<vmem>> -> memref<1x80xi32, #tpu.memory_space<vmem>>
          %dma_wait3A_353 = tpu.memref_squeeze %dma_wait3A_352 : memref<1x80xi32, #tpu.memory_space<vmem>> -> memref<80xi32, #tpu.memory_space<vmem>>
          %dma_wait3A_354 = arith.constant 0 : i32
          %dma_wait3A_355 = arith.constant 0 : i32
          %dma_wait3A_356 = tpu.memref_slice %arg6[%dma_wait3A_354, %dma_wait3A_355] : memref<10001x128xf32, #tpu.memory_space<vmem_shared>> -> memref<10001x128xf32, #tpu.memory_space<vmem_shared>>
          tpu.wait_indirect_dma semaphore(%run_scoped3A_340 : memref<!tpu.dma_semaphore, #tpu.memory_space<semaphore_mem>>) src(%dma_wait3A_350 : memref<80x128xf32, #tpu.memory_space<vmem>>) dst(%dma_wait3A_356 : memref<10001x128xf32, #tpu.memory_space<vmem_shared>>)
          tpu.yield
        }) : () -> ()
      } else {
      }
      %add3A_252 = arith.constant 4 : i32
      %add3A_253 = arith.addi %scan3A_156, %add3A_252 : i32
      %lt3A_254 = arith.constant 125 : i32
      %lt3A_255 = arith.cmpi slt, %add3A_253, %lt3A_254 : i32
      %convert_element_type3A_256 = arith.extui %lt3A_255 : i1 to i32
      %cond3A_257 = arith.constant 0 : i32
      %cond3A_258 = arith.cmpi ne, %convert_element_type3A_256, %cond3A_257 : i32
      scf.if %cond3A_258 {
        %add3A_260 = arith.constant 4 : i32
        %add3A_261 = arith.addi %scan3A_156, %add3A_260 : i32
        %mul3A_262 = arith.constant 80 : i32
        %mul3A_263 = arith.muli %add3A_261, %mul3A_262 : i32
        %add3A_264 = arith.addi %mul3A_20, %mul3A_263 : i32
        %jit3A_265 = arith.constant 8 : i32
        %eq3A_266 = arith.constant 0 : i32
        %eq3A_267 = arith.cmpi eq, %jit3A_265, %eq3A_266 : i32
        %jit3A_268 = arith.constant 1 : i32
        %select_n3A_269 = arith.select %eq3A_267, %jit3A_268, %jit3A_265 : i32
        %rem3A_270 = arith.remsi %add3A_261, %select_n3A_269 : i32
        %ne3A_271 = arith.constant 0 : i32
        %ne3A_272 = arith.cmpi ne, %rem3A_270, %ne3A_271 : i32
        %lt3A_273 = arith.constant 0 : i32
        %lt3A_274 = arith.cmpi slt, %rem3A_270, %lt3A_273 : i32
        %lt3A_275 = arith.constant 0 : i32
        %lt3A_276 = arith.cmpi slt, %select_n3A_269, %lt3A_275 : i32
        %ne3A_277 = arith.xori %lt3A_274, %lt3A_276 : i1
        %and3A_278 = arith.andi %ne3A_277, %ne3A_272 : i1
        %add3A_279 = arith.addi %rem3A_270, %select_n3A_269 : i32
        %select_n3A_280 = arith.select %and3A_278, %add3A_279, %rem3A_270 : i32
        %mul3A_281 = arith.constant 80 : i32
        %mul3A_282 = arith.muli %add3A_261, %mul3A_281 : i32
        %add3A_283 = arith.addi %mul3A_20, %mul3A_282 : i32
        %jit3A_284 = arith.constant 8 : i32
        %eq3A_285 = arith.constant 0 : i32
        %eq3A_286 = arith.cmpi eq, %jit3A_284, %eq3A_285 : i32
        %jit3A_287 = arith.constant 1 : i32
        %select_n3A_288 = arith.select %eq3A_286, %jit3A_287, %jit3A_284 : i32
        %rem3A_289 = arith.remsi %add3A_261, %select_n3A_288 : i32
        %ne3A_290 = arith.constant 0 : i32
        %ne3A_291 = arith.cmpi ne, %rem3A_289, %ne3A_290 : i32
        %lt3A_292 = arith.constant 0 : i32
        %lt3A_293 = arith.cmpi slt, %rem3A_289, %lt3A_292 : i32
        %lt3A_294 = arith.constant 0 : i32
        %lt3A_295 = arith.cmpi slt, %select_n3A_288, %lt3A_294 : i32
        %ne3A_296 = arith.xori %lt3A_293, %lt3A_295 : i1
        %and3A_297 = arith.andi %ne3A_296, %ne3A_291 : i1
        %add3A_298 = arith.addi %rem3A_289, %select_n3A_288 : i32
        %select_n3A_299 = arith.select %and3A_297, %add3A_298, %rem3A_289 : i32
        %dma_start3A_300 = arith.constant 0 : i32
        %dma_start3A_301 = tpu.memref_slice %arg7[%select_n3A_280, %dma_start3A_300] : memref<8x80xi32, #tpu.memory_space<vmem>> -> memref<1x80xi32, #tpu.memory_space<vmem>>
        %dma_start3A_302 = tpu.memref_squeeze %dma_start3A_301 : memref<1x80xi32, #tpu.memory_space<vmem>> -> memref<80xi32, #tpu.memory_space<vmem>>
        %dma_start3A_303 = tpu.memref_slice %arg3[%add3A_264] : memref<320000xi32, #tpu.memory_space<hbm>> -> memref<80xi32, #tpu.memory_space<hbm>>
        %dma_start3A_304 = arith.constant 0 : i32
        %dma_start3A_305 = tpu.memref_slice %arg7[%select_n3A_280, %dma_start3A_304] : memref<8x80xi32, #tpu.memory_space<vmem>> -> memref<1x80xi32, #tpu.memory_space<vmem>>
        %dma_start3A_306 = tpu.memref_squeeze %dma_start3A_305 : memref<1x80xi32, #tpu.memory_space<vmem>> -> memref<80xi32, #tpu.memory_space<vmem>>
        %dma_start3A_307 = tpu.memref_slice %arg3[%add3A_264] : memref<320000xi32, #tpu.memory_space<hbm>> -> memref<80xi32, #tpu.memory_space<hbm>>
        tpu.enqueue_dma source(%dma_start3A_307 : memref<80xi32, #tpu.memory_space<hbm>>) target(%dma_start3A_306 : memref<80xi32, #tpu.memory_space<vmem>>) target_semaphore(%arg11 : memref<!tpu.dma_semaphore, #tpu.memory_space<semaphore_mem>>)
        %dma_start3A_308 = arith.constant 0 : i32
        %dma_start3A_309 = tpu.memref_slice %arg8[%select_n3A_299, %dma_start3A_308] : memref<8x80xi32, #tpu.memory_space<vmem>> -> memref<1x80xi32, #tpu.memory_space<vmem>>
        %dma_start3A_310 = tpu.memref_squeeze %dma_start3A_309 : memref<1x80xi32, #tpu.memory_space<vmem>> -> memref<80xi32, #tpu.memory_space<vmem>>
        %dma_start3A_311 = tpu.memref_slice %arg4[%add3A_283] : memref<320000xi32, #tpu.memory_space<hbm>> -> memref<80xi32, #tpu.memory_space<hbm>>
        %dma_start3A_312 = arith.constant 0 : i32
        %dma_start3A_313 = tpu.memref_slice %arg8[%select_n3A_299, %dma_start3A_312] : memref<8x80xi32, #tpu.memory_space<vmem>> -> memref<1x80xi32, #tpu.memory_space<vmem>>
        %dma_start3A_314 = tpu.memref_squeeze %dma_start3A_313 : memref<1x80xi32, #tpu.memory_space<vmem>> -> memref<80xi32, #tpu.memory_space<vmem>>
        %dma_start3A_315 = tpu.memref_slice %arg4[%add3A_283] : memref<320000xi32, #tpu.memory_space<hbm>> -> memref<80xi32, #tpu.memory_space<hbm>>
        tpu.enqueue_dma source(%dma_start3A_315 : memref<80xi32, #tpu.memory_space<hbm>>) target(%dma_start3A_314 : memref<80xi32, #tpu.memory_space<vmem>>) target_semaphore(%arg11 : memref<!tpu.dma_semaphore, #tpu.memory_space<semaphore_mem>>)
      } else {
      }
      %scan3A_259 = arith.constant 0 : i32
      scf.yield %scan3A_259 : i32
    }
    %scan3A_114 = arith.constant 125 : i32
    %dma_wait3A = arith.constant 2 : i32
    %dma_wait3A_115 = arith.constant 160 : i32
    %dma_wait3A_116 = arith.constant 0 : i32
    %dma_wait3A_117 = tpu.memref_slice %arg9[%dma_wait3A_115, %dma_wait3A_116] : memref<320x128xf32, #tpu.memory_space<vmem>> -> memref<80x128xf32, #tpu.memory_space<vmem>>
    %dma_wait3A_118 = arith.constant 0 : i32
    %dma_wait3A_119 = tpu.memref_slice %arg7[%dma_wait3A, %dma_wait3A_118] : memref<8x80xi32, #tpu.memory_space<vmem>> -> memref<1x80xi32, #tpu.memory_space<vmem>>
    %dma_wait3A_120 = tpu.memref_squeeze %dma_wait3A_119 : memref<1x80xi32, #tpu.memory_space<vmem>> -> memref<80xi32, #tpu.memory_space<vmem>>
    %dma_wait3A_121 = arith.constant 0 : i32
    %dma_wait3A_122 = arith.constant 0 : i32
    %dma_wait3A_123 = tpu.memref_slice %arg2[%dma_wait3A_121, %dma_wait3A_122] : memref<10000x128xf32, #tpu.memory_space<hbm>> -> memref<10000x128xf32, #tpu.memory_space<hbm>>
    tpu.wait_indirect_dma semaphore(%arg10 : memref<!tpu.dma_semaphore, #tpu.memory_space<semaphore_mem>>) src(%dma_wait3A_123 : memref<10000x128xf32, #tpu.memory_space<hbm>>) dst(%dma_wait3A_117 : memref<80x128xf32, #tpu.memory_space<vmem>>)
    %run_scoped3A = arith.constant 2 : i32
    "tpu.region"() ({
      %run_scoped3A_156 = tpu.sem_alloc : memref<!tpu.dma_semaphore, #tpu.memory_space<semaphore_mem>>
      %dma_start3A_157 = arith.constant 160 : i32
      %dma_start3A_158 = arith.constant 0 : i32
      %dma_start3A_159 = tpu.memref_slice %arg9[%dma_start3A_157, %dma_start3A_158] : memref<320x128xf32, #tpu.memory_space<vmem>> -> memref<80x128xf32, #tpu.memory_space<vmem>>
      %dma_start3A_160 = arith.constant 0 : i32
      %dma_start3A_161 = tpu.memref_slice %arg8[%run_scoped3A, %dma_start3A_160] : memref<8x80xi32, #tpu.memory_space<vmem>> -> memref<1x80xi32, #tpu.memory_space<vmem>>
      %dma_start3A_162 = tpu.memref_squeeze %dma_start3A_161 : memref<1x80xi32, #tpu.memory_space<vmem>> -> memref<80xi32, #tpu.memory_space<vmem>>
      %dma_start3A_163 = arith.constant 0 : i32
      %dma_start3A_164 = arith.constant 0 : i32
      %dma_start3A_165 = tpu.memref_slice %arg6[%dma_start3A_163, %dma_start3A_164] : memref<10001x128xf32, #tpu.memory_space<vmem_shared>> -> memref<10001x128xf32, #tpu.memory_space<vmem_shared>>
      tpu.enqueue_indirect_dma source(%dma_start3A_159 : memref<80x128xf32, #tpu.memory_space<vmem>>) target(%dma_start3A_165 : memref<10001x128xf32, #tpu.memory_space<vmem_shared>>) offsets(%dma_start3A_162 : memref<80xi32, #tpu.memory_space<vmem>>) semaphore(%run_scoped3A_156 : memref<!tpu.dma_semaphore, #tpu.memory_space<semaphore_mem>>) {add = true}
      %dma_wait3A_166 = arith.constant 160 : i32
      %dma_wait3A_167 = arith.constant 0 : i32
      %dma_wait3A_168 = tpu.memref_slice %arg9[%dma_wait3A_166, %dma_wait3A_167] : memref<320x128xf32, #tpu.memory_space<vmem>> -> memref<80x128xf32, #tpu.memory_space<vmem>>
      %dma_wait3A_169 = arith.constant 0 : i32
      %dma_wait3A_170 = tpu.memref_slice %arg8[%run_scoped3A, %dma_wait3A_169] : memref<8x80xi32, #tpu.memory_space<vmem>> -> memref<1x80xi32, #tpu.memory_space<vmem>>
      %dma_wait3A_171 = tpu.memref_squeeze %dma_wait3A_170 : memref<1x80xi32, #tpu.memory_space<vmem>> -> memref<80xi32, #tpu.memory_space<vmem>>
      %dma_wait3A_172 = arith.constant 0 : i32
      %dma_wait3A_173 = arith.constant 0 : i32
      %dma_wait3A_174 = tpu.memref_slice %arg6[%dma_wait3A_172, %dma_wait3A_173] : memref<10001x128xf32, #tpu.memory_space<vmem_shared>> -> memref<10001x128xf32, #tpu.memory_space<vmem_shared>>
      tpu.wait_indirect_dma semaphore(%run_scoped3A_156 : memref<!tpu.dma_semaphore, #tpu.memory_space<semaphore_mem>>) src(%dma_wait3A_168 : memref<80x128xf32, #tpu.memory_space<vmem>>) dst(%dma_wait3A_174 : memref<10001x128xf32, #tpu.memory_space<vmem_shared>>)
      tpu.yield
    }) : () -> ()
    %dma_wait3A_124 = arith.constant 3 : i32
    %dma_wait3A_125 = arith.constant 240 : i32
    %dma_wait3A_126 = arith.constant 0 : i32
    %dma_wait3A_127 = tpu.memref_slice %arg9[%dma_wait3A_125, %dma_wait3A_126] : memref<320x128xf32, #tpu.memory_space<vmem>> -> memref<80x128xf32, #tpu.memory_space<vmem>>
    %dma_wait3A_128 = arith.constant 0 : i32
    %dma_wait3A_129 = tpu.memref_slice %arg7[%dma_wait3A_124, %dma_wait3A_128] : memref<8x80xi32, #tpu.memory_space<vmem>> -> memref<1x80xi32, #tpu.memory_space<vmem>>
    %dma_wait3A_130 = tpu.memref_squeeze %dma_wait3A_129 : memref<1x80xi32, #tpu.memory_space<vmem>> -> memref<80xi32, #tpu.memory_space<vmem>>
    %dma_wait3A_131 = arith.constant 0 : i32
    %dma_wait3A_132 = arith.constant 0 : i32
    %dma_wait3A_133 = tpu.memref_slice %arg2[%dma_wait3A_131, %dma_wait3A_132] : memref<10000x128xf32, #tpu.memory_space<hbm>> -> memref<10000x128xf32, #tpu.memory_space<hbm>>
    tpu.wait_indirect_dma semaphore(%arg10 : memref<!tpu.dma_semaphore, #tpu.memory_space<semaphore_mem>>) src(%dma_wait3A_133 : memref<10000x128xf32, #tpu.memory_space<hbm>>) dst(%dma_wait3A_127 : memref<80x128xf32, #tpu.memory_space<vmem>>)
    %run_scoped3A_134 = arith.constant 3 : i32
    "tpu.region"() ({
      %run_scoped3A_156 = tpu.sem_alloc : memref<!tpu.dma_semaphore, #tpu.memory_space<semaphore_mem>>
      %dma_start3A_157 = arith.constant 240 : i32
      %dma_start3A_158 = arith.constant 0 : i32
      %dma_start3A_159 = tpu.memref_slice %arg9[%dma_start3A_157, %dma_start3A_158] : memref<320x128xf32, #tpu.memory_space<vmem>> -> memref<80x128xf32, #tpu.memory_space<vmem>>
      %dma_start3A_160 = arith.constant 0 : i32
      %dma_start3A_161 = tpu.memref_slice %arg8[%run_scoped3A_134, %dma_start3A_160] : memref<8x80xi32, #tpu.memory_space<vmem>> -> memref<1x80xi32, #tpu.memory_space<vmem>>
      %dma_start3A_162 = tpu.memref_squeeze %dma_start3A_161 : memref<1x80xi32, #tpu.memory_space<vmem>> -> memref<80xi32, #tpu.memory_space<vmem>>
      %dma_start3A_163 = arith.constant 0 : i32
      %dma_start3A_164 = arith.constant 0 : i32
      %dma_start3A_165 = tpu.memref_slice %arg6[%dma_start3A_163, %dma_start3A_164] : memref<10001x128xf32, #tpu.memory_space<vmem_shared>> -> memref<10001x128xf32, #tpu.memory_space<vmem_shared>>
      tpu.enqueue_indirect_dma source(%dma_start3A_159 : memref<80x128xf32, #tpu.memory_space<vmem>>) target(%dma_start3A_165 : memref<10001x128xf32, #tpu.memory_space<vmem_shared>>) offsets(%dma_start3A_162 : memref<80xi32, #tpu.memory_space<vmem>>) semaphore(%run_scoped3A_156 : memref<!tpu.dma_semaphore, #tpu.memory_space<semaphore_mem>>) {add = true}
      %dma_wait3A_166 = arith.constant 240 : i32
      %dma_wait3A_167 = arith.constant 0 : i32
      %dma_wait3A_168 = tpu.memref_slice %arg9[%dma_wait3A_166, %dma_wait3A_167] : memref<320x128xf32, #tpu.memory_space<vmem>> -> memref<80x128xf32, #tpu.memory_space<vmem>>
      %dma_wait3A_169 = arith.constant 0 : i32
      %dma_wait3A_170 = tpu.memref_slice %arg8[%run_scoped3A_134, %dma_wait3A_169] : memref<8x80xi32, #tpu.memory_space<vmem>> -> memref<1x80xi32, #tpu.memory_space<vmem>>
      %dma_wait3A_171 = tpu.memref_squeeze %dma_wait3A_170 : memref<1x80xi32, #tpu.memory_space<vmem>> -> memref<80xi32, #tpu.memory_space<vmem>>
      %dma_wait3A_172 = arith.constant 0 : i32
      %dma_wait3A_173 = arith.constant 0 : i32
      %dma_wait3A_174 = tpu.memref_slice %arg6[%dma_wait3A_172, %dma_wait3A_173] : memref<10001x128xf32, #tpu.memory_space<vmem_shared>> -> memref<10001x128xf32, #tpu.memory_space<vmem_shared>>
      tpu.wait_indirect_dma semaphore(%run_scoped3A_156 : memref<!tpu.dma_semaphore, #tpu.memory_space<semaphore_mem>>) src(%dma_wait3A_168 : memref<80x128xf32, #tpu.memory_space<vmem>>) dst(%dma_wait3A_174 : memref<10001x128xf32, #tpu.memory_space<vmem_shared>>)
      tpu.yield
    }) : () -> ()
    %dma_wait3A_135 = arith.constant 4 : i32
    %dma_wait3A_136 = arith.constant 0 : i32
    %dma_wait3A_137 = arith.constant 0 : i32
    %dma_wait3A_138 = tpu.memref_slice %arg9[%dma_wait3A_136, %dma_wait3A_137] : memref<320x128xf32, #tpu.memory_space<vmem>> -> memref<80x128xf32, #tpu.memory_space<vmem>>
    %dma_wait3A_139 = arith.constant 0 : i32
    %dma_wait3A_140 = tpu.memref_slice %arg7[%dma_wait3A_135, %dma_wait3A_139] : memref<8x80xi32, #tpu.memory_space<vmem>> -> memref<1x80xi32, #tpu.memory_space<vmem>>
    %dma_wait3A_141 = tpu.memref_squeeze %dma_wait3A_140 : memref<1x80xi32, #tpu.memory_space<vmem>> -> memref<80xi32, #tpu.memory_space<vmem>>
    %dma_wait3A_142 = arith.constant 0 : i32
    %dma_wait3A_143 = arith.constant 0 : i32
    %dma_wait3A_144 = tpu.memref_slice %arg2[%dma_wait3A_142, %dma_wait3A_143] : memref<10000x128xf32, #tpu.memory_space<hbm>> -> memref<10000x128xf32, #tpu.memory_space<hbm>>
    tpu.wait_indirect_dma semaphore(%arg10 : memref<!tpu.dma_semaphore, #tpu.memory_space<semaphore_mem>>) src(%dma_wait3A_144 : memref<10000x128xf32, #tpu.memory_space<hbm>>) dst(%dma_wait3A_138 : memref<80x128xf32, #tpu.memory_space<vmem>>)
    %run_scoped3A_145 = arith.constant 4 : i32
    "tpu.region"() ({
      %run_scoped3A_156 = tpu.sem_alloc : memref<!tpu.dma_semaphore, #tpu.memory_space<semaphore_mem>>
      %dma_start3A_157 = arith.constant 0 : i32
      %dma_start3A_158 = arith.constant 0 : i32
      %dma_start3A_159 = tpu.memref_slice %arg9[%dma_start3A_157, %dma_start3A_158] : memref<320x128xf32, #tpu.memory_space<vmem>> -> memref<80x128xf32, #tpu.memory_space<vmem>>
      %dma_start3A_160 = arith.constant 0 : i32
      %dma_start3A_161 = tpu.memref_slice %arg8[%run_scoped3A_145, %dma_start3A_160] : memref<8x80xi32, #tpu.memory_space<vmem>> -> memref<1x80xi32, #tpu.memory_space<vmem>>
      %dma_start3A_162 = tpu.memref_squeeze %dma_start3A_161 : memref<1x80xi32, #tpu.memory_space<vmem>> -> memref<80xi32, #tpu.memory_space<vmem>>
      %dma_start3A_163 = arith.constant 0 : i32
      %dma_start3A_164 = arith.constant 0 : i32
      %dma_start3A_165 = tpu.memref_slice %arg6[%dma_start3A_163, %dma_start3A_164] : memref<10001x128xf32, #tpu.memory_space<vmem_shared>> -> memref<10001x128xf32, #tpu.memory_space<vmem_shared>>
      tpu.enqueue_indirect_dma source(%dma_start3A_159 : memref<80x128xf32, #tpu.memory_space<vmem>>) target(%dma_start3A_165 : memref<10001x128xf32, #tpu.memory_space<vmem_shared>>) offsets(%dma_start3A_162 : memref<80xi32, #tpu.memory_space<vmem>>) semaphore(%run_scoped3A_156 : memref<!tpu.dma_semaphore, #tpu.memory_space<semaphore_mem>>) {add = true}
      %dma_wait3A_166 = arith.constant 0 : i32
      %dma_wait3A_167 = arith.constant 0 : i32
      %dma_wait3A_168 = tpu.memref_slice %arg9[%dma_wait3A_166, %dma_wait3A_167] : memref<320x128xf32, #tpu.memory_space<vmem>> -> memref<80x128xf32, #tpu.memory_space<vmem>>
      %dma_wait3A_169 = arith.constant 0 : i32
      %dma_wait3A_170 = tpu.memref_slice %arg8[%run_scoped3A_145, %dma_wait3A_169] : memref<8x80xi32, #tpu.memory_space<vmem>> -> memref<1x80xi32, #tpu.memory_space<vmem>>
      %dma_wait3A_171 = tpu.memref_squeeze %dma_wait3A_170 : memref<1x80xi32, #tpu.memory_space<vmem>> -> memref<80xi32, #tpu.memory_space<vmem>>
      %dma_wait3A_172 = arith.constant 0 : i32
      %dma_wait3A_173 = arith.constant 0 : i32
      %dma_wait3A_174 = tpu.memref_slice %arg6[%dma_wait3A_172, %dma_wait3A_173] : memref<10001x128xf32, #tpu.memory_space<vmem_shared>> -> memref<10001x128xf32, #tpu.memory_space<vmem_shared>>
      tpu.wait_indirect_dma semaphore(%run_scoped3A_156 : memref<!tpu.dma_semaphore, #tpu.memory_space<semaphore_mem>>) src(%dma_wait3A_168 : memref<80x128xf32, #tpu.memory_space<vmem>>) dst(%dma_wait3A_174 : memref<10001x128xf32, #tpu.memory_space<vmem_shared>>)
      tpu.yield
    }) : () -> ()
    %barrier3A_146 = arith.constant 0 : index
    tpu.barrier barrier_id(%barrier3A_146)
    %mul3A_147 = arith.constant 624 : i32
    %mul3A_148 = arith.muli %arg1, %mul3A_147 : i32
    %mul3A_149 = arith.constant 624 : i32
    %mul3A_150 = arith.muli %arg1, %mul3A_149 : i32
    "tpu.region"() ({
      %run_scoped3A_156 = tpu.sem_alloc : memref<!tpu.dma_semaphore, #tpu.memory_space<semaphore_mem>>
      %dma_start3A_157 = arith.constant 0 : i32
      %dma_start3A_158 = tpu.memref_slice %arg5[%arg0, %mul3A_150, %dma_start3A_157] : memref<2x10000x128xf32, #tpu.memory_space<hbm>> -> memref<1x624x128xf32, #tpu.memory_space<hbm>>
      %dma_start3A_159 = tpu.memref_squeeze %dma_start3A_158 : memref<1x624x128xf32, #tpu.memory_space<hbm>> -> memref<624x128xf32, #tpu.memory_space<hbm>>
      %dma_start3A_160 = arith.constant 0 : i32
      %dma_start3A_161 = tpu.memref_slice %arg6[%mul3A_148, %dma_start3A_160] : memref<10001x128xf32, #tpu.memory_space<vmem_shared>> -> memref<624x128xf32, #tpu.memory_space<vmem_shared>>
      tpu.enqueue_dma source(%dma_start3A_161 : memref<624x128xf32, #tpu.memory_space<vmem_shared>>) target(%dma_start3A_159 : memref<624x128xf32, #tpu.memory_space<hbm>>) target_semaphore(%run_scoped3A_156 : memref<!tpu.dma_semaphore, #tpu.memory_space<semaphore_mem>>)
      %dma_wait3A_162 = arith.constant 0 : i32
      %dma_wait3A_163 = tpu.memref_slice %arg5[%arg0, %mul3A_150, %dma_wait3A_162] : memref<2x10000x128xf32, #tpu.memory_space<hbm>> -> memref<1x624x128xf32, #tpu.memory_space<hbm>>
      %dma_wait3A_164 = tpu.memref_squeeze %dma_wait3A_163 : memref<1x624x128xf32, #tpu.memory_space<hbm>> -> memref<624x128xf32, #tpu.memory_space<hbm>>
      %dma_wait3A_165 = arith.constant 0 : i32
      %dma_wait3A_166 = tpu.memref_slice %arg6[%mul3A_148, %dma_wait3A_165] : memref<10001x128xf32, #tpu.memory_space<vmem_shared>> -> memref<624x128xf32, #tpu.memory_space<vmem_shared>>
      tpu.wait_dma2 semaphore(%run_scoped3A_156 : memref<!tpu.dma_semaphore, #tpu.memory_space<semaphore_mem>>) src(%dma_wait3A_166 : memref<624x128xf32, #tpu.memory_space<vmem_shared>>) dst(%dma_wait3A_164 : memref<624x128xf32, #tpu.memory_space<hbm>>)
      tpu.yield
    }) : () -> ()
    %eq3A_151 = arith.constant 15 : i32
    %eq3A_152 = arith.cmpi eq, %arg1, %eq3A_151 : i32
    %convert_element_type3A_153 = arith.extui %eq3A_152 : i1 to i32
    %cond3A_154 = arith.constant 0 : i32
    %cond3A_155 = arith.cmpi ne, %convert_element_type3A_153, %cond3A_154 : i32
    scf.if %cond3A_155 {
      "tpu.region"() ({
        %run_scoped3A_156 = tpu.sem_alloc : memref<!tpu.dma_semaphore, #tpu.memory_space<semaphore_mem>>
        %dma_start3A_157 = arith.constant 9984 : i32
        %dma_start3A_158 = arith.constant 0 : i32
        %dma_start3A_159 = tpu.memref_slice %arg5[%arg0, %dma_start3A_157, %dma_start3A_158] : memref<2x10000x128xf32, #tpu.memory_space<hbm>> -> memref<1x16x128xf32, #tpu.memory_space<hbm>>
        %dma_start3A_160 = tpu.memref_squeeze %dma_start3A_159 : memref<1x16x128xf32, #tpu.memory_space<hbm>> -> memref<16x128xf32, #tpu.memory_space<hbm>>
        %dma_start3A_161 = arith.constant 9984 : i32
        %dma_start3A_162 = arith.constant 0 : i32
        %dma_start3A_163 = tpu.memref_slice %arg6[%dma_start3A_161, %dma_start3A_162] : memref<10001x128xf32, #tpu.memory_space<vmem_shared>> -> memref<16x128xf32, #tpu.memory_space<vmem_shared>>
        tpu.enqueue_dma source(%dma_start3A_163 : memref<16x128xf32, #tpu.memory_space<vmem_shared>>) target(%dma_start3A_160 : memref<16x128xf32, #tpu.memory_space<hbm>>) target_semaphore(%run_scoped3A_156 : memref<!tpu.dma_semaphore, #tpu.memory_space<semaphore_mem>>)
        %dma_wait3A_164 = arith.constant 9984 : i32
        %dma_wait3A_165 = arith.constant 0 : i32
        %dma_wait3A_166 = tpu.memref_slice %arg5[%arg0, %dma_wait3A_164, %dma_wait3A_165] : memref<2x10000x128xf32, #tpu.memory_space<hbm>> -> memref<1x16x128xf32, #tpu.memory_space<hbm>>
        %dma_wait3A_167 = tpu.memref_squeeze %dma_wait3A_166 : memref<1x16x128xf32, #tpu.memory_space<hbm>> -> memref<16x128xf32, #tpu.memory_space<hbm>>
        %dma_wait3A_168 = arith.constant 9984 : i32
        %dma_wait3A_169 = arith.constant 0 : i32
        %dma_wait3A_170 = tpu.memref_slice %arg6[%dma_wait3A_168, %dma_wait3A_169] : memref<10001x128xf32, #tpu.memory_space<vmem_shared>> -> memref<16x128xf32, #tpu.memory_space<vmem_shared>>
        tpu.wait_dma2 semaphore(%run_scoped3A_156 : memref<!tpu.dma_semaphore, #tpu.memory_space<semaphore_mem>>) src(%dma_wait3A_170 : memref<16x128xf32, #tpu.memory_space<vmem_shared>>) dst(%dma_wait3A_167 : memref<16x128xf32, #tpu.memory_space<hbm>>)
        tpu.yield
      }) : () -> ()
    } else {
    }
    return
  }
}

module attributes {stable_mosaic.version = 14 : i64} {
  func.func @_tc2_body(%arg0: i32, %arg1: memref<2x2000x128xf32, #tpu.memory_space<vmem>>, %arg2: memref<2x2000x128xf32, #tpu.memory_space<vmem>>, %arg3: memref<2000x256xf32, #tpu.memory_space<vmem>>, %arg4: memref<128x256xf32, #tpu.memory_space<vmem>>, %arg5: memref<1x128xf32, #tpu.memory_space<vmem>>, %arg6: memref<2000x128xf32, #tpu.memory_space<vmem>>) attributes {dimension_semantics = [#tpu.dimension_semantics<arbitrary>], iteration_bounds = array<i64: 5>, scalar_prefetch = 0 : i64, scratch_operands = 0 : i64, tpu.core_type = #tpu.core_type<tc>, window_params = [{transform_indices = @transform_0, window_bounds = array<i64: 2, 2000, 128>}, {transform_indices = @transform_1, window_bounds = array<i64: 2, 2000, 128>}, {transform_indices = @transform_2, window_bounds = array<i64: 2000, 256>}, {pipeline_mode = #tpu.pipeline_mode<synchronous>, transform_indices = @transform_3, window_bounds = array<i64: 128, 256>}, {pipeline_mode = #tpu.pipeline_mode<synchronous>, transform_indices = @transform_4, window_bounds = array<i64: 1, 128>}, {transform_indices = @transform_5, window_bounds = array<i64: 2000, 128>}]} {
    %get3A = arith.constant 0 : index
    %get3A_0 = arith.constant 0 : index
    %get3A_1 = arith.constant 0 : index
    %get3A_2 = vector.load %arg1[%get3A, %get3A_0, %get3A_1] : memref<2x2000x128xf32, #tpu.memory_space<vmem>>, vector<1x2000x128xf32>
    %get3A_3 = vector.shape_cast %get3A_2 : vector<1x2000x128xf32> to vector<2000x128xf32>
    %get3A_4 = arith.constant 1 : index
    %get3A_5 = arith.constant 0 : index
    %get3A_6 = arith.constant 0 : index
    %get3A_7 = vector.load %arg1[%get3A_4, %get3A_5, %get3A_6] : memref<2x2000x128xf32, #tpu.memory_space<vmem>>, vector<1x2000x128xf32>
    %get3A_8 = vector.shape_cast %get3A_7 : vector<1x2000x128xf32> to vector<2000x128xf32>
    %add3A = arith.addf %get3A_3, %get3A_8 : vector<2000x128xf32>
    %get3A_9 = arith.constant 0 : index
    %get3A_10 = arith.constant 0 : index
    %get3A_11 = arith.constant 0 : index
    %get3A_12 = vector.load %arg2[%get3A_9, %get3A_10, %get3A_11] : memref<2x2000x128xf32, #tpu.memory_space<vmem>>, vector<1x2000x1xf32>
    %get3A_13 = vector.shape_cast %get3A_12 : vector<1x2000x1xf32> to vector<2000x1xf32>
    %get3A_14 = arith.constant 1 : index
    %get3A_15 = arith.constant 0 : index
    %get3A_16 = arith.constant 0 : index
    %get3A_17 = vector.load %arg2[%get3A_14, %get3A_15, %get3A_16] : memref<2x2000x128xf32, #tpu.memory_space<vmem>>, vector<1x2000x1xf32>
    %get3A_18 = vector.shape_cast %get3A_17 : vector<1x2000x1xf32> to vector<2000x1xf32>
    %add3A_19 = arith.addf %get3A_13, %get3A_18 : vector<2000x1xf32>
    %max3A = arith.constant 1.000000e+00 : f32
    %max3A_20 = vector.broadcast %max3A : f32 to vector<2000x1xf32>
    %max3A_21 = arith.maximumf %add3A_19, %max3A_20 : vector<2000x1xf32>
    %div3A = arith.constant 1.000000e+00 : f32
    %div3A_22 = vector.broadcast %div3A : f32 to vector<2000x1xf32>
    %div3A_23 = arith.divf %div3A_22, %max3A_21 : vector<2000x1xf32>
    %mul3A = vector.broadcast %div3A_23 : vector<2000x1xf32> to vector<2000x128xf32>
    %mul3A_24 = arith.mulf %add3A, %mul3A : vector<2000x128xf32>
    %get3A_25 = arith.constant 0 : index
    %get3A_26 = arith.constant 0 : index
    %get3A_27 = vector.load %arg3[%get3A_25, %get3A_26] : memref<2000x256xf32, #tpu.memory_space<vmem>>, vector<2000x256xf32>
    %get3A_28 = arith.constant 0 : index
    %get3A_29 = arith.constant 0 : index
    %get3A_30 = vector.load %arg4[%get3A_28, %get3A_29] : memref<128x256xf32, #tpu.memory_space<vmem>>, vector<128x256xf32>
    %dot_general3A = arith.constant dense<0.000000e+00> : vector<2000x128xf32>
    %dot_general3A_31 = tpu.matmul %get3A_27, %get3A_30, %dot_general3A {dimension_numbers = #tpu.dot_dimension_numbers<[1], [1], [0], [0], [0, 0, 1, 0], [], []>, transpose_lhs_hint = false} : vector<2000x256xf32>, vector<128x256xf32>, vector<2000x128xf32> -> vector<2000x128xf32>
    %add3A_32 = arith.addf %mul3A_24, %dot_general3A_31 : vector<2000x128xf32>
    %get3A_33 = arith.constant 0 : index
    %get3A_34 = arith.constant 0 : index
    %get3A_35 = vector.load %arg5[%get3A_33, %get3A_34] : memref<1x128xf32, #tpu.memory_space<vmem>>, vector<1x128xf32>
    %add3A_36 = vector.broadcast %get3A_35 : vector<1x128xf32> to vector<2000x128xf32>
    %add3A_37 = arith.addf %add3A_32, %add3A_36 : vector<2000x128xf32>
    %swap3A = arith.constant 0 : index
    %swap3A_38 = arith.constant 0 : index
    %swap3A_39 = vector.load %arg6[%swap3A, %swap3A_38] : memref<2000x128xf32, #tpu.memory_space<vmem>>, vector<2000x128xf32>
    tpu.vector_store %arg6[%swap3A, %swap3A_38], %add3A_37 {strides = array<i32>} : memref<2000x128xf32, #tpu.memory_space<vmem>>, vector<2000x128xf32>,
    return
  }
  func.func @transform_0(%arg0: i32) -> (i32, i32, i32) {
    %c0_i32 = arith.constant 0 : i32
    %c0_i32_0 = arith.constant 0 : i32
    %c0_i32_1 = arith.constant 0 : i32
    return %c0_i32, %arg0, %c0_i32_0 : i32, i32, i32
  }
  func.func @transform_1(%arg0: i32) -> (i32, i32, i32) {
    %c0_i32 = arith.constant 0 : i32
    %c0_i32_0 = arith.constant 0 : i32
    %c0_i32_1 = arith.constant 0 : i32
    return %c0_i32, %arg0, %c0_i32_0 : i32, i32, i32
  }
  func.func @transform_2(%arg0: i32) -> (i32, i32) {
    %c0_i32 = arith.constant 0 : i32
    %c0_i32_0 = arith.constant 0 : i32
    return %arg0, %c0_i32 : i32, i32
  }
  func.func @transform_3(%arg0: i32) -> (i32, i32) {
    %c0_i32 = arith.constant 0 : i32
    %c0_i32_0 = arith.constant 0 : i32
    %c0_i32_1 = arith.constant 0 : i32
    return %c0_i32, %c0_i32_0 : i32, i32
  }
  func.func @transform_4(%arg0: i32) -> (i32, i32) {
    %c0_i32 = arith.constant 0 : i32
    %c0_i32_0 = arith.constant 0 : i32
    %c0_i32_1 = arith.constant 0 : i32
    return %c0_i32, %c0_i32_0 : i32, i32
  }
  func.func @transform_5(%arg0: i32) -> (i32, i32) {
    %c0_i32 = arith.constant 0 : i32
    %c0_i32_0 = arith.constant 0 : i32
    return %arg0, %c0_i32 : i32, i32
  }
}

module attributes {stable_mosaic.version = 14 : i64} {
  func.func @_tc1_body(%arg0: i32, %arg1: memref<2x2000x128xf32, #tpu.memory_space<vmem>>, %arg2: memref<2x2000x128xf32, #tpu.memory_space<vmem>>, %arg3: memref<2000x128xf32, #tpu.memory_space<vmem>>, %arg4: memref<256x128xf32, #tpu.memory_space<vmem>>, %arg5: memref<1x256xf32, #tpu.memory_space<vmem>>, %arg6: memref<256x128xf32, #tpu.memory_space<vmem>>, %arg7: memref<128x256xf32, #tpu.memory_space<vmem>>, %arg8: memref<2000x256xf32, #tpu.memory_space<vmem>>, %arg9: memref<2000x128xf32, #tpu.memory_space<vmem>>) attributes {dimension_semantics = [#tpu.dimension_semantics<arbitrary>], iteration_bounds = array<i64: 5>, scalar_prefetch = 0 : i64, scratch_operands = 0 : i64, tpu.core_type = #tpu.core_type<tc>, window_params = [{transform_indices = @transform_0, window_bounds = array<i64: 2, 2000, 128>}, {transform_indices = @transform_1, window_bounds = array<i64: 2, 2000, 128>}, {transform_indices = @transform_2, window_bounds = array<i64: 2000, 128>}, {pipeline_mode = #tpu.pipeline_mode<synchronous>, transform_indices = @transform_3, window_bounds = array<i64: 256, 128>}, {pipeline_mode = #tpu.pipeline_mode<synchronous>, transform_indices = @transform_4, window_bounds = array<i64: 1, 256>}, {pipeline_mode = #tpu.pipeline_mode<synchronous>, transform_indices = @transform_5, window_bounds = array<i64: 256, 128>}, {pipeline_mode = #tpu.pipeline_mode<synchronous>, transform_indices = @transform_6, window_bounds = array<i64: 128, 256>}, {transform_indices = @transform_7, window_bounds = array<i64: 2000, 256>}, {transform_indices = @transform_8, window_bounds = array<i64: 2000, 128>}]} {
    %get3A = arith.constant 0 : index
    %get3A_0 = arith.constant 0 : index
    %get3A_1 = arith.constant 0 : index
    %get3A_2 = vector.load %arg1[%get3A, %get3A_0, %get3A_1] : memref<2x2000x128xf32, #tpu.memory_space<vmem>>, vector<1x2000x128xf32>
    %get3A_3 = vector.shape_cast %get3A_2 : vector<1x2000x128xf32> to vector<2000x128xf32>
    %get3A_4 = arith.constant 1 : index
    %get3A_5 = arith.constant 0 : index
    %get3A_6 = arith.constant 0 : index
    %get3A_7 = vector.load %arg1[%get3A_4, %get3A_5, %get3A_6] : memref<2x2000x128xf32, #tpu.memory_space<vmem>>, vector<1x2000x128xf32>
    %get3A_8 = vector.shape_cast %get3A_7 : vector<1x2000x128xf32> to vector<2000x128xf32>
    %add3A = arith.addf %get3A_3, %get3A_8 : vector<2000x128xf32>
    %get3A_9 = arith.constant 0 : index
    %get3A_10 = arith.constant 0 : index
    %get3A_11 = arith.constant 0 : index
    %get3A_12 = vector.load %arg2[%get3A_9, %get3A_10, %get3A_11] : memref<2x2000x128xf32, #tpu.memory_space<vmem>>, vector<1x2000x1xf32>
    %get3A_13 = vector.shape_cast %get3A_12 : vector<1x2000x1xf32> to vector<2000x1xf32>
    %get3A_14 = arith.constant 1 : index
    %get3A_15 = arith.constant 0 : index
    %get3A_16 = arith.constant 0 : index
    %get3A_17 = vector.load %arg2[%get3A_14, %get3A_15, %get3A_16] : memref<2x2000x128xf32, #tpu.memory_space<vmem>>, vector<1x2000x1xf32>
    %get3A_18 = vector.shape_cast %get3A_17 : vector<1x2000x1xf32> to vector<2000x1xf32>
    %add3A_19 = arith.addf %get3A_13, %get3A_18 : vector<2000x1xf32>
    %max3A = arith.constant 1.000000e+00 : f32
    %max3A_20 = vector.broadcast %max3A : f32 to vector<2000x1xf32>
    %max3A_21 = arith.maximumf %add3A_19, %max3A_20 : vector<2000x1xf32>
    %div3A = arith.constant 1.000000e+00 : f32
    %div3A_22 = vector.broadcast %div3A : f32 to vector<2000x1xf32>
    %div3A_23 = arith.divf %div3A_22, %max3A_21 : vector<2000x1xf32>
    %mul3A = vector.broadcast %div3A_23 : vector<2000x1xf32> to vector<2000x128xf32>
    %mul3A_24 = arith.mulf %add3A, %mul3A : vector<2000x128xf32>
    %get3A_25 = arith.constant 0 : index
    %get3A_26 = arith.constant 0 : index
    %get3A_27 = vector.load %arg4[%get3A_25, %get3A_26] : memref<256x128xf32, #tpu.memory_space<vmem>>, vector<256x128xf32>
    %dot_general3A = arith.constant dense<0.000000e+00> : vector<2000x256xf32>
    %dot_general3A_28 = tpu.matmul %mul3A_24, %get3A_27, %dot_general3A {dimension_numbers = #tpu.dot_dimension_numbers<[1], [1], [0], [0], [0, 0, 1, 0], [], []>, transpose_lhs_hint = false} : vector<2000x128xf32>, vector<256x128xf32>, vector<2000x256xf32> -> vector<2000x256xf32>
    %get3A_29 = arith.constant 0 : index
    %get3A_30 = arith.constant 0 : index
    %get3A_31 = vector.load %arg3[%get3A_29, %get3A_30] : memref<2000x128xf32, #tpu.memory_space<vmem>>, vector<2000x128xf32>
    %get3A_32 = arith.constant 0 : index
    %get3A_33 = arith.constant 0 : index
    %get3A_34 = vector.load %arg6[%get3A_32, %get3A_33] : memref<256x128xf32, #tpu.memory_space<vmem>>, vector<256x128xf32>
    %dot_general3A_35 = arith.constant dense<0.000000e+00> : vector<2000x256xf32>
    %dot_general3A_36 = tpu.matmul %get3A_31, %get3A_34, %dot_general3A_35 {dimension_numbers = #tpu.dot_dimension_numbers<[1], [1], [0], [0], [0, 0, 1, 0], [], []>, transpose_lhs_hint = false} : vector<2000x128xf32>, vector<256x128xf32>, vector<2000x256xf32> -> vector<2000x256xf32>
    %add3A_37 = arith.addf %dot_general3A_28, %dot_general3A_36 : vector<2000x256xf32>
    %get3A_38 = arith.constant 0 : index
    %get3A_39 = arith.constant 0 : index
    %get3A_40 = vector.load %arg5[%get3A_38, %get3A_39] : memref<1x256xf32, #tpu.memory_space<vmem>>, vector<1x256xf32>
    %add3A_41 = vector.broadcast %get3A_40 : vector<1x256xf32> to vector<2000x256xf32>
    %add3A_42 = arith.addf %add3A_37, %add3A_41 : vector<2000x256xf32>
    %max3A_43 = arith.constant 0.000000e+00 : f32
    %max3A_44 = vector.broadcast %max3A_43 : f32 to vector<2000x256xf32>
    %max3A_45 = arith.maximumf %add3A_42, %max3A_44 : vector<2000x256xf32>
    %swap3A = arith.constant 0 : index
    %swap3A_46 = arith.constant 0 : index
    %swap3A_47 = vector.load %arg8[%swap3A, %swap3A_46] : memref<2000x256xf32, #tpu.memory_space<vmem>>, vector<2000x256xf32>
    tpu.vector_store %arg8[%swap3A, %swap3A_46], %max3A_45 {strides = array<i32>} : memref<2000x256xf32, #tpu.memory_space<vmem>>, vector<2000x256xf32>,
    %get3A_48 = arith.constant 0 : index
    %get3A_49 = arith.constant 0 : index
    %get3A_50 = vector.load %arg7[%get3A_48, %get3A_49] : memref<128x256xf32, #tpu.memory_space<vmem>>, vector<128x256xf32>
    %dot_general3A_51 = arith.constant dense<0.000000e+00> : vector<2000x128xf32>
    %dot_general3A_52 = tpu.matmul %max3A_45, %get3A_50, %dot_general3A_51 {dimension_numbers = #tpu.dot_dimension_numbers<[1], [1], [0], [0], [0, 0, 1, 0], [], []>, transpose_lhs_hint = false} : vector<2000x256xf32>, vector<128x256xf32>, vector<2000x128xf32> -> vector<2000x128xf32>
    %swap3A_53 = arith.constant 0 : index
    %swap3A_54 = arith.constant 0 : index
    %swap3A_55 = vector.load %arg9[%swap3A_53, %swap3A_54] : memref<2000x128xf32, #tpu.memory_space<vmem>>, vector<2000x128xf32>
    tpu.vector_store %arg9[%swap3A_53, %swap3A_54], %dot_general3A_52 {strides = array<i32>} : memref<2000x128xf32, #tpu.memory_space<vmem>>, vector<2000x128xf32>,
    return
  }
  func.func @transform_0(%arg0: i32) -> (i32, i32, i32) {
    %c0_i32 = arith.constant 0 : i32
    %c0_i32_0 = arith.constant 0 : i32
    %c0_i32_1 = arith.constant 0 : i32
    return %c0_i32, %arg0, %c0_i32_0 : i32, i32, i32
  }
  func.func @transform_1(%arg0: i32) -> (i32, i32, i32) {
    %c0_i32 = arith.constant 0 : i32
    %c0_i32_0 = arith.constant 0 : i32
    %c0_i32_1 = arith.constant 0 : i32
    return %c0_i32, %arg0, %c0_i32_0 : i32, i32, i32
  }
  func.func @transform_2(%arg0: i32) -> (i32, i32) {
    %c0_i32 = arith.constant 0 : i32
    %c0_i32_0 = arith.constant 0 : i32
    return %arg0, %c0_i32 : i32, i32
  }
  func.func @transform_3(%arg0: i32) -> (i32, i32) {
    %c0_i32 = arith.constant 0 : i32
    %c0_i32_0 = arith.constant 0 : i32
    %c0_i32_1 = arith.constant 0 : i32
    return %c0_i32, %c0_i32_0 : i32, i32
  }
  func.func @transform_4(%arg0: i32) -> (i32, i32) {
    %c0_i32 = arith.constant 0 : i32
    %c0_i32_0 = arith.constant 0 : i32
    %c0_i32_1 = arith.constant 0 : i32
    return %c0_i32, %c0_i32_0 : i32, i32
  }
  func.func @transform_5(%arg0: i32) -> (i32, i32) {
    %c0_i32 = arith.constant 0 : i32
    %c0_i32_0 = arith.constant 0 : i32
    %c0_i32_1 = arith.constant 0 : i32
    return %c0_i32, %c0_i32_0 : i32, i32
  }
  func.func @transform_6(%arg0: i32) -> (i32, i32) {
    %c0_i32 = arith.constant 0 : i32
    %c0_i32_0 = arith.constant 0 : i32
    %c0_i32_1 = arith.constant 0 : i32
    return %c0_i32, %c0_i32_0 : i32, i32
  }
  func.func @transform_7(%arg0: i32) -> (i32, i32) {
    %c0_i32 = arith.constant 0 : i32
    %c0_i32_0 = arith.constant 0 : i32
    return %arg0, %c0_i32 : i32, i32
  }
  func.func @transform_8(%arg0: i32) -> (i32, i32) {
    %c0_i32 = arith.constant 0 : i32
    %c0_i32_0 = arith.constant 0 : i32
    return %arg0, %c0_i32 : i32, i32
  }
}

</mosaic_0001>

<sc_bundles>
// kernel: kernel.6.cloned.1.call-start
scs
__scs_entry_jumppad:
0x0: {  	(pc) =	sbr.rel $0x88, $3  }
0x1: {  	(tag) =	ssettag $0x0;
	lr =	simm.s32 $0x1  }
0x2: {  	[smem:$0x3F99] =	sst lr;
	_ =	strace $0xD0000000  }
0x3: {  	_ = 	snop  }
0x4: {  	_ = 	snop  }
0x5: {  	_ = 	snop  }
0x6: {  	_ = 	snop  }
0x7: {  	_ = 	snop  }
__scs_overlays_trampoline_lowered:
0x8: {  	[smem:$0x3FA8] =	sst s0  }
0x9: {  	[smem:$0x3FA9] =	sst s1  }
0xa: {  	[smem:$0x3FAA] =	sst s2  }
0xb: {  	[smem:$0x3FAB] =	sst s3  }
0xc: {  	[smem:$0x3FAC] =	sst s4  }
0xd: {  	[smem:$0x3FAD] =	sst s5  }
0xe: {  	[smem:$0x3FAE] =	sst s6  }
0xf: {  	[smem:$0x3FAF] =	sst s7  }
0x10: {  	[smem:$0x3FB0] =	sst s8  }
0x11: {  	[smem:$0x3FB1] =	sst s9;
	s0 =	simm.s32 @!p0 $0x0  }
0x12: {  	s1 =	sld [smem:$0x3F97];
	s0 =	simm.s32 @p0 $0x1  }
0x13: {  	[smem:$0x3FB2] =	sst s0;
	s0 =	simm.s32 @!p1 $0x0  }
0x14: {  	s2 =	sld [smem:$0x3F96];
	s0 =	simm.s32 @p1 $0x1  }
0x15: {  	[smem:$0x3FB3] =	sst s0;
	s0 =	simm.s32 @!p2 $0x0  }
0x16: {  	s3 =	sld [smem:$0x3FDB];
	s0 =	simm.s32 @p2 $0x1  }
0x17: {  	s4 =	simm.s32 $0x1BF5;
	[smem:$0x3FB5] =	sst s0  }
0x18: {  	s0 =	sld [smem:$0x3F98];
	_ =	swait.ge [sflag:s4], $0x0  }
0x19: {  	s7 =	sld [smem:$0x3F99]  }
0x1a: {  	s8 =	sadd.s32 $0xFFFFE003, lr  }
0x1b: {  	s9 =	sadd.s32 $0xFFFFFEF7, lr;
	s5 =	simm.s32 $0xFFFFFFFF;
	p2 =	slt.u32 s8, $0xFFFFF086  }
0x1c: {  	p1 =	slt.u32 s9, $0xF7A;
	s5 =	simm.s32 @!p2 $0x0  }
0x1d: {  	s5 =	simm.s32 @p1 $0x1;
	p0 =	seq.s32 s7, s2  }
0x1e: {  	s7 =	smul.u32 @!p0 $0xF7A, s2;
	p2 =	seq.s32 @!p0 s5, $0x0  }
0x1f: {  	s9 =	smul.u32 $0xF7A, s1;
	s8 =	simm.s32 @!p0 $0x1BF5;
	p2 =	por !p2, p0  }
0x20: {  	[sflag:s8] =	ssyncset.s32 @!p0 $0xFFFFF086;
	s6 =	sadd.s32 @!p0 s3, s7;
	s7 =	simm.s32 @!p0 $0x108  }
0x21: {  	s3 =	sadd.s32 s3, s9;
	s6 =	sadd.s32 @!p0 $0x88, s6;
	s7 =	simm.s32 @p2 $0x1082  }
0x22: {  	[simem:s7], [sflag:s8] =	dma.local @!p0 [hbm:s6], $0xF7A  }
0x23: {  	s9 =	sor.u32 $0xD0000000, s2;
	s6 =	simm.s32 $0x108;
	_ =	swait.ge @!p0 [sflag:s8], $0x0  }
0x24: {  	s3 =	sadd.s32 $0x88, s3;
	s6 =	simm.s32 @!p1 $0x1082;
	[sflag:s4] =	ssyncset.s32 $0xFFFFF086  }
0x25: {  	[simem:s6], [sflag:s4] =	dma.local [hbm:s3], $0xF7A  }
0x26: {  	[smem:$0x3F99] =	sst s1;
	(tag) =	ssettag s2;
	_ =	strace s9  }
0x27: {  	s1 =	sld [smem:$0x3FA9]  }
0x28: {  	s2 =	sld [smem:$0x3FAA]  }
0x29: {  	s4 =	sld [smem:$0x3FAC]  }
0x2a: {  	p0 =	seq.s32 s5, $0x0;
	s5 =	sld [smem:$0x3FAD]  }
0x2b: {  	s6 =	sld [smem:$0x3FAE]  }
0x2c: {  	s7 =	sld [smem:$0x3FAF]  }
0x2d: {  	s3 =	simm.s32 $0x108;
	s8 =	sld [smem:$0x3FB0]  }
0x2e: {  	s3 =	simm.s32 @!p0 $0x1082;
	s9 =	sld [smem:$0x3FB1]  }
0x2f: {  	lr =	sadd.s32 s0, s3;
	s0 =	sld [smem:$0x3FA8]  }
0x30: {  	s3 =	sld [smem:$0x3FAB]  }
0x31: {  	[smem:$0x3FB4] =	sst s10  }
0x32: {  	s10 =	sld [smem:$0x3FB2];
	_ =	sdelay $0x3  }
0x33: {  	p0 =	seq.s32 s10, $0x1;
	s10 =	sld [smem:$0x3FB4];
	_ =	sdelay $0x3  }
0x34: {  	[smem:$0x3FB4] =	sst s10  }
0x35: {  	s10 =	sld [smem:$0x3FB3];
	_ =	sdelay $0x3  }
0x36: {  	p1 =	seq.s32 s10, $0x1;
	s10 =	sld [smem:$0x3FB4];
	_ =	sdelay $0x3  }
0x37: {  	[smem:$0x3FB4] =	sst s10  }
0x38: {  	s10 =	sld [smem:$0x3FB5]  }
0x39: {  	_ = 	snop;
	(pc) =	sbr.ind lr, $3  }
0x3a: {  	_ = 	snop  }
0x3b: {  	_ = 	snop  }
0x3c: {  	p2 =	seq.s32 s10, $0x1;
	s10 =	sld [smem:$0x3FB4]  }
0x3d: {  	_ =	shalt  }
0x3e: {  	_ =	shalt  }
0x3f: {  	_ =	shalt  }
0x40: {  	_ =	shalt  }
0x41: {  	_ =	shalt  }
0x42: {  	_ =	shalt  }
0x43: {  	_ =	shalt  }
0x44: {  	_ =	shalt  }
0x45: {  	_ =	shalt  }
0x46: {  	_ =	shalt  }
0x47: {  	_ =	shalt  }
0x48: {  	_ =	shalt  }
0x49: {  	_ =	shalt  }
0x4a: {  	_ =	shalt  }
0x4b: {  	_ =	shalt  }
0x4c: {  	_ =	shalt  }
0x4d: {  	_ =	shalt  }
0x4e: {  	_ =	shalt  }
0x4f: {  	_ =	shalt  }
0x50: {  	_ =	shalt  }
0x51: {  	_ =	shalt  }
0x52: {  	_ =	shalt  }
0x53: {  	_ =	shalt  }
0x54: {  	_ =	shalt  }
0x55: {  	_ =	shalt  }
0x56: {  	_ =	shalt  }
0x57: {  	_ =	shalt  }
0x58: {  	_ =	shalt  }
0x59: {  	_ =	shalt  }
0x5a: {  	_ =	shalt  }
0x5b: {  	_ =	shalt  }
0x5c: {  	_ =	shalt  }
0x5d: {  	_ =	shalt  }
0x5e: {  	_ =	shalt  }
0x5f: {  	_ =	shalt  }
0x60: {  	_ =	shalt  }
0x61: {  	_ =	shalt  }
0x62: {  	_ =	shalt  }
0x63: {  	_ =	shalt  }
0x64: {  	_ =	shalt  }
0x65: {  	_ =	shalt  }
0x66: {  	_ =	shalt  }
0x67: {  	_ =	shalt  }
0x68: {  	_ =	shalt  }
0x69: {  	_ =	shalt  }
0x6a: {  	_ =	shalt  }
0x6b: {  	_ =	shalt  }
0x6c: {  	_ =	shalt  }
0x6d: {  	_ =	shalt  }
0x6e: {  	_ =	shalt  }
0x6f: {  	_ =	shalt  }
0x70: {  	_ =	shalt  }
0x71: {  	_ =	shalt  }
0x72: {  	_ =	shalt  }
0x73: {  	_ =	shalt  }
0x74: {  	_ =	shalt  }
0x75: {  	_ =	shalt  }
0x76: {  	_ =	shalt  }
0x77: {  	_ =	shalt  }
0x78: {  	_ =	shalt  }
0x79: {  	_ =	shalt  }
0x7a: {  	_ =	shalt  }
0x7b: {  	_ =	shalt  }
0x7c: {  	_ =	shalt  }
0x7d: {  	_ =	shalt  }
0x7e: {  	_ =	shalt  }
0x7f: {  	_ =	shalt  }
0x80: {  	_ =	shalt  }
0x81: {  	_ =	shalt  }
0x82: {  	_ =	shalt  }
0x83: {  	_ =	shalt  }
0x84: {  	_ =	shalt  }
0x85: {  	_ =	shalt  }
0x86: {  	_ =	shalt  }
0x87: {  	_ =	shalt  }
.Lfunc_end0:
.L_simem_size_0:
called_computation_lowered:
.L_overlay_start_0:
0x88: {  	s2 =	sld [smem:$0x3FD9]  }
0x89: {  	s3 =	sld [smem:$0x3FFE];
	_ =	sdelay $0x1  }
0x8a: {  	s1 =	srdreg.scid  }
0x8b: {  	s0 =	sand.u32 $0x1, s1  }
0x8c: {  	s17 =	sshll.u32 s0, $0xA;
	s2 =	sadd.s32 s3, s2  }
0x8d: {  	s2 =	sadd.s32 s2, s17  }
0x8e: {  	[smem:$0x3FC0] =	sst s2  }
0x8f: {  	_ = 	snop  }
0x90: {  	s2 =	sld [smem:$0x3FC9];
	(tm) =	ssettm $0x1  }
0x91: {  	s18 =	sld [smem:$0x3FFB];
	_ =	sdelay $0x3  }
0x92: {  	_ =	strace s18  }
0x93: {  	s3 =	sld [smem:$0x3FFC];
	_ =	sdelay $0x3  }
0x94: {  	_ =	strace s3  }
0x95: {  	s3 =	sld [smem:$0x3FFD];
	_ =	sdelay $0x3  }
0x96: {  	_ =	strace s3  }
0x97: {  	_ =	strace $0x8FFFFFFF  }
0x98: {  	s19 =	sld [smem:$0x3FDB];
	_ =	sdelay $0x1  }
0x99: {  	s4 =	simm.s32 $_scs_section_size  }
0x9a: {  	s5 =	simm.s32 $_size__tile_overlayer_lowered;
	s6 =	simm.s32 $_tile_overlayer_lowered  }
0x9b: {  	s22 =	simm.s32 $0x1BFF;
	s21 =	sshll.u32 s6, $0x1;
	s3 =	sadd.s32 s4, s19  }
0x9c: {  	s7 =	simm.s32 $0x0;
	s20 =	sshll.u32 s5, $0x1;
	s5 =	sadd.s32 s21, s3  }
0x9d: {  	[timem:s7], [sflag:s22] =	dma.local [hbm:s5], s20  }
0x9e: {  	_ =	swait.ge [sflag:s22], s20  }
0x9f: {  	s4 =	ssub.s32 $0x0, s20;
	[sflag:s22] =	ssyncset.done $0x0  }
0xa0: {  	[sflag:s22] =	ssyncadd.s32 s4;
	_ =	sdelay $0x1  }
0xa1: {  	s23 =	simm.s32 $0x1B8B  }
0xa2: {  	_ =	swait.ge [sflag:s23], $0x1  }
0xa3: {  	[sflag:s23] =	ssyncset.done $0x0  }
0xa4: {  	s25 =	simm.s32 $0x1B8E;
	s24 =	sld [smem:$0x3FFE];
	[sflag:s23] =	ssyncadd.s32 $0xFFFFFFFF  }
0xa5: {  	s26 =	simm.s32 $execute0_lowered;
	[smem:$0x3FD2] =	sst s25  }
0xa6: {  	s5 =	sshll.u32 s26, $0x1;
	_ =	strace $0x80000046;
	[dreg:$0x1] =	wrdreg $0xFFFFFFFF  }
0xa7: {  	s28 =	simm.s32 $_size_execute0_lowered;
	s3 =	sadd.s32 s3, s5;
	[dreg:$0x0] =	wrdreg $0x0  }
0xa8: {  	s5 =	sshll.u32 s28, $0x1;
	[dreg:$0x2] =	wrdreg s3  }
0xa9: {  	[dreg:$0x3] =	wrdreg s5  }
0xaa: {  	[dreg:$0x4] =	wrdreg $0xC0  }
0xab: {  	_ =	task [dreg:s7], $0x5FFFF  }
0xac: {  	[dreg:$0x1] =	wrdreg $0xFFFFFFFF  }
0xad: {  	[dreg:$0x0] =	wrdreg $0x60  }
0xae: {  	[dreg:$0x2] =	wrdreg s2  }
0xaf: {  	[dreg:$0x3] =	wrdreg s24  }
0xb0: {  	[dreg:$0x4] =	wrdreg $0x0  }
0xb1: {  	[dreg:$0x5] =	wrdreg $0x9  }
0xb2: {  	_ =	task.clear_ibuf [dreg:s7], $0x6FFFF;
	_ =	strace $0x90000046  }
0xb3: {  	s29 =	simm.s32 $0x9;
	_ =	strace $0x80000048  }
0xb4: {  	_ =	swait.ge [sflag:s29], $0x1  }
0xb5: {  	[sflag:s29] =	ssyncadd.s32 $0xFFFFFFFF  }
0xb6: {  	_ =	strace $0x90000048  }
0xb7: {  	_ =	sfence  }
0xb8: {  	s30 =	sld [smem:$0x0];
	_ =	sdelay $0x2  }
0xb9: {  	s31 =	sshll.u32 s1, $0xD;
	s1 =	sshrl.u32 s1, $0x2  }
0xba: {  	s3 =	sand.u32 $0x4000, s31;
	s1 =	sadd.s32 s1, s30  }
0xbb: {  	s0 =	sor.u32 s3, s0;
	s1 =	sshll.u32 s1, $0x11  }
0xbc: {  	s0 =	sor.u32 s1, s0  }
0xbd: {  	s0 =	sadd.s32 $0x8F2B, s0  }
0xbe: {  	[sflag:s0] =	ssyncadd.remote.s32 $0x1  }
0xbf: {  	_ =	sfence.sel $0xFFFF  }
0xc0: {  	[dreg:$0x0] =	wrdreg $0xFFFFFFFF;
	(pc) =	sbr.abs _section_cstart, $3  }
0xc1: {  	[dreg:$0x1] =	wrdreg $0xFFFFFFFF  }
0xc2: {  	_ =	task.clear_ibuf [dreg:s7], $0x2FFFF;
	_ =	strace $0x9FFFFFFF  }
0xc3: {  	(tm) =	ssettm $0x7FFFFFFF  }
tec
execute0_lowered:
.L_overlay_start_1:
0x0: {  	(tag) =	ssettag $0x1  }
0x1: {  	s1 =	rddreg [dreg:$0x0]  }
0x2: {  	s0 =	rddreg [dreg:$0x1]  }
0x3: {  	s2 =	rddreg [dreg:$0x2]  }
0x4: {  	s3 =	simm.s32 $0x0;
	s5 =	srdreg.scid;
	s19 =	stileid.u32  }
0x5: {  	s28 =	simm.s32 $0x3;
	s30 =	simm.s32 $0x13C88;
	s31 =	simm.s32 $0x13D88  }
0x6: {  	s29 =	simm.s32 $0x13E08;
	[smem:$0x7FF] =	sst s3;
	s4 =	sadd.s32 $0xCA00, s0  }
0x7: {  	s8 =	sand.u32 $0x1, s5;
	s22 =	sshll.u32 s19, $0x1;
	s6 =	smul.u32 $0x4E000, s19  }
0x8: {  	s10 =	sadd.s32 $0x2C00, s0;
	s12 =	sadd.s32 $0x16800, s0;
	s17 =	smul.u32 $0x13800, s19  }
0x9: {  	s0 =	sadd.s32 $0x64A00, s0;
	s26 =	smul.u32 $0x4E20, s19;
	p0 =	sne.s32 s19, $0xF  }
0xa: {  	_ =	strace $0x80000047;
	s5 =	sor.u32 s8, s22;
	s16 =	smul.u32 $0x138800, s8  }
0xb: {  	s7 =	ssub.s32 $0x2, s8;
	s8 =	smul.u32 $0x2710, s8;
	s6 =	sshrl.u32 s6, $0x2  }
0xc: {  	s9 =	smul.u32 $0x2710, s5;
	s11 =	sshrl.u32 s7, $0x1;
	s5 =	sadd.s32 s6, s2  }
0xd: {  	s14 =	ssub.s32 s7, s11;
	s7 =	sadd.s32 $0x138000, s2;
	s17 =	sadd.s32 s17, s16  }
0xe: {  	s16 =	sshrl.u32 s16, $0x3;
	s8 =	sadd.s32 s8, s26;
	s6 =	sadd.s32 $0xA000, s5  }
0xf: {  	s15 =	sshrl.u32 s9, $0x3;
	s17 =	sshrl.u32 s17, $0x3;
	s22 =	smax.u32 s14, $0x1  }
0x10: {  	s16 =	sadd.s32 $0x27000, s16;
	s9 =	sadd.s32 s4, s15;
	[dreg:$0xc] =	wrdreg s22  }
0x11: {  	s14 =	simm.s32 $0x0;
	s20 =	sadd.s32 s12, s17;
	[dreg:$0x4] =	wrdreg s9  }
0x12: {  	s23 =	sadd.s32 $0xA, s15;
	s12 =	sadd.s32 s12, s16;
	[dreg:$0x8] =	wrdreg s20  }
0x13: {  	s24 =	sadd.s32 $0x14, s15;
	s21 =	sadd.s32 s0, s17;
	[dreg:$0x9] =	wrdreg s12  }
0x14: {  	s0 =	sadd.s32 s0, s16;
	s9 =	sadd.s32 s10, s15;
	[dreg:$0xa] =	wrdreg s21  }
0x15: {  	s13 =	sadd.s32 s4, s23;
	s11 =	sadd.s32 s10, s23;
	[dreg:$0xb] =	wrdreg s0  }
0x16: {  	s18 =	sadd.s32 s4, s24;
	s15 =	sadd.s32 $0x1E, s15;
	[dreg:$0x5] =	wrdreg s13  }
0x17: {  	s23 =	sadd.s32 $0x140, s8;
	s8 =	sadd.s32 $0x1E0, s8;
	[dreg:$0x6] =	wrdreg s18  }
0x18: {  	s13 =	sadd.s32 s10, s24;
	s25 =	sadd.s32 s4, s15;
	s15 =	sadd.s32 s10, s15  }
0x19: {  	s24 =	sadd.s32 $0x28, s9;
	s0 =	sshrl.u32 s23, $0x3;
	[dreg:$0x7] =	wrdreg s25  }
0x1a: {  	s26 =	sadd.s32 $0x32, s9;
	[dreg:$0xd] =	wrdreg s24;
	s4 =	sadd.s32 s0, s4  }
0x1b: {  	s0 =	sadd.s32 s0, s10;
	s25 =	sshrl.u32 s8, $0x3;
	[dreg:$0x10] =	wrdreg s26  }
0x1c: {  	s26 =	simm.s32 $0x14088;
	s8 =	simm.s32 $0x50;
	[dreg:$0xe] =	wrdreg s4  }
0x1d: {  	[dreg:$0xf] =	wrdreg s0;
	s22 =	sadd.s32 s25, s10;
	s0 =	simm.s32 $0x13D08  }
0x1e: {  	v0 =	vimm.f32 $0.0e+00;
	v1 =	vimm.f32 $1.000000000e+00;
	s4 =	simm.s32 $0x2;
	s10 =	simm.s32 $0x1;
	s25 =	simm.s32 $0x13E88  }
.LBB2_1:
0x1f: {  	s16 =	sand.u32 $0x3FE00, s3  }
0x20: {  	s17 =	sand.u32 $0x70, s3;
	s18 =	sshrl.u32 s16, $0x2  }
0x21: {  	s16 =	simm.s32 $0x40;
	s18 =	sor.u32 s17, s18;
	s17 =	simm.s32 $0x0  }
.LBB2_2:
0x22: {  	p1 =	sne.s32 s16, $0x27FC0  }
0x23: {  	[tilespmem:s18+$0x14088] =	vst v0;
	s17 =	sadd.s32 $0x10, s17;
	s18 =	smov.u32 s16;
	s16 =	sadd.s32 $0x40, s16  }
.Ltmp0:
0x24: {  	(pc) =	sbr.rel @p1 .LBB2_2-.Ltmp0, $4  }
0x25: {  	_ = 	snop  }
0x26: {  	s18 =	sand.u32 $0x3FE00, s18  }
0x27: {  	s19 =	sand.u32 $0x70, s17;
	s18 =	sshrl.u32 s18, $0x2  }
0x28: {  	s18 =	sor.u32 s19, s18  }
0x29: {  	[tilespmem:s18+$0x14088] =	vst v0  }
0x2a: {  	[spmem:s5] =	stream.linear.scatter [tilespmem:s26], [sflag:$0x3], $0xA000, $0x38;
	[tilespmem:$0x1E088] =	vst v63  }
0x2b: {  	_ =	swait.ge [sflag:s28], $0xA000  }
0x2c: {  	[sflag:s28] =	ssyncset.done $0x0  }
0x2d: {  	[sflag:s28] =	ssyncadd.s32 $0xFFFF6000  }
0x2e: {  	[spmem:s6] =	stream.linear.scatter [tilespmem:s26], [sflag:$0x3], $0x9800, $0x38;
	[tilespmem:$0x1E088] =	vst v63  }
0x2f: {  	_ =	swait.ge [sflag:s28], $0x9800  }
0x30: {  	[sflag:s28] =	ssyncset.done $0x0  }
0x31: {  	s16 =	simm.s32 @!p0 $0x14088;
	[sflag:s28] =	ssyncadd.s32 $0xFFFF6800  }
0x32: {  	[spmem:s7] =	stream.linear.scatter @!p0 [tilespmem:s16], [sflag:$0x3], $0x880, $0x38;
	[tilespmem:$0x1E088] =	vst v63  }
0x33: {  	s16 =	simm.s32 @!p0 $0x3  }
0x34: {  	_ =	swait.ge @!p0 [sflag:s16], $0x880  }
0x35: {  	[sflag:s16] =	ssyncset.done @!p0 $0x0  }
0x36: {  	[sflag:s16] =	ssyncadd.s32 @!p0 $0xFFFFF780  }
0x37: {  	[bflag:$0x0] =	sbarrier.arrive $0xFFFF  }
0x38: {  	s17 =	simm.s32 $0x13888;
	s12 =	rddreg [dreg:$0x4]  }
0x39: {  	[tilespmem:s17], [sflag:$0x2] =	stream.linear.gather [hbm4b:s12+s3], $0x50, $0x38;
	[tilespmem:$0x1E088] =	vst v63  }
0x3a: {  	_ = 	snop  }
0x3b: {  	[tilespmem:s30], [sflag:$0x2] =	stream.linear.gather [hbm4b:s9+s3], $0x50, $0x38;
	[tilespmem:$0x1E088] =	vst v63  }
0x3c: {  	s19 =	simm.s32 $0x13908;
	s18 =	rddreg [dreg:$0x5]  }
0x3d: {  	[tilespmem:s19], [sflag:$0x2] =	stream.linear.gather [hbm4b:s18+s3], $0x50, $0x38;
	[tilespmem:$0x1E088] =	vst v63  }
0x3e: {  	_ = 	snop  }
0x3f: {  	[tilespmem:s0], [sflag:$0x2] =	stream.linear.gather [hbm4b:s11+s3], $0x50, $0x38;
	[tilespmem:$0x1E088] =	vst v63  }
0x40: {  	s21 =	simm.s32 $0x13988;
	s20 =	rddreg [dreg:$0x6]  }
0x41: {  	[tilespmem:s21], [sflag:$0x2] =	stream.linear.gather [hbm4b:s20+s3], $0x50, $0x38;
	[tilespmem:$0x1E088] =	vst v63  }
0x42: {  	s23 =	rddreg [dreg:$0x7]  }
0x43: {  	[tilespmem:s31], [sflag:$0x2] =	stream.linear.gather [hbm4b:s13+s3], $0x50, $0x38;
	[tilespmem:$0x1E088] =	vst v63  }
0x44: {  	s24 =	simm.s32 $0x13A08;
	s18 =	rddreg [dreg:$0xe]  }
0x45: {  	[tilespmem:s24], [sflag:$0x2] =	stream.linear.gather [hbm4b:s23+s3], $0x50, $0x38;
	[tilespmem:$0x1E088] =	vst v63  }
0x46: {  	s16 =	simm.s32 $0xFFFFFE80;
	s17 =	simm.s32 $0xFFFFFFFD;
	s23 =	rddreg [dreg:$0xf]  }
0x47: {  	[tilespmem:s29], [sflag:$0x2] =	stream.linear.gather [hbm4b:s15+s3], $0x50, $0x38;
	[tilespmem:$0x1E088] =	vst v63  }
.LBB2_4:
0x48: {  	s19 =	sadd.s32 $0x3, s17;
	_ =	swait.ge [sflag:s4], $0x50  }
0x49: {  	[sflag:s4] =	ssyncset.done $0x0;
	s20 =	sand.u32 $0x3, s19  }
0x4a: {  	s21 =	sadd.s32 $0x180, s16;
	[sflag:s4] =	ssyncadd.s32 $0xFFFFFFB0;
	s20 =	smul.u32 $0xA000, s20  }
0x4b: {  	s21 =	sand.u32 $0x380, s21;
	_ =	swait.ge [sflag:s4], $0x50  }
0x4c: {  	p1 =	slt.u32 s19, $0x3;
	[sflag:s4] =	ssyncset.done $0x0;
	s20 =	sshrl.u32 s20, $0x2  }
0x4d: {  	s21 =	sadd.s32 $0x13888, s21;
	[sflag:s4] =	ssyncadd.s32 $0xFFFFFFB0;
	s20 =	sadd.s32 $0x14088, s20  }
0x4e: {  	[tilespmem:s20], [sflag:$0x1] =	stream.indirect.gather [hbm4b:s1+s8], $0x80, s21, s8, $0xb8;
	[tilespmem:$0x1E088] =	vst v63  }
0x4f: {  	s20 =	sand.u32 @!p1 $0x3, s17;
	s21 =	simm.s32 @!p1 $0x1  }
0x50: {  	s20 =	smul.u32 @!p1 $0xA000, s20;
	_ =	swait.ge @!p1 [sflag:s21], $0x2800  }
0x51: {  	[sflag:s21] =	ssyncset.done @!p1 $0x0  }
0x52: {  	s24 =	sand.u32 @!p1 $0x380, s16;
	s20 =	sshrl.u32 @!p1 s20, $0x2;
	[sflag:s21] =	ssyncadd.s32 @!p1 $0xFFFFD800  }
0x53: {  	s21 =	sadd.s32 @!p1 $0x13C88, s24;
	s24 =	simm.s32 @!p1 $0x50;
	s20 =	sadd.s32 @!p1 $0x14088, s20  }
0x54: {  	[spmem:s2] =	stream.indirect.scatter.add.f32 @!p1 [tilespmem:s20], [sflag:$0x3], $0x80, s21, s24, $0xb8;
	[tilespmem:$0x1E088] =	vst v63  }
0x55: {  	p2 =	sgt.u32 @!p1 s19, $0x78;
	s20 =	simm.s32 @!p1 $0x3  }
0x56: {  	p2 =	por p1, !p2;
	_ =	swait.ge @!p1 [sflag:s20], $0x2800  }
0x57: {  	s19 =	sadd.s32 @p2 $0x380, s16;
	s16 =	sadd.s32 $0x80, s16;
	[sflag:s20] =	ssyncset.done @!p1 $0x0  }
0x58: {  	s19 =	sand.u32 @p2 $0x380, s19;
	[sflag:s20] =	ssyncadd.s32 @!p1 $0xFFFFD800;
	p1 =	sne.s32 s16, $0x3D00  }
.Ltmp1:
0x59: {  	s20 =	sadd.s32 @p2 $0x13888, s19;
	(pc) =	sbr.rel @p1 .LBB2_4-.Ltmp1, $4  }
0x5a: {  	[tilespmem:s20], [sflag:$0x2] =	stream.linear.gather @p2 [hbm4b:s18+s3], $0x50, $0x38;
	[tilespmem:$0x1E088] =	vst v63  }
0x5b: {  	s19 =	sadd.s32 @p2 $0x13C88, s19  }
0x5c: {  	[tilespmem:s19], [sflag:$0x2] =	stream.linear.gather @p2 [hbm4b:s23+s3], $0x50, $0x38;
	[tilespmem:$0x1E088] =	vst v63  }
0x5d: {  	s17 =	sadd.s32 $0x1, s17;
	s18 =	sadd.s32 $0xA, s18;
	s23 =	sadd.s32 $0xA, s23  }
0x5e: {  	_ =	swait.ge [sflag:s10], $0x2800  }
0x5f: {  	[sflag:s10] =	ssyncset.done $0x0  }
0x60: {  	s12 =	simm.s32 $0x19088;
	[sflag:s10] =	ssyncadd.s32 $0xFFFFD800  }
0x61: {  	[spmem:s2] =	stream.indirect.scatter.add.f32 [tilespmem:s12], [sflag:$0x3], $0x80, s31, s8, $0xb8;
	[tilespmem:$0x1E088] =	vst v63  }
0x62: {  	_ =	swait.ge [sflag:s28], $0x2800  }
0x63: {  	[sflag:s28] =	ssyncset.done $0x0  }
0x64: {  	[sflag:s28] =	ssyncadd.s32 $0xFFFFD800  }
0x65: {  	_ =	swait.ge [sflag:s10], $0x2800  }
0x66: {  	[sflag:s10] =	ssyncset.done $0x0  }
0x67: {  	s20 =	simm.s32 $0x1B888;
	[sflag:s10] =	ssyncadd.s32 $0xFFFFD800  }
0x68: {  	[spmem:s2] =	stream.indirect.scatter.add.f32 [tilespmem:s20], [sflag:$0x3], $0x80, s29, s8, $0xb8;
	[tilespmem:$0x1E088] =	vst v63  }
0x69: {  	_ =	swait.ge [sflag:s28], $0x2800  }
0x6a: {  	[sflag:s28] =	ssyncset.done $0x0  }
0x6b: {  	[sflag:s28] =	ssyncadd.s32 $0xFFFFD800  }
0x6c: {  	_ =	swait.ge [sflag:s10], $0x2800  }
0x6d: {  	[sflag:s10] =	ssyncset.done $0x0  }
0x6e: {  	[sflag:s10] =	ssyncadd.s32 $0xFFFFD800  }
0x6f: {  	[spmem:s2] =	stream.indirect.scatter.add.f32 [tilespmem:s26], [sflag:$0x3], $0x80, s25, s8, $0xb8;
	[tilespmem:$0x1E088] =	vst v63  }
0x70: {  	_ =	swait.ge [sflag:s28], $0x2800  }
0x71: {  	[sflag:s28] =	ssyncset.done $0x0  }
0x72: {  	s21 =	stileid.u32;
	[sflag:s28] =	ssyncadd.s32 $0xFFFFD800  }
0x73: {  	s16 =	sshll.u32 s21, $0x6;
	[bflag:$0x0] =	sbarrier.arrive $0xFFFF  }
0x74: {  	s17 =	sshrl.u32 s5, $0x3;
	s16 =	sor.u32 $0x1C03, s16;
	s23 =	rddreg [dreg:$0x8]  }
0x75: {  	[hbm:s23], [sflag:s16] =	dma.local [spmem:s17], $0x2700  }
0x76: {  	_ =	swait.ge [sflag:s28], $0x2700  }
0x77: {  	s18 =	sshrl.u32 @!p0 s7, $0x3;
	[sflag:s28] =	ssyncset.done $0x0  }
0x78: {  	s19 =	simm.s32 @!p0 $0x3;
	s12 =	rddreg [dreg:$0x9];
	[sflag:s28] =	ssyncadd.s32 $0xFFFFD900  }
0x79: {  	[hbm:s12], [sflag:s16] =	dma.local @!p0 [spmem:s18], $0x100  }
0x7a: {  	s20 =	simm.s32 $0x0;
	_ =	swait.ge @!p0 [sflag:s19], $0x100  }
0x7b: {  	s21 =	sand.u32 $0x3FE00, s20;
	[sflag:s19] =	ssyncset.done @!p0 $0x0  }
0x7c: {  	s24 =	sand.u32 $0x70, s20;
	s23 =	sshrl.u32 s21, $0x2;
	[sflag:s19] =	ssyncadd.s32 @!p0 $0xFFFFFF00  }
0x7d: {  	s21 =	simm.s32 $0x40;
	s23 =	sor.u32 s24, s23;
	[bflag:$0x0] =	sbarrier.arrive $0xFFFF  }
.LBB2_6:
0x7e: {  	p1 =	sne.s32 s21, $0x27FC0  }
0x7f: {  	[tilespmem:s23+$0x14088] =	vst v0;
	s20 =	sadd.s32 $0x10, s20;
	s19 =	smov.u32 s21;
	s21 =	sadd.s32 $0x40, s21  }
.Ltmp2:
0x80: {  	(pc) =	sbr.rel @p1 .LBB2_6-.Ltmp2, $4  }
0x81: {  	_ = 	snop  }
0x82: {  	s19 =	sand.u32 $0x3FE00, s19  }
0x83: {  	s23 =	sand.u32 $0x70, s20;
	s19 =	sshrl.u32 s19, $0x2  }
0x84: {  	s23 =	sor.u32 s23, s19  }
0x85: {  	[tilespmem:s23+$0x14088] =	vst v0  }
0x86: {  	[spmem:s5] =	stream.linear.scatter [tilespmem:s26], [sflag:$0x3], $0xA000, $0x38;
	[tilespmem:$0x1E088] =	vst v63  }
0x87: {  	_ =	swait.ge [sflag:s28], $0xA000  }
0x88: {  	[sflag:s28] =	ssyncset.done $0x0  }
0x89: {  	[sflag:s28] =	ssyncadd.s32 $0xFFFF6000  }
0x8a: {  	[spmem:s6] =	stream.linear.scatter [tilespmem:s26], [sflag:$0x3], $0x9800, $0x38;
	[tilespmem:$0x1E088] =	vst v63  }
0x8b: {  	_ =	swait.ge [sflag:s28], $0x9800  }
0x8c: {  	[sflag:s28] =	ssyncset.done $0x0  }
0x8d: {  	s19 =	simm.s32 @!p0 $0x14088;
	[sflag:s28] =	ssyncadd.s32 $0xFFFF6800  }
0x8e: {  	[spmem:s7] =	stream.linear.scatter @!p0 [tilespmem:s19], [sflag:$0x3], $0x880, $0x38;
	[tilespmem:$0x1E088] =	vst v63  }
0x8f: {  	s19 =	simm.s32 @!p0 $0x3  }
0x90: {  	s20 =	simm.s32 $0x0;
	_ =	swait.ge @!p0 [sflag:s19], $0x880  }
0x91: {  	s21 =	sand.u32 $0xFE00, s20;
	[sflag:s19] =	ssyncset.done @!p0 $0x0  }
0x92: {  	s23 =	sand.u32 $0x70, s20;
	s24 =	sshrl.u32 s21, $0x2;
	[sflag:s19] =	ssyncadd.s32 @!p0 $0xFFFFF780  }
0x93: {  	s21 =	simm.s32 $0x40;
	s23 =	sor.u32 s23, s24;
	[bflag:$0x0] =	sbarrier.arrive $0xFFFF  }
.LBB2_8:
0x94: {  	p1 =	sne.s32 s21, $0x9FC0  }
0x95: {  	[tilespmem:s23+$0x14088] =	vst v1;
	s20 =	sadd.s32 $0x10, s20;
	s19 =	smov.u32 s21;
	s21 =	sadd.s32 $0x40, s21  }
.Ltmp3:
0x96: {  	(pc) =	sbr.rel @p1 .LBB2_8-.Ltmp3, $4  }
0x97: {  	_ = 	snop  }
0x98: {  	s19 =	sand.u32 $0xFE00, s19  }
0x99: {  	s23 =	sand.u32 $0x70, s20;
	s19 =	sshrl.u32 s19, $0x2  }
0x9a: {  	s23 =	sor.u32 s23, s19  }
0x9b: {  	[tilespmem:s23+$0x14088] =	vst v1  }
0x9c: {  	[tilespmem:s30], [sflag:$0x2] =	stream.linear.gather [hbm4b:s9+s3], $0x50, $0x38;
	[tilespmem:$0x1E088] =	vst v63  }
0x9d: {  	_ = 	snop  }
0x9e: {  	[tilespmem:s0], [sflag:$0x2] =	stream.linear.gather [hbm4b:s11+s3], $0x50, $0x38;
	[tilespmem:$0x1E088] =	vst v63  }
0x9f: {  	_ = 	snop  }
0xa0: {  	[tilespmem:s31], [sflag:$0x2] =	stream.linear.gather [hbm4b:s13+s3], $0x50, $0x38;
	[tilespmem:$0x1E088] =	vst v63  }
0xa1: {  	s19 =	simm.s32 $0x2  }
0xa2: {  	[tilespmem:s29], [sflag:$0x2] =	stream.linear.gather [hbm4b:s15+s3], $0x50, $0x38;
	[tilespmem:$0x1E088] =	vst v63  }
0xa3: {  	_ =	swait.ge [sflag:s19], $0x50  }
0xa4: {  	[sflag:s19] =	ssyncset.done $0x0  }
0xa5: {  	[sflag:s19] =	ssyncadd.s32 $0xFFFFFFB0  }
0xa6: {  	[spmem:s2] =	stream.indirect.scatter.add.f32 [tilespmem:s26], [sflag:$0x1], $0x80, s30, s8, $0xb8;
	[tilespmem:$0x1E088] =	vst v63  }
0xa7: {  	s12 =	rddreg [dreg:$0xd]  }
0xa8: {  	[tilespmem:s25], [sflag:$0x2] =	stream.linear.gather [hbm4b:s12+s3], $0x50, $0x38;
	[tilespmem:$0x1E088] =	vst v63  }
0xa9: {  	_ =	swait.ge [sflag:s19], $0x50  }
0xaa: {  	[sflag:s19] =	ssyncset.done $0x0  }
0xab: {  	[sflag:s19] =	ssyncadd.s32 $0xFFFFFFB0  }
0xac: {  	[spmem:s2] =	stream.indirect.scatter.add.f32 [tilespmem:s26], [sflag:$0x1], $0x80, s0, s8, $0xb8;
	[tilespmem:$0x1E088] =	vst v63  }
0xad: {  	s24 =	simm.s32 $0x13F08;
	s23 =	rddreg [dreg:$0x10]  }
0xae: {  	[tilespmem:s24], [sflag:$0x2] =	stream.linear.gather [hbm4b:s23+s3], $0x50, $0x38;
	[tilespmem:$0x1E088] =	vst v63  }
0xaf: {  	s21 =	simm.s32 $0x300;
	s25 =	simm.s32 $0x100;
	_ =	swait.ge [sflag:s4], $0x50  }
0xb0: {  	p1 =	por $0x0, $0x0;
	s19 =	sand.u32 $0x380, s25;
	[sflag:s4] =	ssyncset.done $0x0  }
0xb1: {  	s20 =	simm.s32 $0x380;
	s19 =	sadd.s32 $0x13C88, s19;
	[sflag:s4] =	ssyncadd.s32 $0xFFFFFFB0  }
0xb2: {  	[spmem:s2] =	stream.indirect.scatter.add.f32 [tilespmem:s26], [sflag:$0x1], $0x80, s19, s8, $0xb8;
	[tilespmem:$0x1E088] =	vst v63  }
0xb3: {  	s23 =	simm.s32 $0x3;
	s24 =	smov.u32 s22;
	_ =	swait.ge [sflag:s10], $0x2800  }
0xb4: {  	s19 =	sand.u32 @!p1 $0x380, s21;
	s21 =	sadd.s32 $0xA, s22;
	[sflag:s10] =	ssyncset.done $0x0  }
0xb5: {  	s25 =	sadd.s32 @!p1 $0x13C88, s19;
	s19 =	simm.s32 @!p1 $0x0;
	[sflag:s10] =	ssyncadd.s32 $0xFFFFD800  }
.LBB2_10:
0xb6: {  	[tilespmem:s25], [sflag:$0x2] =	stream.linear.gather @!p1 [hbm4b:s24+s19], $0x50, $0x38;
	[tilespmem:$0x1E088] =	vst v63  }
0xb7: {  	s19 =	smov.u32 s23;
	s25 =	smov.u32 s20;
	s24 =	smov.u32 s21  }
0xb8: {  	s12 =	sadd.s32 $0xFFFFFE00, s20;
	s23 =	sadd.s32 $0x1, s23;
	_ =	swait.ge [sflag:s4], $0x50  }
0xb9: {  	s12 =	sand.u32 $0x380, s12;
	p2 =	sne.s32 s23, $0x7D;
	[sflag:s4] =	ssyncset.done $0x0  }
.Ltmp4:
0xba: {  	s12 =	sadd.s32 $0x13C88, s12;
	[sflag:s4] =	ssyncadd.s32 $0xFFFFFFB0;
	(pc) =	sbr.rel @p2 .LBB2_10-.Ltmp4, $4  }
0xbb: {  	[spmem:s2] =	stream.indirect.scatter.add.f32 [tilespmem:s26], [sflag:$0x1], $0x80, s12, s8, $0xb8;
	[tilespmem:$0x1E088] =	vst v63  }
0xbc: {  	s20 =	sadd.s32 $0x80, s20;
	p1 =	sgt.u32 s19, $0x78;
	_ =	swait.ge [sflag:s10], $0x2800  }
0xbd: {  	s21 =	sadd.s32 $0xA, s21;
	s12 =	sand.u32 @!p1 $0x380, s25;
	[sflag:s10] =	ssyncset.done $0x0  }
0xbe: {  	s19 =	simm.s32 @!p1 $0x0;
	s25 =	sadd.s32 @!p1 $0x13C88, s12;
	[sflag:s10] =	ssyncadd.s32 $0xFFFFD800  }
0xbf: {  	[tilespmem:s25], [sflag:$0x2] =	stream.linear.gather @!p1 [hbm4b:s24+s19], $0x50, $0x38;
	[tilespmem:$0x1E088] =	vst v63  }
0xc0: {  	_ =	swait.ge [sflag:s10], $0x2800  }
0xc1: {  	[sflag:s10] =	ssyncset.done $0x0  }
0xc2: {  	[sflag:s10] =	ssyncadd.s32 $0xFFFFD800  }
0xc3: {  	_ =	swait.ge [sflag:s10], $0x2800  }
0xc4: {  	[sflag:s10] =	ssyncset.done $0x0  }
0xc5: {  	[sflag:s10] =	ssyncadd.s32 $0xFFFFD800  }
0xc6: {  	[bflag:$0x0] =	sbarrier.arrive $0xFFFF  }
0xc7: {  	s12 =	rddreg [dreg:$0xa]  }
0xc8: {  	[hbm:s12], [sflag:s16] =	dma.local [spmem:s17], $0x2700  }
0xc9: {  	_ =	swait.ge [sflag:s28], $0x2700  }
0xca: {  	[sflag:s28] =	ssyncset.done $0x0  }
0xcb: {  	s12 =	rddreg [dreg:$0xb];
	[sflag:s28] =	ssyncadd.s32 $0xFFFFD900  }
0xcc: {  	[hbm:s12], [sflag:s16] =	dma.local @!p0 [spmem:s18], $0x100  }
0xcd: {  	s12 =	simm.s32 @!p0 $0x3  }
0xce: {  	_ =	swait.ge @!p0 [sflag:s12], $0x100  }
0xcf: {  	s14 =	sadd.s32 $0x1, s14;
	s25 =	rddreg [dreg:$0xc]  }
0xd0: {  	p1 =	sne.s32 s14, s25  }
.Ltmp5:
0xd1: {  	_ = 	snop;
	(pc) =	sbr.rel @p1 .LBB2_1-.Ltmp5, $3  }
0xd2: {  	_ =	sdelay $0x1  }
0xd3: {  	[sflag:s12] =	ssyncset.done @!p0 $0x0  }
0xd4: {  	[sflag:s12] =	ssyncadd.s32 @!p0 $0xFFFFFF00;
	s25 =	simm.s32 $0x13E88  }
0xd5: {  	_ =	sfence.sel $0x180000  }
0xd6: {  	[bflag:$0x0] =	sbarrier.arrive $0xFFFF  }
0xd7: {  	_ =	strace $0x90000047  }
0xd8: {  	s0 =	stileid.u32;
	[bflag:$0x2] =	sbarrier.arrive $0xFFFF  }
0xd9: {  	p0 =	sne.s32 s0, $0x0;
	s0 =	rddreg [dreg:$0x3]  }
0xda: {  	s0 =	sadd.s32 @!p0 $0x100000, s0  }
0xdb: {  	[sflag:s0] =	ssyncadd.tile.s32 @!p0 $0x1;
	_ =	shalt  }
.Lfunc_end2:
_tile_overlayer_lowered:
.L_overlay_start_2:
0xdc: {  	(tag) =	ssettag $0x2  }
0xdd: {  	s0 =	rddreg [dreg:$0x0];
	s2 =	stileid.u32  }
0xde: {  	s1 =	rddreg [dreg:$0x1];
	p0 =	sne.s32 s2, $0x0  }
0xdf: {  	s3 =	rddreg [dreg:$0x2];
	[bflag:$0x3] =	sbarrier.arrive $0xFFFF;
	s2 =	simm.s32 @!p0 $0x1C03  }
0xe0: {  	[timem:s3], [sflag:s2] =	dma.local @!p0 [hbm:s0], s1  }
0xe1: {  	s0 =	simm.s32 @!p0 $0x3  }
0xe2: {  	_ =	swait.ge @!p0 [sflag:s0], s1  }
0xe3: {  	s1 =	ssub.s32 @!p0 $0x0, s1;
	[sflag:s0] =	ssyncset.done @!p0 $0x0  }
0xe4: {  	[sflag:s0] =	ssyncadd.s32 @!p0 s1  }
0xe5: {  	[bflag:$0x3] =	sbarrier.arrive $0xFFFF  }
0xe6: {  	_ =	shalt  }

// kernel: kernel.9.cloned.1.call-start
scs
__scs_entry_jumppad:
0x0: {  	(pc) =	sbr.rel $0x88, $3  }
0x1: {  	(tag) =	ssettag $0x0;
	lr =	simm.s32 $0x1  }
0x2: {  	[smem:$0x3F99] =	sst lr;
	_ =	strace $0xD0000000  }
0x3: {  	_ = 	snop  }
0x4: {  	_ = 	snop  }
0x5: {  	_ = 	snop  }
0x6: {  	_ = 	snop  }
0x7: {  	_ = 	snop  }
__scs_overlays_trampoline_lowered:
0x8: {  	[smem:$0x3FA8] =	sst s0  }
0x9: {  	[smem:$0x3FA9] =	sst s1  }
0xa: {  	[smem:$0x3FAA] =	sst s2  }
0xb: {  	[smem:$0x3FAB] =	sst s3  }
0xc: {  	[smem:$0x3FAC] =	sst s4  }
0xd: {  	[smem:$0x3FAD] =	sst s5  }
0xe: {  	[smem:$0x3FAE] =	sst s6  }
0xf: {  	[smem:$0x3FAF] =	sst s7  }
0x10: {  	[smem:$0x3FB0] =	sst s8  }
0x11: {  	[smem:$0x3FB1] =	sst s9;
	s0 =	simm.s32 @!p0 $0x0  }
0x12: {  	s1 =	sld [smem:$0x3F97];
	s0 =	simm.s32 @p0 $0x1  }
0x13: {  	[smem:$0x3FB2] =	sst s0;
	s0 =	simm.s32 @!p1 $0x0  }
0x14: {  	s2 =	sld [smem:$0x3F96];
	s0 =	simm.s32 @p1 $0x1  }
0x15: {  	[smem:$0x3FB3] =	sst s0;
	s0 =	simm.s32 @!p2 $0x0  }
0x16: {  	s3 =	sld [smem:$0x3FDB];
	s0 =	simm.s32 @p2 $0x1  }
0x17: {  	s4 =	simm.s32 $0x1BF5;
	[smem:$0x3FB5] =	sst s0  }
0x18: {  	s0 =	sld [smem:$0x3F98];
	_ =	swait.ge [sflag:s4], $0x0  }
0x19: {  	s7 =	sld [smem:$0x3F99]  }
0x1a: {  	s8 =	sadd.s32 $0xFFFFE003, lr  }
0x1b: {  	s9 =	sadd.s32 $0xFFFFFEF7, lr;
	s5 =	simm.s32 $0xFFFFFFFF;
	p2 =	slt.u32 s8, $0xFFFFF086  }
0x1c: {  	p1 =	slt.u32 s9, $0xF7A;
	s5 =	simm.s32 @!p2 $0x0  }
0x1d: {  	s5 =	simm.s32 @p1 $0x1;
	p0 =	seq.s32 s7, s2  }
0x1e: {  	s7 =	smul.u32 @!p0 $0xF7A, s2;
	p2 =	seq.s32 @!p0 s5, $0x0  }
0x1f: {  	s9 =	smul.u32 $0xF7A, s1;
	s8 =	simm.s32 @!p0 $0x1BF5;
	p2 =	por !p2, p0  }
0x20: {  	[sflag:s8] =	ssyncset.s32 @!p0 $0xFFFFF086;
	s6 =	sadd.s32 @!p0 s3, s7;
	s7 =	simm.s32 @!p0 $0x108  }
0x21: {  	s3 =	sadd.s32 s3, s9;
	s6 =	sadd.s32 @!p0 $0x88, s6;
	s7 =	simm.s32 @p2 $0x1082  }
0x22: {  	[simem:s7], [sflag:s8] =	dma.local @!p0 [hbm:s6], $0xF7A  }
0x23: {  	s9 =	sor.u32 $0xD0000000, s2;
	s6 =	simm.s32 $0x108;
	_ =	swait.ge @!p0 [sflag:s8], $0x0  }
0x24: {  	s3 =	sadd.s32 $0x88, s3;
	s6 =	simm.s32 @!p1 $0x1082;
	[sflag:s4] =	ssyncset.s32 $0xFFFFF086  }
0x25: {  	[simem:s6], [sflag:s4] =	dma.local [hbm:s3], $0xF7A  }
0x26: {  	[smem:$0x3F99] =	sst s1;
	(tag) =	ssettag s2;
	_ =	strace s9  }
0x27: {  	s1 =	sld [smem:$0x3FA9]  }
0x28: {  	s2 =	sld [smem:$0x3FAA]  }
0x29: {  	s4 =	sld [smem:$0x3FAC]  }
0x2a: {  	p0 =	seq.s32 s5, $0x0;
	s5 =	sld [smem:$0x3FAD]  }
0x2b: {  	s6 =	sld [smem:$0x3FAE]  }
0x2c: {  	s7 =	sld [smem:$0x3FAF]  }
0x2d: {  	s3 =	simm.s32 $0x108;
	s8 =	sld [smem:$0x3FB0]  }
0x2e: {  	s3 =	simm.s32 @!p0 $0x1082;
	s9 =	sld [smem:$0x3FB1]  }
0x2f: {  	lr =	sadd.s32 s0, s3;
	s0 =	sld [smem:$0x3FA8]  }
0x30: {  	s3 =	sld [smem:$0x3FAB]  }
0x31: {  	[smem:$0x3FB4] =	sst s10  }
0x32: {  	s10 =	sld [smem:$0x3FB2];
	_ =	sdelay $0x3  }
0x33: {  	p0 =	seq.s32 s10, $0x1;
	s10 =	sld [smem:$0x3FB4];
	_ =	sdelay $0x3  }
0x34: {  	[smem:$0x3FB4] =	sst s10  }
0x35: {  	s10 =	sld [smem:$0x3FB3];
	_ =	sdelay $0x3  }
0x36: {  	p1 =	seq.s32 s10, $0x1;
	s10 =	sld [smem:$0x3FB4];
	_ =	sdelay $0x3  }
0x37: {  	[smem:$0x3FB4] =	sst s10  }
0x38: {  	s10 =	sld [smem:$0x3FB5]  }
0x39: {  	_ = 	snop;
	(pc) =	sbr.ind lr, $3  }
0x3a: {  	_ = 	snop  }
0x3b: {  	_ = 	snop  }
0x3c: {  	p2 =	seq.s32 s10, $0x1;
	s10 =	sld [smem:$0x3FB4]  }
0x3d: {  	_ =	shalt  }
0x3e: {  	_ =	shalt  }
0x3f: {  	_ =	shalt  }
0x40: {  	_ =	shalt  }
0x41: {  	_ =	shalt  }
0x42: {  	_ =	shalt  }
0x43: {  	_ =	shalt  }
0x44: {  	_ =	shalt  }
0x45: {  	_ =	shalt  }
0x46: {  	_ =	shalt  }
0x47: {  	_ =	shalt  }
0x48: {  	_ =	shalt  }
0x49: {  	_ =	shalt  }
0x4a: {  	_ =	shalt  }
0x4b: {  	_ =	shalt  }
0x4c: {  	_ =	shalt  }
0x4d: {  	_ =	shalt  }
0x4e: {  	_ =	shalt  }
0x4f: {  	_ =	shalt  }
0x50: {  	_ =	shalt  }
0x51: {  	_ =	shalt  }
0x52: {  	_ =	shalt  }
0x53: {  	_ =	shalt  }
0x54: {  	_ =	shalt  }
0x55: {  	_ =	shalt  }
0x56: {  	_ =	shalt  }
0x57: {  	_ =	shalt  }
0x58: {  	_ =	shalt  }
0x59: {  	_ =	shalt  }
0x5a: {  	_ =	shalt  }
0x5b: {  	_ =	shalt  }
0x5c: {  	_ =	shalt  }
0x5d: {  	_ =	shalt  }
0x5e: {  	_ =	shalt  }
0x5f: {  	_ =	shalt  }
0x60: {  	_ =	shalt  }
0x61: {  	_ =	shalt  }
0x62: {  	_ =	shalt  }
0x63: {  	_ =	shalt  }
0x64: {  	_ =	shalt  }
0x65: {  	_ =	shalt  }
0x66: {  	_ =	shalt  }
0x67: {  	_ =	shalt  }
0x68: {  	_ =	shalt  }
0x69: {  	_ =	shalt  }
0x6a: {  	_ =	shalt  }
0x6b: {  	_ =	shalt  }
0x6c: {  	_ =	shalt  }
0x6d: {  	_ =	shalt  }
0x6e: {  	_ =	shalt  }
0x6f: {  	_ =	shalt  }
0x70: {  	_ =	shalt  }
0x71: {  	_ =	shalt  }
0x72: {  	_ =	shalt  }
0x73: {  	_ =	shalt  }
0x74: {  	_ =	shalt  }
0x75: {  	_ =	shalt  }
0x76: {  	_ =	shalt  }
0x77: {  	_ =	shalt  }
0x78: {  	_ =	shalt  }
0x79: {  	_ =	shalt  }
0x7a: {  	_ =	shalt  }
0x7b: {  	_ =	shalt  }
0x7c: {  	_ =	shalt  }
0x7d: {  	_ =	shalt  }
0x7e: {  	_ =	shalt  }
0x7f: {  	_ =	shalt  }
0x80: {  	_ =	shalt  }
0x81: {  	_ =	shalt  }
0x82: {  	_ =	shalt  }
0x83: {  	_ =	shalt  }
0x84: {  	_ =	shalt  }
0x85: {  	_ =	shalt  }
0x86: {  	_ =	shalt  }
0x87: {  	_ =	shalt  }
.Lfunc_end0:
.L_simem_size_0:
called_computation.1_lowered:
.L_overlay_start_0:
0x88: {  	s2 =	sld [smem:$0x3FD9]  }
0x89: {  	s3 =	sld [smem:$0x3FFE];
	_ =	sdelay $0x1  }
0x8a: {  	s1 =	srdreg.scid  }
0x8b: {  	s0 =	sand.u32 $0x1, s1  }
0x8c: {  	s17 =	sshll.u32 s0, $0xA;
	s2 =	sadd.s32 s3, s2  }
0x8d: {  	s2 =	sadd.s32 s2, s17  }
0x8e: {  	[smem:$0x3FC0] =	sst s2  }
0x8f: {  	_ = 	snop  }
0x90: {  	s2 =	sld [smem:$0x3FD0];
	(tm) =	ssettm $0x1  }
0x91: {  	s18 =	sld [smem:$0x3FFB];
	_ =	sdelay $0x3  }
0x92: {  	_ =	strace s18  }
0x93: {  	s3 =	sld [smem:$0x3FFC];
	_ =	sdelay $0x3  }
0x94: {  	_ =	strace s3  }
0x95: {  	s3 =	sld [smem:$0x3FFD];
	_ =	sdelay $0x3  }
0x96: {  	_ =	strace s3  }
0x97: {  	_ =	strace $0x8FFFFFFF  }
0x98: {  	s19 =	sld [smem:$0x3FDB];
	_ =	sdelay $0x1  }
0x99: {  	s4 =	simm.s32 $_scs_section_size  }
0x9a: {  	s5 =	simm.s32 $_size__tile_overlayer_lowered;
	s6 =	simm.s32 $_tile_overlayer_lowered  }
0x9b: {  	s22 =	simm.s32 $0x1BFF;
	s21 =	sshll.u32 s6, $0x1;
	s3 =	sadd.s32 s4, s19  }
0x9c: {  	s7 =	simm.s32 $0x0;
	s20 =	sshll.u32 s5, $0x1;
	s5 =	sadd.s32 s21, s3  }
0x9d: {  	[timem:s7], [sflag:s22] =	dma.local [hbm:s5], s20  }
0x9e: {  	_ =	swait.ge [sflag:s22], s20  }
0x9f: {  	s4 =	ssub.s32 $0x0, s20;
	[sflag:s22] =	ssyncset.done $0x0  }
0xa0: {  	[sflag:s22] =	ssyncadd.s32 s4;
	_ =	sdelay $0x1  }
0xa1: {  	s23 =	simm.s32 $0x1B8B  }
0xa2: {  	_ =	swait.ge [sflag:s23], $0x1  }
0xa3: {  	[sflag:s23] =	ssyncset.done $0x0  }
0xa4: {  	s25 =	simm.s32 $0x1B8E;
	s24 =	sld [smem:$0x3FFE];
	[sflag:s23] =	ssyncadd.s32 $0xFFFFFFFF  }
0xa5: {  	s26 =	simm.s32 $execute0_lowered;
	[smem:$0x3FD2] =	sst s25  }
0xa6: {  	s5 =	sshll.u32 s26, $0x1;
	_ =	strace $0x80000049;
	[dreg:$0x1] =	wrdreg $0xFFFFFFFF  }
0xa7: {  	s28 =	simm.s32 $_size_execute0_lowered;
	s3 =	sadd.s32 s3, s5;
	[dreg:$0x0] =	wrdreg $0x0  }
0xa8: {  	s5 =	sshll.u32 s28, $0x1;
	[dreg:$0x2] =	wrdreg s3  }
0xa9: {  	[dreg:$0x3] =	wrdreg s5  }
0xaa: {  	[dreg:$0x4] =	wrdreg $0xC0  }
0xab: {  	_ =	task [dreg:s7], $0x5FFFF  }
0xac: {  	[dreg:$0x1] =	wrdreg $0xFFFFFFFF  }
0xad: {  	[dreg:$0x0] =	wrdreg $0x60  }
0xae: {  	[dreg:$0x2] =	wrdreg s2  }
0xaf: {  	[dreg:$0x3] =	wrdreg s24  }
0xb0: {  	[dreg:$0x4] =	wrdreg $0x0  }
0xb1: {  	[dreg:$0x5] =	wrdreg $0x9  }
0xb2: {  	_ =	task.clear_ibuf [dreg:s7], $0x6FFFF;
	_ =	strace $0x90000049  }
0xb3: {  	s29 =	simm.s32 $0x9;
	_ =	strace $0x8000004B  }
0xb4: {  	_ =	swait.ge [sflag:s29], $0x1  }
0xb5: {  	[sflag:s29] =	ssyncadd.s32 $0xFFFFFFFF  }
0xb6: {  	_ =	strace $0x9000004B  }
0xb7: {  	_ =	sfence  }
0xb8: {  	s30 =	sld [smem:$0x0];
	_ =	sdelay $0x2  }
0xb9: {  	s31 =	sshll.u32 s1, $0xD;
	s1 =	sshrl.u32 s1, $0x2  }
0xba: {  	s3 =	sand.u32 $0x4000, s31;
	s1 =	sadd.s32 s1, s30  }
0xbb: {  	s0 =	sor.u32 s3, s0;
	s1 =	sshll.u32 s1, $0x11  }
0xbc: {  	s0 =	sor.u32 s1, s0  }
0xbd: {  	s0 =	sadd.s32 $0x8F2B, s0  }
0xbe: {  	[sflag:s0] =	ssyncadd.remote.s32 $0x1  }
0xbf: {  	_ =	sfence.sel $0xFFFF  }
0xc0: {  	[dreg:$0x0] =	wrdreg $0xFFFFFFFF;
	(pc) =	sbr.abs _section_cstart, $3  }
0xc1: {  	[dreg:$0x1] =	wrdreg $0xFFFFFFFF  }
0xc2: {  	_ =	task.clear_ibuf [dreg:s7], $0x2FFFF;
	_ =	strace $0x9FFFFFFF  }
0xc3: {  	(tm) =	ssettm $0x7FFFFFFF  }
tec
execute0_lowered:
.L_overlay_start_1:
0x0: {  	(tag) =	ssettag $0x1  }
0x1: {  	s1 =	rddreg [dreg:$0x0]  }
0x2: {  	s0 =	rddreg [dreg:$0x1]  }
0x3: {  	s2 =	rddreg [dreg:$0x2];
	s3 =	simm.s32 $0x0  }
0x4: {  	s5 =	srdreg.scid;
	s10 =	stileid.u32;
	s29 =	simm.s32 $0x13D88  }
0x5: {  	s31 =	simm.s32 $0x13E08;
	s28 =	simm.s32 $0x0;
	[smem:$0x7FF] =	sst s3  }
0x6: {  	s4 =	sadd.s32 $0xCA00, s0;
	s13 =	sand.u32 $0x1, s5;
	s6 =	smul.u32 $0x4E000, s10  }
0x7: {  	s22 =	sshll.u32 s10, $0x1;
	s19 =	sadd.s32 $0x2C00, s0;
	s17 =	smul.u32 $0x13800, s10  }
0x8: {  	s0 =	sadd.s32 $0xB2C00, s0;
	s20 =	smul.u32 $0x4E20, s10;
	p0 =	sne.s32 s10, $0xF  }
0x9: {  	_ =	strace $0x8000004A;
	s7 =	ssub.s32 $0x2, s13;
	s16 =	smul.u32 $0x138800, s13  }
0xa: {  	s5 =	sor.u32 s13, s22;
	s22 =	smul.u32 $0x2710, s13;
	s8 =	sshrl.u32 s7, $0x1  }
0xb: {  	s6 =	sshrl.u32 s6, $0x2;
	s9 =	smul.u32 $0x2710, s5;
	s18 =	ssub.s32 s7, s8  }
0xc: {  	s5 =	sadd.s32 s6, s2;
	s7 =	sadd.s32 $0x138000, s2;
	s17 =	sadd.s32 s17, s16  }
0xd: {  	s16 =	sshrl.u32 s16, $0x3;
	s20 =	sadd.s32 s22, s20;
	s22 =	simm.s32 $0x3  }
0xe: {  	s6 =	sadd.s32 $0xA000, s5;
	s14 =	sshrl.u32 s9, $0x3;
	s17 =	sshrl.u32 s17, $0x3  }
0xf: {  	s26 =	sadd.s32 s0, s16;
	s20 =	sadd.s32 $0x140, s20;
	s18 =	smax.u32 s18, $0x1  }
0x10: {  	[dreg:$0x4] =	wrdreg s6;
	s23 =	sadd.s32 s4, s14;
	s11 =	sadd.s32 $0xA, s14  }
0x11: {  	s24 =	sadd.s32 s19, s14;
	s15 =	sadd.s32 $0x14, s14;
	s21 =	sadd.s32 $0x1E, s14  }
0x12: {  	s16 =	sadd.s32 s0, s17;
	s17 =	sadd.s32 $0x27000, s26;
	[dreg:$0x5] =	wrdreg s23  }
0x13: {  	s30 =	sshrl.u32 s20, $0x3;
	s0 =	simm.s32 $0x2;
	[dreg:$0x6] =	wrdreg s24  }
0x14: {  	s25 =	sadd.s32 s4, s11;
	s11 =	sadd.s32 s19, s11;
	s12 =	sadd.s32 s4, s15  }
0x15: {  	s13 =	sadd.s32 s19, s15;
	s14 =	sadd.s32 s4, s21;
	s15 =	sadd.s32 s19, s21  }
0x16: {  	s26 =	sadd.s32 s30, s19;
	s21 =	simm.s32 $0x14088;
	s23 =	simm.s32 $0x1  }
0x17: {  	v0 =	vimm.f32 $0.0e+00;
	[dreg:$0x7] =	wrdreg s25;
	s25 =	sadd.s32 s30, s4;
	s4 =	simm.s32 $0x50  }
.LBB2_1:
0x18: {  	s19 =	sand.u32 $0x3FE00, s3  }
0x19: {  	s20 =	sand.u32 $0x70, s3;
	s24 =	sshrl.u32 s19, $0x2  }
0x1a: {  	s19 =	simm.s32 $0x40;
	s24 =	sor.u32 s20, s24;
	s20 =	simm.s32 $0x0  }
.LBB2_2:
0x1b: {  	p1 =	sne.s32 s19, $0x27FC0  }
0x1c: {  	[tilespmem:s24+$0x14088] =	vst v0;
	s20 =	sadd.s32 $0x10, s20;
	s24 =	smov.u32 s19;
	s19 =	sadd.s32 $0x40, s19  }
.Ltmp0:
0x1d: {  	(pc) =	sbr.rel @p1 .LBB2_2-.Ltmp0, $4  }
0x1e: {  	_ = 	snop  }
0x1f: {  	s24 =	sand.u32 $0x3FE00, s24  }
0x20: {  	s30 =	sand.u32 $0x70, s20;
	s24 =	sshrl.u32 s24, $0x2  }
0x21: {  	s24 =	sor.u32 s30, s24  }
0x22: {  	[tilespmem:s24+$0x14088] =	vst v0  }
0x23: {  	[spmem:s5] =	stream.linear.scatter [tilespmem:s21], [sflag:$0x3], $0xA000, $0x38;
	[tilespmem:$0x1E088] =	vst v63  }
0x24: {  	_ =	swait.ge [sflag:s22], $0xA000  }
0x25: {  	[sflag:s22] =	ssyncset.done $0x0  }
0x26: {  	s6 =	rddreg [dreg:$0x4];
	[sflag:s22] =	ssyncadd.s32 $0xFFFF6000  }
0x27: {  	[spmem:s6] =	stream.linear.scatter [tilespmem:s21], [sflag:$0x3], $0x9800, $0x38;
	[tilespmem:$0x1E088] =	vst v63  }
0x28: {  	_ =	swait.ge [sflag:s22], $0x9800  }
0x29: {  	[sflag:s22] =	ssyncset.done $0x0  }
0x2a: {  	s19 =	simm.s32 @!p0 $0x14088;
	[sflag:s22] =	ssyncadd.s32 $0xFFFF6800  }
0x2b: {  	[spmem:s7] =	stream.linear.scatter @!p0 [tilespmem:s19], [sflag:$0x3], $0x880, $0x38;
	[tilespmem:$0x1E088] =	vst v63  }
0x2c: {  	s19 =	simm.s32 @!p0 $0x3  }
0x2d: {  	_ =	swait.ge @!p0 [sflag:s19], $0x880  }
0x2e: {  	[sflag:s19] =	ssyncset.done @!p0 $0x0  }
0x2f: {  	[sflag:s19] =	ssyncadd.s32 @!p0 $0xFFFFF780  }
0x30: {  	[bflag:$0x0] =	sbarrier.arrive $0xFFFF  }
0x31: {  	s8 =	simm.s32 $0x13888;
	s19 =	rddreg [dreg:$0x5]  }
0x32: {  	[tilespmem:s8], [sflag:$0x2] =	stream.linear.gather [hbm4b:s19+s3], $0x50, $0x38;
	[tilespmem:$0x1E088] =	vst v63  }
0x33: {  	s24 =	simm.s32 $0x13C88;
	s20 =	rddreg [dreg:$0x6]  }
0x34: {  	[tilespmem:s24], [sflag:$0x2] =	stream.linear.gather [hbm4b:s20+s3], $0x50, $0x38;
	[tilespmem:$0x1E088] =	vst v63  }
0x35: {  	s10 =	simm.s32 $0x13908;
	s9 =	rddreg [dreg:$0x7]  }
0x36: {  	[tilespmem:s10], [sflag:$0x2] =	stream.linear.gather [hbm4b:s9+s3], $0x50, $0x38;
	[tilespmem:$0x1E088] =	vst v63  }
0x37: {  	s19 =	simm.s32 $0x13D08  }
0x38: {  	[tilespmem:s19], [sflag:$0x2] =	stream.linear.gather [hbm4b:s11+s3], $0x50, $0x38;
	[tilespmem:$0x1E088] =	vst v63  }
0x39: {  	s20 =	simm.s32 $0x13988  }
0x3a: {  	[tilespmem:s20], [sflag:$0x2] =	stream.linear.gather [hbm4b:s12+s3], $0x50, $0x38;
	[tilespmem:$0x1E088] =	vst v63  }
0x3b: {  	_ = 	snop  }
0x3c: {  	[tilespmem:s29], [sflag:$0x2] =	stream.linear.gather [hbm4b:s13+s3], $0x50, $0x38;
	[tilespmem:$0x1E088] =	vst v63  }
0x3d: {  	s30 =	simm.s32 $0xFFFFFE80;
	s24 =	simm.s32 $0x13A08  }
0x3e: {  	[tilespmem:s24], [sflag:$0x2] =	stream.linear.gather [hbm4b:s14+s3], $0x50, $0x38;
	[tilespmem:$0x1E088] =	vst v63  }
0x3f: {  	s19 =	smov.u32 s26;
	s20 =	smov.u32 s25;
	s24 =	simm.s32 $0xFFFFFFFD  }
0x40: {  	[tilespmem:s31], [sflag:$0x2] =	stream.linear.gather [hbm4b:s15+s3], $0x50, $0x38;
	[tilespmem:$0x1E088] =	vst v63  }
.LBB2_4:
0x41: {  	s6 =	sadd.s32 $0x3, s24;
	_ =	swait.ge [sflag:s0], $0x50  }
0x42: {  	[sflag:s0] =	ssyncset.done $0x0;
	s8 =	sand.u32 $0x3, s6  }
0x43: {  	s9 =	sadd.s32 $0x180, s30;
	[sflag:s0] =	ssyncadd.s32 $0xFFFFFFB0;
	s8 =	smul.u32 $0xA000, s8  }
0x44: {  	s9 =	sand.u32 $0x380, s9;
	_ =	swait.ge [sflag:s0], $0x50  }
0x45: {  	p1 =	slt.u32 s6, $0x3;
	[sflag:s0] =	ssyncset.done $0x0;
	s8 =	sshrl.u32 s8, $0x2  }
0x46: {  	s9 =	sadd.s32 $0x13888, s9;
	[sflag:s0] =	ssyncadd.s32 $0xFFFFFFB0;
	s8 =	sadd.s32 $0x14088, s8  }
0x47: {  	[tilespmem:s8], [sflag:$0x1] =	stream.indirect.gather [hbm4b:s1+s4], $0x80, s9, s4, $0xb8;
	[tilespmem:$0x1E088] =	vst v63  }
0x48: {  	s8 =	sand.u32 @!p1 $0x3, s24;
	s9 =	simm.s32 @!p1 $0x1  }
0x49: {  	s8 =	smul.u32 @!p1 $0xA000, s8;
	_ =	swait.ge @!p1 [sflag:s9], $0x2800  }
0x4a: {  	[sflag:s9] =	ssyncset.done @!p1 $0x0  }
0x4b: {  	s10 =	sand.u32 @!p1 $0x380, s30;
	s8 =	sshrl.u32 @!p1 s8, $0x2;
	[sflag:s9] =	ssyncadd.s32 @!p1 $0xFFFFD800  }
0x4c: {  	s9 =	sadd.s32 @!p1 $0x13C88, s10;
	s10 =	simm.s32 @!p1 $0x50;
	s8 =	sadd.s32 @!p1 $0x14088, s8  }
0x4d: {  	[spmem:s2] =	stream.indirect.scatter.add.f32 @!p1 [tilespmem:s8], [sflag:$0x3], $0x80, s9, s10, $0xb8;
	[tilespmem:$0x1E088] =	vst v63  }
0x4e: {  	p2 =	sgt.u32 @!p1 s6, $0x78;
	s8 =	simm.s32 @!p1 $0x3  }
0x4f: {  	p2 =	por p1, !p2;
	_ =	swait.ge @!p1 [sflag:s8], $0x2800  }
0x50: {  	s6 =	sadd.s32 @p2 $0x380, s30;
	s30 =	sadd.s32 $0x80, s30;
	[sflag:s8] =	ssyncset.done @!p1 $0x0  }
0x51: {  	s6 =	sand.u32 @p2 $0x380, s6;
	[sflag:s8] =	ssyncadd.s32 @!p1 $0xFFFFD800;
	p1 =	sne.s32 s30, $0x3D00  }
.Ltmp1:
0x52: {  	s8 =	sadd.s32 @p2 $0x13888, s6;
	(pc) =	sbr.rel @p1 .LBB2_4-.Ltmp1, $4  }
0x53: {  	[tilespmem:s8], [sflag:$0x2] =	stream.linear.gather @p2 [hbm4b:s20+s3], $0x50, $0x38;
	[tilespmem:$0x1E088] =	vst v63  }
0x54: {  	s6 =	sadd.s32 @p2 $0x13C88, s6  }
0x55: {  	[tilespmem:s6], [sflag:$0x2] =	stream.linear.gather @p2 [hbm4b:s19+s3], $0x50, $0x38;
	[tilespmem:$0x1E088] =	vst v63  }
0x56: {  	s24 =	sadd.s32 $0x1, s24;
	s20 =	sadd.s32 $0xA, s20;
	s19 =	sadd.s32 $0xA, s19  }
0x57: {  	_ =	swait.ge [sflag:s23], $0x2800  }
0x58: {  	[sflag:s23] =	ssyncset.done $0x0  }
0x59: {  	s6 =	simm.s32 $0x19088;
	[sflag:s23] =	ssyncadd.s32 $0xFFFFD800  }
0x5a: {  	[spmem:s2] =	stream.indirect.scatter.add.f32 [tilespmem:s6], [sflag:$0x3], $0x80, s29, s4, $0xb8;
	[tilespmem:$0x1E088] =	vst v63  }
0x5b: {  	_ =	swait.ge [sflag:s22], $0x2800  }
0x5c: {  	[sflag:s22] =	ssyncset.done $0x0  }
0x5d: {  	[sflag:s22] =	ssyncadd.s32 $0xFFFFD800  }
0x5e: {  	_ =	swait.ge [sflag:s23], $0x2800  }
0x5f: {  	[sflag:s23] =	ssyncset.done $0x0  }
0x60: {  	s20 =	simm.s32 $0x1B888;
	[sflag:s23] =	ssyncadd.s32 $0xFFFFD800  }
0x61: {  	[spmem:s2] =	stream.indirect.scatter.add.f32 [tilespmem:s20], [sflag:$0x3], $0x80, s31, s4, $0xb8;
	[tilespmem:$0x1E088] =	vst v63  }
0x62: {  	_ =	swait.ge [sflag:s22], $0x2800  }
0x63: {  	[sflag:s22] =	ssyncset.done $0x0  }
0x64: {  	[sflag:s22] =	ssyncadd.s32 $0xFFFFD800  }
0x65: {  	_ =	swait.ge [sflag:s23], $0x2800  }
0x66: {  	[sflag:s23] =	ssyncset.done $0x0  }
0x67: {  	s24 =	simm.s32 $0x13E88;
	[sflag:s23] =	ssyncadd.s32 $0xFFFFD800  }
0x68: {  	[spmem:s2] =	stream.indirect.scatter.add.f32 [tilespmem:s21], [sflag:$0x3], $0x80, s24, s4, $0xb8;
	[tilespmem:$0x1E088] =	vst v63  }
0x69: {  	_ =	swait.ge [sflag:s22], $0x2800  }
0x6a: {  	s30 =	stileid.u32;
	[sflag:s22] =	ssyncset.done $0x0  }
0x6b: {  	s6 =	sshll.u32 s30, $0x6;
	[sflag:s22] =	ssyncadd.s32 $0xFFFFD800  }
0x6c: {  	s8 =	sshrl.u32 s5, $0x3;
	s6 =	sor.u32 $0x1C03, s6;
	[bflag:$0x0] =	sbarrier.arrive $0xFFFF  }
0x6d: {  	[hbm:s16], [sflag:s6] =	dma.local [spmem:s8], $0x2700  }
0x6e: {  	_ =	swait.ge [sflag:s22], $0x2700  }
0x6f: {  	s28 =	sadd.s32 $0x1, s28;
	[sflag:s22] =	ssyncset.done $0x0  }
0x70: {  	p1 =	sne.s32 s28, s18;
	s8 =	sshrl.u32 @!p0 s7, $0x3;
	[sflag:s22] =	ssyncadd.s32 $0xFFFFD900  }
0x71: {  	[hbm:s17], [sflag:s6] =	dma.local @!p0 [spmem:s8], $0x100  }
.Ltmp2:
0x72: {  	_ = 	snop;
	(pc) =	sbr.rel @p1 .LBB2_1-.Ltmp2, $4  }
0x73: {  	s6 =	simm.s32 @!p0 $0x3  }
0x74: {  	_ =	swait.ge @!p0 [sflag:s6], $0x100  }
0x75: {  	[sflag:s6] =	ssyncset.done @!p0 $0x0  }
0x76: {  	[sflag:s6] =	ssyncadd.s32 @!p0 $0xFFFFFF00  }
0x77: {  	_ =	sfence.sel $0x180000  }
0x78: {  	[bflag:$0x0] =	sbarrier.arrive $0xFFFF  }
0x79: {  	_ =	strace $0x9000004A  }
0x7a: {  	s0 =	stileid.u32;
	[bflag:$0x2] =	sbarrier.arrive $0xFFFF  }
0x7b: {  	p0 =	sne.s32 s0, $0x0;
	s0 =	rddreg [dreg:$0x3]  }
0x7c: {  	s0 =	sadd.s32 @!p0 $0x100000, s0  }
0x7d: {  	[sflag:s0] =	ssyncadd.tile.s32 @!p0 $0x1;
	_ =	shalt  }
.Lfunc_end2:
_tile_overlayer_lowered:
.L_overlay_start_2:
0x7e: {  	(tag) =	ssettag $0x2  }
0x7f: {  	s0 =	rddreg [dreg:$0x0];
	s2 =	stileid.u32  }
0x80: {  	s1 =	rddreg [dreg:$0x1];
	p0 =	sne.s32 s2, $0x0  }
0x81: {  	s3 =	rddreg [dreg:$0x2];
	[bflag:$0x3] =	sbarrier.arrive $0xFFFF;
	s2 =	simm.s32 @!p0 $0x1C03  }
0x82: {  	[timem:s3], [sflag:s2] =	dma.local @!p0 [hbm:s0], s1  }
0x83: {  	s0 =	simm.s32 @!p0 $0x3  }
0x84: {  	_ =	swait.ge @!p0 [sflag:s0], s1  }
0x85: {  	s1 =	ssub.s32 @!p0 $0x0, s1;
	[sflag:s0] =	ssyncset.done @!p0 $0x0  }
0x86: {  	[sflag:s0] =	ssyncadd.s32 @!p0 s1  }
0x87: {  	[bflag:$0x3] =	sbarrier.arrive $0xFFFF  }
0x88: {  	_ =	shalt  }

</sc_bundles>
